<compile_context>
chip_gen: v7x
topology: tpu7x:2x2x1
jax: 0.10.2.dev20260603
libtpu: 0.0.44.dev20260713+nightly
codegen_flags: <defaults>
</compile_context>

<pallas_src>
import functools

import jax
import jax.numpy as jnp
from jax import lax
from jax.experimental import pallas as pl
from jax.experimental.pallas import tpu as pltpu
from jax.experimental.pallas import tpu_sc as plsc

_CHUNK_ROWS = 128
_NBUF = 8
_IN_LEAD = 7


def _make_sc_copy(seq, dim, dtype):
    info = plsc.get_sparse_core_info()
    nc = info.num_cores
    rows_per_w = seq // nc
    chunk = _CHUNK_ROWS
    nbuf = _NBUF
    nchunk = rows_per_w // chunk
    mesh = plsc.ScalarSubcoreMesh(axis_name="c", num_cores=nc)

    @functools.partial(
        pl.kernel,
        mesh=mesh,
        out_type=jax.ShapeDtypeStruct((1, seq, dim), dtype),
        scratch_types=[
            pltpu.VMEM_SHARED((nbuf, chunk, dim), dtype),
            pltpu.SemaphoreType.DMA((nbuf,)),
            pltpu.SemaphoreType.DMA((nbuf,)),
        ],
    )
    def sc_copy(w_hbm, out_hbm, buf, in_sems, out_sems):
        base = lax.axis_index("c") * rows_per_w

        def in_copy(i, slot):
            return pltpu.make_async_copy(
                w_hbm.at[pl.ds(base + i * chunk, chunk)],
                buf.at[slot],
                in_sems.at[slot],
            )

        def out_copy(i, slot):
            return pltpu.make_async_copy(
                buf.at[slot],
                out_hbm.at[0, pl.ds(base + i * chunk, chunk)],
                out_sems.at[slot],
            )

        lead = _IN_LEAD
        for j in range(min(lead, nchunk)):
            in_copy(j, j % nbuf).start()
        for i in range(nchunk):
            slot = i % nbuf
            in_copy(i, slot).wait()
            out_copy(i, slot).start()
            k = i + lead
            if k < nchunk:
                kslot = k % nbuf
                if k - nbuf >= 0:
                    out_copy(k - nbuf, kslot).wait()
                in_copy(k, kslot).start()
        for i in range(max(0, nchunk - nbuf), nchunk):
            out_copy(i, i % nbuf).wait()

    return sc_copy


def kernel(x, embedding_weight):
    seq = x.shape[1]
    dim = embedding_weight.shape[1]
    return _make_sc_copy(seq, dim, embedding_weight.dtype)(embedding_weight[:seq])

# --- scband reference (transcript-rebuilt; emitter-appended) ---
"""Pipeline reference for scband-positional-embedding-52037823759005 (READ-ONLY COPY).

The authoritative reference and input builder live on the scoring server;
editing this copy changes nothing except your own understanding.
"""

import jax, jax.numpy as jnp
import numpy as np

EMBED_DIM = 1024
MAX_LEN = 8192

def setup_inputs(seed: int = 0) -> dict:
    key = jax.random.key(seed)
    k_x, k_w = jax.random.split(key)
    x = jax.random.normal(k_x, (4, 8192, 1024), dtype=jnp.float32)
    # nn.Embedding weight initialized with normal std=0.02 (init_weights)
    embedding_weight = jax.random.normal(k_w, (MAX_LEN, EMBED_DIM), dtype=jnp.float32) * 0.02
    return {"x": x, "embedding_weight": embedding_weight}

def reference(x, embedding_weight):
    # pos = torch.arange(x.shape[1]); return self.embedding(pos)[None, :, :]
    pos = jnp.arange(x.shape[1])
    out = jnp.take(embedding_weight, pos, axis=0)
    return out[None, :, :]

if __name__ == "__main__":
    import jax
    _d = setup_inputs()
    print(jax.jit(kernel)(*tuple(_d.values())))

</pallas_src>

<mosaic_0001>
#map = affine_map<(d0) -> (0, 0)>
#map1 = affine_map<(d0) -> (0, 0, 0)>
module attributes {stable_mosaic.version = 14 : i64} {
  func.func @sc_copy(%arg0: i32, %arg1: memref<8192x1024xf32, #tpu.memory_space<hbm>>, %arg2: memref<1x8192x1024xf32, #tpu.memory_space<hbm>>, %arg3: memref<8x128x1024xf32, #tpu.memory_space<vmem_shared>>, %arg4: memref<8x!tpu.dma_semaphore, #tpu.memory_space<semaphore_mem>>, %arg5: memref<8x!tpu.dma_semaphore, #tpu.memory_space<semaphore_mem>>) attributes {dimension_semantics = [#tpu.dimension_semantics<core_parallel>], iteration_bounds = array<i64: 2>, scalar_prefetch = 0 : i64, scratch_operands = 3 : i64, tpu.core_type = #tpu.core_type<sc_scalar_subcore>, window_params = [{transform_indices = #map}, {transform_indices = #map1}]} {
    %mul3A = arith.constant 4096 : i32
    %mul3A_0 = arith.muli %arg0, %mul3A : i32
    %add3A = arith.constant 0 : i32
    %add3A_1 = arith.addi %mul3A_0, %add3A : i32
    %dma_start3A = arith.constant 0 : i32
    %dma_start3A_2 = arith.constant 0 : i32
    %dma_start3A_3 = tpu.memref_slice %arg4[%dma_start3A_2] : memref<8x!tpu.dma_semaphore, #tpu.memory_space<semaphore_mem>> -> memref<1x!tpu.dma_semaphore, #tpu.memory_space<semaphore_mem>>
    %dma_start3A_4 = tpu.memref_squeeze %dma_start3A_3 : memref<1x!tpu.dma_semaphore, #tpu.memory_space<semaphore_mem>> -> memref<!tpu.dma_semaphore, #tpu.memory_space<semaphore_mem>>
    %dma_start3A_5 = arith.constant 0 : i32
    %dma_start3A_6 = arith.constant 0 : i32
    %dma_start3A_7 = tpu.memref_slice %arg3[%dma_start3A, %dma_start3A_5, %dma_start3A_6] : memref<8x128x1024xf32, #tpu.memory_space<vmem_shared>> -> memref<1x128x1024xf32, #tpu.memory_space<vmem_shared>>
    %dma_start3A_8 = tpu.memref_squeeze %dma_start3A_7 : memref<1x128x1024xf32, #tpu.memory_space<vmem_shared>> -> memref<128x1024xf32, #tpu.memory_space<vmem_shared>>
    %dma_start3A_9 = arith.constant 0 : i32
    %dma_start3A_10 = tpu.memref_slice %arg1[%add3A_1, %dma_start3A_9] : memref<8192x1024xf32, #tpu.memory_space<hbm>> -> memref<128x1024xf32, #tpu.memory_space<hbm>>
    tpu.enqueue_dma source(%dma_start3A_10 : memref<128x1024xf32, #tpu.memory_space<hbm>>) target(%dma_start3A_8 : memref<128x1024xf32, #tpu.memory_space<vmem_shared>>) target_semaphore(%dma_start3A_4 : memref<!tpu.dma_semaphore, #tpu.memory_space<semaphore_mem>>)
    %add3A_11 = arith.constant 128 : i32
    %add3A_12 = arith.addi %mul3A_0, %add3A_11 : i32
    %dma_start3A_13 = arith.constant 1 : i32
    %dma_start3A_14 = arith.constant 1 : i32
    %dma_start3A_15 = tpu.memref_slice %arg4[%dma_start3A_14] : memref<8x!tpu.dma_semaphore, #tpu.memory_space<semaphore_mem>> -> memref<1x!tpu.dma_semaphore, #tpu.memory_space<semaphore_mem>>
    %dma_start3A_16 = tpu.memref_squeeze %dma_start3A_15 : memref<1x!tpu.dma_semaphore, #tpu.memory_space<semaphore_mem>> -> memref<!tpu.dma_semaphore, #tpu.memory_space<semaphore_mem>>
    %dma_start3A_17 = arith.constant 0 : i32
    %dma_start3A_18 = arith.constant 0 : i32
    %dma_start3A_19 = tpu.memref_slice %arg3[%dma_start3A_13, %dma_start3A_17, %dma_start3A_18] : memref<8x128x1024xf32, #tpu.memory_space<vmem_shared>> -> memref<1x128x1024xf32, #tpu.memory_space<vmem_shared>>
    %dma_start3A_20 = tpu.memref_squeeze %dma_start3A_19 : memref<1x128x1024xf32, #tpu.memory_space<vmem_shared>> -> memref<128x1024xf32, #tpu.memory_space<vmem_shared>>
    %dma_start3A_21 = arith.constant 0 : i32
    %dma_start3A_22 = tpu.memref_slice %arg1[%add3A_12, %dma_start3A_21] : memref<8192x1024xf32, #tpu.memory_space<hbm>> -> memref<128x1024xf32, #tpu.memory_space<hbm>>
    tpu.enqueue_dma source(%dma_start3A_22 : memref<128x1024xf32, #tpu.memory_space<hbm>>) target(%dma_start3A_20 : memref<128x1024xf32, #tpu.memory_space<vmem_shared>>) target_semaphore(%dma_start3A_16 : memref<!tpu.dma_semaphore, #tpu.memory_space<semaphore_mem>>)
    %add3A_23 = arith.constant 256 : i32
    %add3A_24 = arith.addi %mul3A_0, %add3A_23 : i32
    %dma_start3A_25 = arith.constant 2 : i32
    %dma_start3A_26 = arith.constant 2 : i32
    %dma_start3A_27 = tpu.memref_slice %arg4[%dma_start3A_26] : memref<8x!tpu.dma_semaphore, #tpu.memory_space<semaphore_mem>> -> memref<1x!tpu.dma_semaphore, #tpu.memory_space<semaphore_mem>>
    %dma_start3A_28 = tpu.memref_squeeze %dma_start3A_27 : memref<1x!tpu.dma_semaphore, #tpu.memory_space<semaphore_mem>> -> memref<!tpu.dma_semaphore, #tpu.memory_space<semaphore_mem>>
    %dma_start3A_29 = arith.constant 0 : i32
    %dma_start3A_30 = arith.constant 0 : i32
    %dma_start3A_31 = tpu.memref_slice %arg3[%dma_start3A_25, %dma_start3A_29, %dma_start3A_30] : memref<8x128x1024xf32, #tpu.memory_space<vmem_shared>> -> memref<1x128x1024xf32, #tpu.memory_space<vmem_shared>>
    %dma_start3A_32 = tpu.memref_squeeze %dma_start3A_31 : memref<1x128x1024xf32, #tpu.memory_space<vmem_shared>> -> memref<128x1024xf32, #tpu.memory_space<vmem_shared>>
    %dma_start3A_33 = arith.constant 0 : i32
    %dma_start3A_34 = tpu.memref_slice %arg1[%add3A_24, %dma_start3A_33] : memref<8192x1024xf32, #tpu.memory_space<hbm>> -> memref<128x1024xf32, #tpu.memory_space<hbm>>
    tpu.enqueue_dma source(%dma_start3A_34 : memref<128x1024xf32, #tpu.memory_space<hbm>>) target(%dma_start3A_32 : memref<128x1024xf32, #tpu.memory_space<vmem_shared>>) target_semaphore(%dma_start3A_28 : memref<!tpu.dma_semaphore, #tpu.memory_space<semaphore_mem>>)
    %add3A_35 = arith.constant 384 : i32
    %add3A_36 = arith.addi %mul3A_0, %add3A_35 : i32
    %dma_start3A_37 = arith.constant 3 : i32
    %dma_start3A_38 = arith.constant 3 : i32
    %dma_start3A_39 = tpu.memref_slice %arg4[%dma_start3A_38] : memref<8x!tpu.dma_semaphore, #tpu.memory_space<semaphore_mem>> -> memref<1x!tpu.dma_semaphore, #tpu.memory_space<semaphore_mem>>
    %dma_start3A_40 = tpu.memref_squeeze %dma_start3A_39 : memref<1x!tpu.dma_semaphore, #tpu.memory_space<semaphore_mem>> -> memref<!tpu.dma_semaphore, #tpu.memory_space<semaphore_mem>>
    %dma_start3A_41 = arith.constant 0 : i32
    %dma_start3A_42 = arith.constant 0 : i32
    %dma_start3A_43 = tpu.memref_slice %arg3[%dma_start3A_37, %dma_start3A_41, %dma_start3A_42] : memref<8x128x1024xf32, #tpu.memory_space<vmem_shared>> -> memref<1x128x1024xf32, #tpu.memory_space<vmem_shared>>
    %dma_start3A_44 = tpu.memref_squeeze %dma_start3A_43 : memref<1x128x1024xf32, #tpu.memory_space<vmem_shared>> -> memref<128x1024xf32, #tpu.memory_space<vmem_shared>>
    %dma_start3A_45 = arith.constant 0 : i32
    %dma_start3A_46 = tpu.memref_slice %arg1[%add3A_36, %dma_start3A_45] : memref<8192x1024xf32, #tpu.memory_space<hbm>> -> memref<128x1024xf32, #tpu.memory_space<hbm>>
    tpu.enqueue_dma source(%dma_start3A_46 : memref<128x1024xf32, #tpu.memory_space<hbm>>) target(%dma_start3A_44 : memref<128x1024xf32, #tpu.memory_space<vmem_shared>>) target_semaphore(%dma_start3A_40 : memref<!tpu.dma_semaphore, #tpu.memory_space<semaphore_mem>>)
    %add3A_47 = arith.constant 512 : i32
    %add3A_48 = arith.addi %mul3A_0, %add3A_47 : i32
    %dma_start3A_49 = arith.constant 4 : i32
    %dma_start3A_50 = arith.constant 4 : i32
    %dma_start3A_51 = tpu.memref_slice %arg4[%dma_start3A_50] : memref<8x!tpu.dma_semaphore, #tpu.memory_space<semaphore_mem>> -> memref<1x!tpu.dma_semaphore, #tpu.memory_space<semaphore_mem>>
    %dma_start3A_52 = tpu.memref_squeeze %dma_start3A_51 : memref<1x!tpu.dma_semaphore, #tpu.memory_space<semaphore_mem>> -> memref<!tpu.dma_semaphore, #tpu.memory_space<semaphore_mem>>
    %dma_start3A_53 = arith.constant 0 : i32
    %dma_start3A_54 = arith.constant 0 : i32
    %dma_start3A_55 = tpu.memref_slice %arg3[%dma_start3A_49, %dma_start3A_53, %dma_start3A_54] : memref<8x128x1024xf32, #tpu.memory_space<vmem_shared>> -> memref<1x128x1024xf32, #tpu.memory_space<vmem_shared>>
    %dma_start3A_56 = tpu.memref_squeeze %dma_start3A_55 : memref<1x128x1024xf32, #tpu.memory_space<vmem_shared>> -> memref<128x1024xf32, #tpu.memory_space<vmem_shared>>
    %dma_start3A_57 = arith.constant 0 : i32
    %dma_start3A_58 = tpu.memref_slice %arg1[%add3A_48, %dma_start3A_57] : memref<8192x1024xf32, #tpu.memory_space<hbm>> -> memref<128x1024xf32, #tpu.memory_space<hbm>>
    tpu.enqueue_dma source(%dma_start3A_58 : memref<128x1024xf32, #tpu.memory_space<hbm>>) target(%dma_start3A_56 : memref<128x1024xf32, #tpu.memory_space<vmem_shared>>) target_semaphore(%dma_start3A_52 : memref<!tpu.dma_semaphore, #tpu.memory_space<semaphore_mem>>)
    %add3A_59 = arith.constant 640 : i32
    %add3A_60 = arith.addi %mul3A_0, %add3A_59 : i32
    %dma_start3A_61 = arith.constant 5 : i32
    %dma_start3A_62 = arith.constant 5 : i32
    %dma_start3A_63 = tpu.memref_slice %arg4[%dma_start3A_62] : memref<8x!tpu.dma_semaphore, #tpu.memory_space<semaphore_mem>> -> memref<1x!tpu.dma_semaphore, #tpu.memory_space<semaphore_mem>>
    %dma_start3A_64 = tpu.memref_squeeze %dma_start3A_63 : memref<1x!tpu.dma_semaphore, #tpu.memory_space<semaphore_mem>> -> memref<!tpu.dma_semaphore, #tpu.memory_space<semaphore_mem>>
    %dma_start3A_65 = arith.constant 0 : i32
    %dma_start3A_66 = arith.constant 0 : i32
    %dma_start3A_67 = tpu.memref_slice %arg3[%dma_start3A_61, %dma_start3A_65, %dma_start3A_66] : memref<8x128x1024xf32, #tpu.memory_space<vmem_shared>> -> memref<1x128x1024xf32, #tpu.memory_space<vmem_shared>>
    %dma_start3A_68 = tpu.memref_squeeze %dma_start3A_67 : memref<1x128x1024xf32, #tpu.memory_space<vmem_shared>> -> memref<128x1024xf32, #tpu.memory_space<vmem_shared>>
    %dma_start3A_69 = arith.constant 0 : i32
    %dma_start3A_70 = tpu.memref_slice %arg1[%add3A_60, %dma_start3A_69] : memref<8192x1024xf32, #tpu.memory_space<hbm>> -> memref<128x1024xf32, #tpu.memory_space<hbm>>
    tpu.enqueue_dma source(%dma_start3A_70 : memref<128x1024xf32, #tpu.memory_space<hbm>>) target(%dma_start3A_68 : memref<128x1024xf32, #tpu.memory_space<vmem_shared>>) target_semaphore(%dma_start3A_64 : memref<!tpu.dma_semaphore, #tpu.memory_space<semaphore_mem>>)
    %add3A_71 = arith.constant 768 : i32
    %add3A_72 = arith.addi %mul3A_0, %add3A_71 : i32
    %dma_start3A_73 = arith.constant 6 : i32
    %dma_start3A_74 = arith.constant 6 : i32
    %dma_start3A_75 = tpu.memref_slice %arg4[%dma_start3A_74] : memref<8x!tpu.dma_semaphore, #tpu.memory_space<semaphore_mem>> -> memref<1x!tpu.dma_semaphore, #tpu.memory_space<semaphore_mem>>
    %dma_start3A_76 = tpu.memref_squeeze %dma_start3A_75 : memref<1x!tpu.dma_semaphore, #tpu.memory_space<semaphore_mem>> -> memref<!tpu.dma_semaphore, #tpu.memory_space<semaphore_mem>>
    %dma_start3A_77 = arith.constant 0 : i32
    %dma_start3A_78 = arith.constant 0 : i32
    %dma_start3A_79 = tpu.memref_slice %arg3[%dma_start3A_73, %dma_start3A_77, %dma_start3A_78] : memref<8x128x1024xf32, #tpu.memory_space<vmem_shared>> -> memref<1x128x1024xf32, #tpu.memory_space<vmem_shared>>
    %dma_start3A_80 = tpu.memref_squeeze %dma_start3A_79 : memref<1x128x1024xf32, #tpu.memory_space<vmem_shared>> -> memref<128x1024xf32, #tpu.memory_space<vmem_shared>>
    %dma_start3A_81 = arith.constant 0 : i32
    %dma_start3A_82 = tpu.memref_slice %arg1[%add3A_72, %dma_start3A_81] : memref<8192x1024xf32, #tpu.memory_space<hbm>> -> memref<128x1024xf32, #tpu.memory_space<hbm>>
    tpu.enqueue_dma source(%dma_start3A_82 : memref<128x1024xf32, #tpu.memory_space<hbm>>) target(%dma_start3A_80 : memref<128x1024xf32, #tpu.memory_space<vmem_shared>>) target_semaphore(%dma_start3A_76 : memref<!tpu.dma_semaphore, #tpu.memory_space<semaphore_mem>>)
    %add3A_83 = arith.constant 0 : i32
    %add3A_84 = arith.addi %mul3A_0, %add3A_83 : i32
    %dma_wait3A = arith.constant 0 : i32
    %dma_wait3A_85 = arith.constant 0 : i32
    %dma_wait3A_86 = tpu.memref_slice %arg4[%dma_wait3A_85] : memref<8x!tpu.dma_semaphore, #tpu.memory_space<semaphore_mem>> -> memref<1x!tpu.dma_semaphore, #tpu.memory_space<semaphore_mem>>
    %dma_wait3A_87 = tpu.memref_squeeze %dma_wait3A_86 : memref<1x!tpu.dma_semaphore, #tpu.memory_space<semaphore_mem>> -> memref<!tpu.dma_semaphore, #tpu.memory_space<semaphore_mem>>
    %dma_wait3A_88 = arith.constant 0 : i32
    %dma_wait3A_89 = arith.constant 0 : i32
    %dma_wait3A_90 = tpu.memref_slice %arg3[%dma_wait3A, %dma_wait3A_88, %dma_wait3A_89] : memref<8x128x1024xf32, #tpu.memory_space<vmem_shared>> -> memref<1x128x1024xf32, #tpu.memory_space<vmem_shared>>
    %dma_wait3A_91 = tpu.memref_squeeze %dma_wait3A_90 : memref<1x128x1024xf32, #tpu.memory_space<vmem_shared>> -> memref<128x1024xf32, #tpu.memory_space<vmem_shared>>
    %dma_wait3A_92 = arith.constant 0 : i32
    %dma_wait3A_93 = tpu.memref_slice %arg1[%add3A_84, %dma_wait3A_92] : memref<8192x1024xf32, #tpu.memory_space<hbm>> -> memref<128x1024xf32, #tpu.memory_space<hbm>>
    tpu.wait_dma2 semaphore(%dma_wait3A_87 : memref<!tpu.dma_semaphore, #tpu.memory_space<semaphore_mem>>) src(%dma_wait3A_93 : memref<128x1024xf32, #tpu.memory_space<hbm>>) dst(%dma_wait3A_91 : memref<128x1024xf32, #tpu.memory_space<vmem_shared>>)
    %add3A_94 = arith.constant 0 : i32
    %add3A_95 = arith.addi %mul3A_0, %add3A_94 : i32
    %dma_start3A_96 = arith.constant 0 : i32
    %dma_start3A_97 = arith.constant 0 : i32
    %dma_start3A_98 = arith.constant 0 : i32
    %dma_start3A_99 = tpu.memref_slice %arg5[%dma_start3A_98] : memref<8x!tpu.dma_semaphore, #tpu.memory_space<semaphore_mem>> -> memref<1x!tpu.dma_semaphore, #tpu.memory_space<semaphore_mem>>
    %dma_start3A_100 = tpu.memref_squeeze %dma_start3A_99 : memref<1x!tpu.dma_semaphore, #tpu.memory_space<semaphore_mem>> -> memref<!tpu.dma_semaphore, #tpu.memory_space<semaphore_mem>>
    %dma_start3A_101 = arith.constant 0 : i32
    %dma_start3A_102 = tpu.memref_slice %arg2[%dma_start3A_97, %add3A_95, %dma_start3A_101] : memref<1x8192x1024xf32, #tpu.memory_space<hbm>> -> memref<1x128x1024xf32, #tpu.memory_space<hbm>>
    %dma_start3A_103 = tpu.memref_squeeze %dma_start3A_102 : memref<1x128x1024xf32, #tpu.memory_space<hbm>> -> memref<128x1024xf32, #tpu.memory_space<hbm>>
    %dma_start3A_104 = arith.constant 0 : i32
    %dma_start3A_105 = arith.constant 0 : i32
    %dma_start3A_106 = tpu.memref_slice %arg3[%dma_start3A_96, %dma_start3A_104, %dma_start3A_105] : memref<8x128x1024xf32, #tpu.memory_space<vmem_shared>> -> memref<1x128x1024xf32, #tpu.memory_space<vmem_shared>>
    %dma_start3A_107 = tpu.memref_squeeze %dma_start3A_106 : memref<1x128x1024xf32, #tpu.memory_space<vmem_shared>> -> memref<128x1024xf32, #tpu.memory_space<vmem_shared>>
    tpu.enqueue_dma source(%dma_start3A_107 : memref<128x1024xf32, #tpu.memory_space<vmem_shared>>) target(%dma_start3A_103 : memref<128x1024xf32, #tpu.memory_space<hbm>>) target_semaphore(%dma_start3A_100 : memref<!tpu.dma_semaphore, #tpu.memory_space<semaphore_mem>>)
    %add3A_108 = arith.constant 896 : i32
    %add3A_109 = arith.addi %mul3A_0, %add3A_108 : i32
    %dma_start3A_110 = arith.constant 7 : i32
    %dma_start3A_111 = arith.constant 7 : i32
    %dma_start3A_112 = tpu.memref_slice %arg4[%dma_start3A_111] : memref<8x!tpu.dma_semaphore, #tpu.memory_space<semaphore_mem>> -> memref<1x!tpu.dma_semaphore, #tpu.memory_space<semaphore_mem>>
    %dma_start3A_113 = tpu.memref_squeeze %dma_start3A_112 : memref<1x!tpu.dma_semaphore, #tpu.memory_space<semaphore_mem>> -> memref<!tpu.dma_semaphore, #tpu.memory_space<semaphore_mem>>
    %dma_start3A_114 = arith.constant 0 : i32
    %dma_start3A_115 = arith.constant 0 : i32
    %dma_start3A_116 = tpu.memref_slice %arg3[%dma_start3A_110, %dma_start3A_114, %dma_start3A_115] : memref<8x128x1024xf32, #tpu.memory_space<vmem_shared>> -> memref<1x128x1024xf32, #tpu.memory_space<vmem_shared>>
    %dma_start3A_117 = tpu.memref_squeeze %dma_start3A_116 : memref<1x128x1024xf32, #tpu.memory_space<vmem_shared>> -> memref<128x1024xf32, #tpu.memory_space<vmem_shared>>
    %dma_start3A_118 = arith.constant 0 : i32
    %dma_start3A_119 = tpu.memref_slice %arg1[%add3A_109, %dma_start3A_118] : memref<8192x1024xf32, #tpu.memory_space<hbm>> -> memref<128x1024xf32, #tpu.memory_space<hbm>>
    tpu.enqueue_dma source(%dma_start3A_119 : memref<128x1024xf32, #tpu.memory_space<hbm>>) target(%dma_start3A_117 : memref<128x1024xf32, #tpu.memory_space<vmem_shared>>) target_semaphore(%dma_start3A_113 : memref<!tpu.dma_semaphore, #tpu.memory_space<semaphore_mem>>)
    %add3A_120 = arith.constant 128 : i32
    %add3A_121 = arith.addi %mul3A_0, %add3A_120 : i32
    %dma_wait3A_122 = arith.constant 1 : i32
    %dma_wait3A_123 = arith.constant 1 : i32
    %dma_wait3A_124 = tpu.memref_slice %arg4[%dma_wait3A_123] : memref<8x!tpu.dma_semaphore, #tpu.memory_space<semaphore_mem>> -> memref<1x!tpu.dma_semaphore, #tpu.memory_space<semaphore_mem>>
    %dma_wait3A_125 = tpu.memref_squeeze %dma_wait3A_124 : memref<1x!tpu.dma_semaphore, #tpu.memory_space<semaphore_mem>> -> memref<!tpu.dma_semaphore, #tpu.memory_space<semaphore_mem>>
    %dma_wait3A_126 = arith.constant 0 : i32
    %dma_wait3A_127 = arith.constant 0 : i32
    %dma_wait3A_128 = tpu.memref_slice %arg3[%dma_wait3A_122, %dma_wait3A_126, %dma_wait3A_127] : memref<8x128x1024xf32, #tpu.memory_space<vmem_shared>> -> memref<1x128x1024xf32, #tpu.memory_space<vmem_shared>>
    %dma_wait3A_129 = tpu.memref_squeeze %dma_wait3A_128 : memref<1x128x1024xf32, #tpu.memory_space<vmem_shared>> -> memref<128x1024xf32, #tpu.memory_space<vmem_shared>>
    %dma_wait3A_130 = arith.constant 0 : i32
    %dma_wait3A_131 = tpu.memref_slice %arg1[%add3A_121, %dma_wait3A_130] : memref<8192x1024xf32, #tpu.memory_space<hbm>> -> memref<128x1024xf32, #tpu.memory_space<hbm>>
    tpu.wait_dma2 semaphore(%dma_wait3A_125 : memref<!tpu.dma_semaphore, #tpu.memory_space<semaphore_mem>>) src(%dma_wait3A_131 : memref<128x1024xf32, #tpu.memory_space<hbm>>) dst(%dma_wait3A_129 : memref<128x1024xf32, #tpu.memory_space<vmem_shared>>)
    %add3A_132 = arith.constant 128 : i32
    %add3A_133 = arith.addi %mul3A_0, %add3A_132 : i32
    %dma_start3A_134 = arith.constant 1 : i32
    %dma_start3A_135 = arith.constant 0 : i32
    %dma_start3A_136 = arith.constant 1 : i32
    %dma_start3A_137 = tpu.memref_slice %arg5[%dma_start3A_136] : memref<8x!tpu.dma_semaphore, #tpu.memory_space<semaphore_mem>> -> memref<1x!tpu.dma_semaphore, #tpu.memory_space<semaphore_mem>>
    %dma_start3A_138 = tpu.memref_squeeze %dma_start3A_137 : memref<1x!tpu.dma_semaphore, #tpu.memory_space<semaphore_mem>> -> memref<!tpu.dma_semaphore, #tpu.memory_space<semaphore_mem>>
    %dma_start3A_139 = arith.constant 0 : i32
    %dma_start3A_140 = tpu.memref_slice %arg2[%dma_start3A_135, %add3A_133, %dma_start3A_139] : memref<1x8192x1024xf32, #tpu.memory_space<hbm>> -> memref<1x128x1024xf32, #tpu.memory_space<hbm>>
    %dma_start3A_141 = tpu.memref_squeeze %dma_start3A_140 : memref<1x128x1024xf32, #tpu.memory_space<hbm>> -> memref<128x1024xf32, #tpu.memory_space<hbm>>
    %dma_start3A_142 = arith.constant 0 : i32
    %dma_start3A_143 = arith.constant 0 : i32
    %dma_start3A_144 = tpu.memref_slice %arg3[%dma_start3A_134, %dma_start3A_142, %dma_start3A_143] : memref<8x128x1024xf32, #tpu.memory_space<vmem_shared>> -> memref<1x128x1024xf32, #tpu.memory_space<vmem_shared>>
    %dma_start3A_145 = tpu.memref_squeeze %dma_start3A_144 : memref<1x128x1024xf32, #tpu.memory_space<vmem_shared>> -> memref<128x1024xf32, #tpu.memory_space<vmem_shared>>
    tpu.enqueue_dma source(%dma_start3A_145 : memref<128x1024xf32, #tpu.memory_space<vmem_shared>>) target(%dma_start3A_141 : memref<128x1024xf32, #tpu.memory_space<hbm>>) target_semaphore(%dma_start3A_138 : memref<!tpu.dma_semaphore, #tpu.memory_space<semaphore_mem>>)
    %add3A_146 = arith.constant 0 : i32
    %add3A_147 = arith.addi %mul3A_0, %add3A_146 : i32
    %dma_wait3A_148 = arith.constant 0 : i32
    %dma_wait3A_149 = arith.constant 0 : i32
    %dma_wait3A_150 = arith.constant 0 : i32
    %dma_wait3A_151 = tpu.memref_slice %arg5[%dma_wait3A_150] : memref<8x!tpu.dma_semaphore, #tpu.memory_space<semaphore_mem>> -> memref<1x!tpu.dma_semaphore, #tpu.memory_space<semaphore_mem>>
    %dma_wait3A_152 = tpu.memref_squeeze %dma_wait3A_151 : memref<1x!tpu.dma_semaphore, #tpu.memory_space<semaphore_mem>> -> memref<!tpu.dma_semaphore, #tpu.memory_space<semaphore_mem>>
    %dma_wait3A_153 = arith.constant 0 : i32
    %dma_wait3A_154 = tpu.memref_slice %arg2[%dma_wait3A_149, %add3A_147, %dma_wait3A_153] : memref<1x8192x1024xf32, #tpu.memory_space<hbm>> -> memref<1x128x1024xf32, #tpu.memory_space<hbm>>
    %dma_wait3A_155 = tpu.memref_squeeze %dma_wait3A_154 : memref<1x128x1024xf32, #tpu.memory_space<hbm>> -> memref<128x1024xf32, #tpu.memory_space<hbm>>
    %dma_wait3A_156 = arith.constant 0 : i32
    %dma_wait3A_157 = arith.constant 0 : i32
    %dma_wait3A_158 = tpu.memref_slice %arg3[%dma_wait3A_148, %dma_wait3A_156, %dma_wait3A_157] : memref<8x128x1024xf32, #tpu.memory_space<vmem_shared>> -> memref<1x128x1024xf32, #tpu.memory_space<vmem_shared>>
    %dma_wait3A_159 = tpu.memref_squeeze %dma_wait3A_158 : memref<1x128x1024xf32, #tpu.memory_space<vmem_shared>> -> memref<128x1024xf32, #tpu.memory_space<vmem_shared>>
    tpu.wait_dma2 semaphore(%dma_wait3A_152 : memref<!tpu.dma_semaphore, #tpu.memory_space<semaphore_mem>>) src(%dma_wait3A_159 : memref<128x1024xf32, #tpu.memory_space<vmem_shared>>) dst(%dma_wait3A_155 : memref<128x1024xf32, #tpu.memory_space<hbm>>)
    %add3A_160 = arith.constant 1024 : i32
    %add3A_161 = arith.addi %mul3A_0, %add3A_160 : i32
    %dma_start3A_162 = arith.constant 0 : i32
    %dma_start3A_163 = arith.constant 0 : i32
    %dma_start3A_164 = tpu.memref_slice %arg4[%dma_start3A_163] : memref<8x!tpu.dma_semaphore, #tpu.memory_space<semaphore_mem>> -> memref<1x!tpu.dma_semaphore, #tpu.memory_space<semaphore_mem>>
    %dma_start3A_165 = tpu.memref_squeeze %dma_start3A_164 : memref<1x!tpu.dma_semaphore, #tpu.memory_space<semaphore_mem>> -> memref<!tpu.dma_semaphore, #tpu.memory_space<semaphore_mem>>
    %dma_start3A_166 = arith.constant 0 : i32
    %dma_start3A_167 = arith.constant 0 : i32
    %dma_start3A_168 = tpu.memref_slice %arg3[%dma_start3A_162, %dma_start3A_166, %dma_start3A_167] : memref<8x128x1024xf32, #tpu.memory_space<vmem_shared>> -> memref<1x128x1024xf32, #tpu.memory_space<vmem_shared>>
    %dma_start3A_169 = tpu.memref_squeeze %dma_start3A_168 : memref<1x128x1024xf32, #tpu.memory_space<vmem_shared>> -> memref<128x1024xf32, #tpu.memory_space<vmem_shared>>
    %dma_start3A_170 = arith.constant 0 : i32
    %dma_start3A_171 = tpu.memref_slice %arg1[%add3A_161, %dma_start3A_170] : memref<8192x1024xf32, #tpu.memory_space<hbm>> -> memref<128x1024xf32, #tpu.memory_space<hbm>>
    tpu.enqueue_dma source(%dma_start3A_171 : memref<128x1024xf32, #tpu.memory_space<hbm>>) target(%dma_start3A_169 : memref<128x1024xf32, #tpu.memory_space<vmem_shared>>) target_semaphore(%dma_start3A_165 : memref<!tpu.dma_semaphore, #tpu.memory_space<semaphore_mem>>)
    %add3A_172 = arith.constant 256 : i32
    %add3A_173 = arith.addi %mul3A_0, %add3A_172 : i32
    %dma_wait3A_174 = arith.constant 2 : i32
    %dma_wait3A_175 = arith.constant 2 : i32
    %dma_wait3A_176 = tpu.memref_slice %arg4[%dma_wait3A_175] : memref<8x!tpu.dma_semaphore, #tpu.memory_space<semaphore_mem>> -> memref<1x!tpu.dma_semaphore, #tpu.memory_space<semaphore_mem>>
    %dma_wait3A_177 = tpu.memref_squeeze %dma_wait3A_176 : memref<1x!tpu.dma_semaphore, #tpu.memory_space<semaphore_mem>> -> memref<!tpu.dma_semaphore, #tpu.memory_space<semaphore_mem>>
    %dma_wait3A_178 = arith.constant 0 : i32
    %dma_wait3A_179 = arith.constant 0 : i32
    %dma_wait3A_180 = tpu.memref_slice %arg3[%dma_wait3A_174, %dma_wait3A_178, %dma_wait3A_179] : memref<8x128x1024xf32, #tpu.memory_space<vmem_shared>> -> memref<1x128x1024xf32, #tpu.memory_space<vmem_shared>>
    %dma_wait3A_181 = tpu.memref_squeeze %dma_wait3A_180 : memref<1x128x1024xf32, #tpu.memory_space<vmem_shared>> -> memref<128x1024xf32, #tpu.memory_space<vmem_shared>>
    %dma_wait3A_182 = arith.constant 0 : i32
    %dma_wait3A_183 = tpu.memref_slice %arg1[%add3A_173, %dma_wait3A_182] : memref<8192x1024xf32, #tpu.memory_space<hbm>> -> memref<128x1024xf32, #tpu.memory_space<hbm>>
    tpu.wait_dma2 semaphore(%dma_wait3A_177 : memref<!tpu.dma_semaphore, #tpu.memory_space<semaphore_mem>>) src(%dma_wait3A_183 : memref<128x1024xf32, #tpu.memory_space<hbm>>) dst(%dma_wait3A_181 : memref<128x1024xf32, #tpu.memory_space<vmem_shared>>)
    %add3A_184 = arith.constant 256 : i32
    %add3A_185 = arith.addi %mul3A_0, %add3A_184 : i32
    %dma_start3A_186 = arith.constant 2 : i32
    %dma_start3A_187 = arith.constant 0 : i32
    %dma_start3A_188 = arith.constant 2 : i32
    %dma_start3A_189 = tpu.memref_slice %arg5[%dma_start3A_188] : memref<8x!tpu.dma_semaphore, #tpu.memory_space<semaphore_mem>> -> memref<1x!tpu.dma_semaphore, #tpu.memory_space<semaphore_mem>>
    %dma_start3A_190 = tpu.memref_squeeze %dma_start3A_189 : memref<1x!tpu.dma_semaphore, #tpu.memory_space<semaphore_mem>> -> memref<!tpu.dma_semaphore, #tpu.memory_space<semaphore_mem>>
    %dma_start3A_191 = arith.constant 0 : i32
    %dma_start3A_192 = tpu.memref_slice %arg2[%dma_start3A_187, %add3A_185, %dma_start3A_191] : memref<1x8192x1024xf32, #tpu.memory_space<hbm>> -> memref<1x128x1024xf32, #tpu.memory_space<hbm>>
    %dma_start3A_193 = tpu.memref_squeeze %dma_start3A_192 : memref<1x128x1024xf32, #tpu.memory_space<hbm>> -> memref<128x1024xf32, #tpu.memory_space<hbm>>
    %dma_start3A_194 = arith.constant 0 : i32
    %dma_start3A_195 = arith.constant 0 : i32
    %dma_start3A_196 = tpu.memref_slice %arg3[%dma_start3A_186, %dma_start3A_194, %dma_start3A_195] : memref<8x128x1024xf32, #tpu.memory_space<vmem_shared>> -> memref<1x128x1024xf32, #tpu.memory_space<vmem_shared>>
    %dma_start3A_197 = tpu.memref_squeeze %dma_start3A_196 : memref<1x128x1024xf32, #tpu.memory_space<vmem_shared>> -> memref<128x1024xf32, #tpu.memory_space<vmem_shared>>
    tpu.enqueue_dma source(%dma_start3A_197 : memref<128x1024xf32, #tpu.memory_space<vmem_shared>>) target(%dma_start3A_193 : memref<128x1024xf32, #tpu.memory_space<hbm>>) target_semaphore(%dma_start3A_190 : memref<!tpu.dma_semaphore, #tpu.memory_space<semaphore_mem>>)
    %add3A_198 = arith.constant 128 : i32
    %add3A_199 = arith.addi %mul3A_0, %add3A_198 : i32
    %dma_wait3A_200 = arith.constant 1 : i32
    %dma_wait3A_201 = arith.constant 0 : i32
    %dma_wait3A_202 = arith.constant 1 : i32
    %dma_wait3A_203 = tpu.memref_slice %arg5[%dma_wait3A_202] : memref<8x!tpu.dma_semaphore, #tpu.memory_space<semaphore_mem>> -> memref<1x!tpu.dma_semaphore, #tpu.memory_space<semaphore_mem>>
    %dma_wait3A_204 = tpu.memref_squeeze %dma_wait3A_203 : memref<1x!tpu.dma_semaphore, #tpu.memory_space<semaphore_mem>> -> memref<!tpu.dma_semaphore, #tpu.memory_space<semaphore_mem>>
    %dma_wait3A_205 = arith.constant 0 : i32
    %dma_wait3A_206 = tpu.memref_slice %arg2[%dma_wait3A_201, %add3A_199, %dma_wait3A_205] : memref<1x8192x1024xf32, #tpu.memory_space<hbm>> -> memref<1x128x1024xf32, #tpu.memory_space<hbm>>
    %dma_wait3A_207 = tpu.memref_squeeze %dma_wait3A_206 : memref<1x128x1024xf32, #tpu.memory_space<hbm>> -> memref<128x1024xf32, #tpu.memory_space<hbm>>
    %dma_wait3A_208 = arith.constant 0 : i32
    %dma_wait3A_209 = arith.constant 0 : i32
    %dma_wait3A_210 = tpu.memref_slice %arg3[%dma_wait3A_200, %dma_wait3A_208, %dma_wait3A_209] : memref<8x128x1024xf32, #tpu.memory_space<vmem_shared>> -> memref<1x128x1024xf32, #tpu.memory_space<vmem_shared>>
    %dma_wait3A_211 = tpu.memref_squeeze %dma_wait3A_210 : memref<1x128x1024xf32, #tpu.memory_space<vmem_shared>> -> memref<128x1024xf32, #tpu.memory_space<vmem_shared>>
    tpu.wait_dma2 semaphore(%dma_wait3A_204 : memref<!tpu.dma_semaphore, #tpu.memory_space<semaphore_mem>>) src(%dma_wait3A_211 : memref<128x1024xf32, #tpu.memory_space<vmem_shared>>) dst(%dma_wait3A_207 : memref<128x1024xf32, #tpu.memory_space<hbm>>)
    %add3A_212 = arith.constant 1152 : i32
    %add3A_213 = arith.addi %mul3A_0, %add3A_212 : i32
    %dma_start3A_214 = arith.constant 1 : i32
    %dma_start3A_215 = arith.constant 1 : i32
    %dma_start3A_216 = tpu.memref_slice %arg4[%dma_start3A_215] : memref<8x!tpu.dma_semaphore, #tpu.memory_space<semaphore_mem>> -> memref<1x!tpu.dma_semaphore, #tpu.memory_space<semaphore_mem>>
    %dma_start3A_217 = tpu.memref_squeeze %dma_start3A_216 : memref<1x!tpu.dma_semaphore, #tpu.memory_space<semaphore_mem>> -> memref<!tpu.dma_semaphore, #tpu.memory_space<semaphore_mem>>
    %dma_start3A_218 = arith.constant 0 : i32
    %dma_start3A_219 = arith.constant 0 : i32
    %dma_start3A_220 = tpu.memref_slice %arg3[%dma_start3A_214, %dma_start3A_218, %dma_start3A_219] : memref<8x128x1024xf32, #tpu.memory_space<vmem_shared>> -> memref<1x128x1024xf32, #tpu.memory_space<vmem_shared>>
    %dma_start3A_221 = tpu.memref_squeeze %dma_start3A_220 : memref<1x128x1024xf32, #tpu.memory_space<vmem_shared>> -> memref<128x1024xf32, #tpu.memory_space<vmem_shared>>
    %dma_start3A_222 = arith.constant 0 : i32
    %dma_start3A_223 = tpu.memref_slice %arg1[%add3A_213, %dma_start3A_222] : memref<8192x1024xf32, #tpu.memory_space<hbm>> -> memref<128x1024xf32, #tpu.memory_space<hbm>>
    tpu.enqueue_dma source(%dma_start3A_223 : memref<128x1024xf32, #tpu.memory_space<hbm>>) target(%dma_start3A_221 : memref<128x1024xf32, #tpu.memory_space<vmem_shared>>) target_semaphore(%dma_start3A_217 : memref<!tpu.dma_semaphore, #tpu.memory_space<semaphore_mem>>)
    %add3A_224 = arith.constant 384 : i32
    %add3A_225 = arith.addi %mul3A_0, %add3A_224 : i32
    %dma_wait3A_226 = arith.constant 3 : i32
    %dma_wait3A_227 = arith.constant 3 : i32
    %dma_wait3A_228 = tpu.memref_slice %arg4[%dma_wait3A_227] : memref<8x!tpu.dma_semaphore, #tpu.memory_space<semaphore_mem>> -> memref<1x!tpu.dma_semaphore, #tpu.memory_space<semaphore_mem>>
    %dma_wait3A_229 = tpu.memref_squeeze %dma_wait3A_228 : memref<1x!tpu.dma_semaphore, #tpu.memory_space<semaphore_mem>> -> memref<!tpu.dma_semaphore, #tpu.memory_space<semaphore_mem>>
    %dma_wait3A_230 = arith.constant 0 : i32
    %dma_wait3A_231 = arith.constant 0 : i32
    %dma_wait3A_232 = tpu.memref_slice %arg3[%dma_wait3A_226, %dma_wait3A_230, %dma_wait3A_231] : memref<8x128x1024xf32, #tpu.memory_space<vmem_shared>> -> memref<1x128x1024xf32, #tpu.memory_space<vmem_shared>>
    %dma_wait3A_233 = tpu.memref_squeeze %dma_wait3A_232 : memref<1x128x1024xf32, #tpu.memory_space<vmem_shared>> -> memref<128x1024xf32, #tpu.memory_space<vmem_shared>>
    %dma_wait3A_234 = arith.constant 0 : i32
    %dma_wait3A_235 = tpu.memref_slice %arg1[%add3A_225, %dma_wait3A_234] : memref<8192x1024xf32, #tpu.memory_space<hbm>> -> memref<128x1024xf32, #tpu.memory_space<hbm>>
    tpu.wait_dma2 semaphore(%dma_wait3A_229 : memref<!tpu.dma_semaphore, #tpu.memory_space<semaphore_mem>>) src(%dma_wait3A_235 : memref<128x1024xf32, #tpu.memory_space<hbm>>) dst(%dma_wait3A_233 : memref<128x1024xf32, #tpu.memory_space<vmem_shared>>)
    %add3A_236 = arith.constant 384 : i32
    %add3A_237 = arith.addi %mul3A_0, %add3A_236 : i32
    %dma_start3A_238 = arith.constant 3 : i32
    %dma_start3A_239 = arith.constant 0 : i32
    %dma_start3A_240 = arith.constant 3 : i32
    %dma_start3A_241 = tpu.memref_slice %arg5[%dma_start3A_240] : memref<8x!tpu.dma_semaphore, #tpu.memory_space<semaphore_mem>> -> memref<1x!tpu.dma_semaphore, #tpu.memory_space<semaphore_mem>>
    %dma_start3A_242 = tpu.memref_squeeze %dma_start3A_241 : memref<1x!tpu.dma_semaphore, #tpu.memory_space<semaphore_mem>> -> memref<!tpu.dma_semaphore, #tpu.memory_space<semaphore_mem>>
    %dma_start3A_243 = arith.constant 0 : i32
    %dma_start3A_244 = tpu.memref_slice %arg2[%dma_start3A_239, %add3A_237, %dma_start3A_243] : memref<1x8192x1024xf32, #tpu.memory_space<hbm>> -> memref<1x128x1024xf32, #tpu.memory_space<hbm>>
    %dma_start3A_245 = tpu.memref_squeeze %dma_start3A_244 : memref<1x128x1024xf32, #tpu.memory_space<hbm>> -> memref<128x1024xf32, #tpu.memory_space<hbm>>
    %dma_start3A_246 = arith.constant 0 : i32
    %dma_start3A_247 = arith.constant 0 : i32
    %dma_start3A_248 = tpu.memref_slice %arg3[%dma_start3A_238, %dma_start3A_246, %dma_start3A_247] : memref<8x128x1024xf32, #tpu.memory_space<vmem_shared>> -> memref<1x128x1024xf32, #tpu.memory_space<vmem_shared>>
    %dma_start3A_249 = tpu.memref_squeeze %dma_start3A_248 : memref<1x128x1024xf32, #tpu.memory_space<vmem_shared>> -> memref<128x1024xf32, #tpu.memory_space<vmem_shared>>
    tpu.enqueue_dma source(%dma_start3A_249 : memref<128x1024xf32, #tpu.memory_space<vmem_shared>>) target(%dma_start3A_245 : memref<128x1024xf32, #tpu.memory_space<hbm>>) target_semaphore(%dma_start3A_242 : memref<!tpu.dma_semaphore, #tpu.memory_space<semaphore_mem>>)
    %add3A_250 = arith.constant 256 : i32
    %add3A_251 = arith.addi %mul3A_0, %add3A_250 : i32
    %dma_wait3A_252 = arith.constant 2 : i32
    %dma_wait3A_253 = arith.constant 0 : i32
    %dma_wait3A_254 = arith.constant 2 : i32
    %dma_wait3A_255 = tpu.memref_slice %arg5[%dma_wait3A_254] : memref<8x!tpu.dma_semaphore, #tpu.memory_space<semaphore_mem>> -> memref<1x!tpu.dma_semaphore, #tpu.memory_space<semaphore_mem>>
    %dma_wait3A_256 = tpu.memref_squeeze %dma_wait3A_255 : memref<1x!tpu.dma_semaphore, #tpu.memory_space<semaphore_mem>> -> memref<!tpu.dma_semaphore, #tpu.memory_space<semaphore_mem>>
    %dma_wait3A_257 = arith.constant 0 : i32
    %dma_wait3A_258 = tpu.memref_slice %arg2[%dma_wait3A_253, %add3A_251, %dma_wait3A_257] : memref<1x8192x1024xf32, #tpu.memory_space<hbm>> -> memref<1x128x1024xf32, #tpu.memory_space<hbm>>
    %dma_wait3A_259 = tpu.memref_squeeze %dma_wait3A_258 : memref<1x128x1024xf32, #tpu.memory_space<hbm>> -> memref<128x1024xf32, #tpu.memory_space<hbm>>
    %dma_wait3A_260 = arith.constant 0 : i32
    %dma_wait3A_261 = arith.constant 0 : i32
    %dma_wait3A_262 = tpu.memref_slice %arg3[%dma_wait3A_252, %dma_wait3A_260, %dma_wait3A_261] : memref<8x128x1024xf32, #tpu.memory_space<vmem_shared>> -> memref<1x128x1024xf32, #tpu.memory_space<vmem_shared>>
    %dma_wait3A_263 = tpu.memref_squeeze %dma_wait3A_262 : memref<1x128x1024xf32, #tpu.memory_space<vmem_shared>> -> memref<128x1024xf32, #tpu.memory_space<vmem_shared>>
    tpu.wait_dma2 semaphore(%dma_wait3A_256 : memref<!tpu.dma_semaphore, #tpu.memory_space<semaphore_mem>>) src(%dma_wait3A_263 : memref<128x1024xf32, #tpu.memory_space<vmem_shared>>) dst(%dma_wait3A_259 : memref<128x1024xf32, #tpu.memory_space<hbm>>)
    %add3A_264 = arith.constant 1280 : i32
    %add3A_265 = arith.addi %mul3A_0, %add3A_264 : i32
    %dma_start3A_266 = arith.constant 2 : i32
    %dma_start3A_267 = arith.constant 2 : i32
    %dma_start3A_268 = tpu.memref_slice %arg4[%dma_start3A_267] : memref<8x!tpu.dma_semaphore, #tpu.memory_space<semaphore_mem>> -> memref<1x!tpu.dma_semaphore, #tpu.memory_space<semaphore_mem>>
    %dma_start3A_269 = tpu.memref_squeeze %dma_start3A_268 : memref<1x!tpu.dma_semaphore, #tpu.memory_space<semaphore_mem>> -> memref<!tpu.dma_semaphore, #tpu.memory_space<semaphore_mem>>
    %dma_start3A_270 = arith.constant 0 : i32
    %dma_start3A_271 = arith.constant 0 : i32
    %dma_start3A_272 = tpu.memref_slice %arg3[%dma_start3A_266, %dma_start3A_270, %dma_start3A_271] : memref<8x128x1024xf32, #tpu.memory_space<vmem_shared>> -> memref<1x128x1024xf32, #tpu.memory_space<vmem_shared>>
    %dma_start3A_273 = tpu.memref_squeeze %dma_start3A_272 : memref<1x128x1024xf32, #tpu.memory_space<vmem_shared>> -> memref<128x1024xf32, #tpu.memory_space<vmem_shared>>
    %dma_start3A_274 = arith.constant 0 : i32
    %dma_start3A_275 = tpu.memref_slice %arg1[%add3A_265, %dma_start3A_274] : memref<8192x1024xf32, #tpu.memory_space<hbm>> -> memref<128x1024xf32, #tpu.memory_space<hbm>>
    tpu.enqueue_dma source(%dma_start3A_275 : memref<128x1024xf32, #tpu.memory_space<hbm>>) target(%dma_start3A_273 : memref<128x1024xf32, #tpu.memory_space<vmem_shared>>) target_semaphore(%dma_start3A_269 : memref<!tpu.dma_semaphore, #tpu.memory_space<semaphore_mem>>)
    %add3A_276 = arith.constant 512 : i32
    %add3A_277 = arith.addi %mul3A_0, %add3A_276 : i32
    %dma_wait3A_278 = arith.constant 4 : i32
    %dma_wait3A_279 = arith.constant 4 : i32
    %dma_wait3A_280 = tpu.memref_slice %arg4[%dma_wait3A_279] : memref<8x!tpu.dma_semaphore, #tpu.memory_space<semaphore_mem>> -> memref<1x!tpu.dma_semaphore, #tpu.memory_space<semaphore_mem>>
    %dma_wait3A_281 = tpu.memref_squeeze %dma_wait3A_280 : memref<1x!tpu.dma_semaphore, #tpu.memory_space<semaphore_mem>> -> memref<!tpu.dma_semaphore, #tpu.memory_space<semaphore_mem>>
    %dma_wait3A_282 = arith.constant 0 : i32
    %dma_wait3A_283 = arith.constant 0 : i32
    %dma_wait3A_284 = tpu.memref_slice %arg3[%dma_wait3A_278, %dma_wait3A_282, %dma_wait3A_283] : memref<8x128x1024xf32, #tpu.memory_space<vmem_shared>> -> memref<1x128x1024xf32, #tpu.memory_space<vmem_shared>>
    %dma_wait3A_285 = tpu.memref_squeeze %dma_wait3A_284 : memref<1x128x1024xf32, #tpu.memory_space<vmem_shared>> -> memref<128x1024xf32, #tpu.memory_space<vmem_shared>>
    %dma_wait3A_286 = arith.constant 0 : i32
    %dma_wait3A_287 = tpu.memref_slice %arg1[%add3A_277, %dma_wait3A_286] : memref<8192x1024xf32, #tpu.memory_space<hbm>> -> memref<128x1024xf32, #tpu.memory_space<hbm>>
    tpu.wait_dma2 semaphore(%dma_wait3A_281 : memref<!tpu.dma_semaphore, #tpu.memory_space<semaphore_mem>>) src(%dma_wait3A_287 : memref<128x1024xf32, #tpu.memory_space<hbm>>) dst(%dma_wait3A_285 : memref<128x1024xf32, #tpu.memory_space<vmem_shared>>)
    %add3A_288 = arith.constant 512 : i32
    %add3A_289 = arith.addi %mul3A_0, %add3A_288 : i32
    %dma_start3A_290 = arith.constant 4 : i32
    %dma_start3A_291 = arith.constant 0 : i32
    %dma_start3A_292 = arith.constant 4 : i32
    %dma_start3A_293 = tpu.memref_slice %arg5[%dma_start3A_292] : memref<8x!tpu.dma_semaphore, #tpu.memory_space<semaphore_mem>> -> memref<1x!tpu.dma_semaphore, #tpu.memory_space<semaphore_mem>>
    %dma_start3A_294 = tpu.memref_squeeze %dma_start3A_293 : memref<1x!tpu.dma_semaphore, #tpu.memory_space<semaphore_mem>> -> memref<!tpu.dma_semaphore, #tpu.memory_space<semaphore_mem>>
    %dma_start3A_295 = arith.constant 0 : i32
    %dma_start3A_296 = tpu.memref_slice %arg2[%dma_start3A_291, %add3A_289, %dma_start3A_295] : memref<1x8192x1024xf32, #tpu.memory_space<hbm>> -> memref<1x128x1024xf32, #tpu.memory_space<hbm>>
    %dma_start3A_297 = tpu.memref_squeeze %dma_start3A_296 : memref<1x128x1024xf32, #tpu.memory_space<hbm>> -> memref<128x1024xf32, #tpu.memory_space<hbm>>
    %dma_start3A_298 = arith.constant 0 : i32
    %dma_start3A_299 = arith.constant 0 : i32
    %dma_start3A_300 = tpu.memref_slice %arg3[%dma_start3A_290, %dma_start3A_298, %dma_start3A_299] : memref<8x128x1024xf32, #tpu.memory_space<vmem_shared>> -> memref<1x128x1024xf32, #tpu.memory_space<vmem_shared>>
    %dma_start3A_301 = tpu.memref_squeeze %dma_start3A_300 : memref<1x128x1024xf32, #tpu.memory_space<vmem_shared>> -> memref<128x1024xf32, #tpu.memory_space<vmem_shared>>
    tpu.enqueue_dma source(%dma_start3A_301 : memref<128x1024xf32, #tpu.memory_space<vmem_shared>>) target(%dma_start3A_297 : memref<128x1024xf32, #tpu.memory_space<hbm>>) target_semaphore(%dma_start3A_294 : memref<!tpu.dma_semaphore, #tpu.memory_space<semaphore_mem>>)
    %add3A_302 = arith.constant 384 : i32
    %add3A_303 = arith.addi %mul3A_0, %add3A_302 : i32
    %dma_wait3A_304 = arith.constant 3 : i32
    %dma_wait3A_305 = arith.constant 0 : i32
    %dma_wait3A_306 = arith.constant 3 : i32
    %dma_wait3A_307 = tpu.memref_slice %arg5[%dma_wait3A_306] : memref<8x!tpu.dma_semaphore, #tpu.memory_space<semaphore_mem>> -> memref<1x!tpu.dma_semaphore, #tpu.memory_space<semaphore_mem>>
    %dma_wait3A_308 = tpu.memref_squeeze %dma_wait3A_307 : memref<1x!tpu.dma_semaphore, #tpu.memory_space<semaphore_mem>> -> memref<!tpu.dma_semaphore, #tpu.memory_space<semaphore_mem>>
    %dma_wait3A_309 = arith.constant 0 : i32
    %dma_wait3A_310 = tpu.memref_slice %arg2[%dma_wait3A_305, %add3A_303, %dma_wait3A_309] : memref<1x8192x1024xf32, #tpu.memory_space<hbm>> -> memref<1x128x1024xf32, #tpu.memory_space<hbm>>
    %dma_wait3A_311 = tpu.memref_squeeze %dma_wait3A_310 : memref<1x128x1024xf32, #tpu.memory_space<hbm>> -> memref<128x1024xf32, #tpu.memory_space<hbm>>
    %dma_wait3A_312 = arith.constant 0 : i32
    %dma_wait3A_313 = arith.constant 0 : i32
    %dma_wait3A_314 = tpu.memref_slice %arg3[%dma_wait3A_304, %dma_wait3A_312, %dma_wait3A_313] : memref<8x128x1024xf32, #tpu.memory_space<vmem_shared>> -> memref<1x128x1024xf32, #tpu.memory_space<vmem_shared>>
    %dma_wait3A_315 = tpu.memref_squeeze %dma_wait3A_314 : memref<1x128x1024xf32, #tpu.memory_space<vmem_shared>> -> memref<128x1024xf32, #tpu.memory_space<vmem_shared>>
    tpu.wait_dma2 semaphore(%dma_wait3A_308 : memref<!tpu.dma_semaphore, #tpu.memory_space<semaphore_mem>>) src(%dma_wait3A_315 : memref<128x1024xf32, #tpu.memory_space<vmem_shared>>) dst(%dma_wait3A_311 : memref<128x1024xf32, #tpu.memory_space<hbm>>)
    %add3A_316 = arith.constant 1408 : i32
    %add3A_317 = arith.addi %mul3A_0, %add3A_316 : i32
    %dma_start3A_318 = arith.constant 3 : i32
    %dma_start3A_319 = arith.constant 3 : i32
    %dma_start3A_320 = tpu.memref_slice %arg4[%dma_start3A_319] : memref<8x!tpu.dma_semaphore, #tpu.memory_space<semaphore_mem>> -> memref<1x!tpu.dma_semaphore, #tpu.memory_space<semaphore_mem>>
    %dma_start3A_321 = tpu.memref_squeeze %dma_start3A_320 : memref<1x!tpu.dma_semaphore, #tpu.memory_space<semaphore_mem>> -> memref<!tpu.dma_semaphore, #tpu.memory_space<semaphore_mem>>
    %dma_start3A_322 = arith.constant 0 : i32
    %dma_start3A_323 = arith.constant 0 : i32
    %dma_start3A_324 = tpu.memref_slice %arg3[%dma_start3A_318, %dma_start3A_322, %dma_start3A_323] : memref<8x128x1024xf32, #tpu.memory_space<vmem_shared>> -> memref<1x128x1024xf32, #tpu.memory_space<vmem_shared>>
    %dma_start3A_325 = tpu.memref_squeeze %dma_start3A_324 : memref<1x128x1024xf32, #tpu.memory_space<vmem_shared>> -> memref<128x1024xf32, #tpu.memory_space<vmem_shared>>
    %dma_start3A_326 = arith.constant 0 : i32
    %dma_start3A_327 = tpu.memref_slice %arg1[%add3A_317, %dma_start3A_326] : memref<8192x1024xf32, #tpu.memory_space<hbm>> -> memref<128x1024xf32, #tpu.memory_space<hbm>>
    tpu.enqueue_dma source(%dma_start3A_327 : memref<128x1024xf32, #tpu.memory_space<hbm>>) target(%dma_start3A_325 : memref<128x1024xf32, #tpu.memory_space<vmem_shared>>) target_semaphore(%dma_start3A_321 : memref<!tpu.dma_semaphore, #tpu.memory_space<semaphore_mem>>)
    %add3A_328 = arith.constant 640 : i32
    %add3A_329 = arith.addi %mul3A_0, %add3A_328 : i32
    %dma_wait3A_330 = arith.constant 5 : i32
    %dma_wait3A_331 = arith.constant 5 : i32
    %dma_wait3A_332 = tpu.memref_slice %arg4[%dma_wait3A_331] : memref<8x!tpu.dma_semaphore, #tpu.memory_space<semaphore_mem>> -> memref<1x!tpu.dma_semaphore, #tpu.memory_space<semaphore_mem>>
    %dma_wait3A_333 = tpu.memref_squeeze %dma_wait3A_332 : memref<1x!tpu.dma_semaphore, #tpu.memory_space<semaphore_mem>> -> memref<!tpu.dma_semaphore, #tpu.memory_space<semaphore_mem>>
    %dma_wait3A_334 = arith.constant 0 : i32
    %dma_wait3A_335 = arith.constant 0 : i32
    %dma_wait3A_336 = tpu.memref_slice %arg3[%dma_wait3A_330, %dma_wait3A_334, %dma_wait3A_335] : memref<8x128x1024xf32, #tpu.memory_space<vmem_shared>> -> memref<1x128x1024xf32, #tpu.memory_space<vmem_shared>>
    %dma_wait3A_337 = tpu.memref_squeeze %dma_wait3A_336 : memref<1x128x1024xf32, #tpu.memory_space<vmem_shared>> -> memref<128x1024xf32, #tpu.memory_space<vmem_shared>>
    %dma_wait3A_338 = arith.constant 0 : i32
    %dma_wait3A_339 = tpu.memref_slice %arg1[%add3A_329, %dma_wait3A_338] : memref<8192x1024xf32, #tpu.memory_space<hbm>> -> memref<128x1024xf32, #tpu.memory_space<hbm>>
    tpu.wait_dma2 semaphore(%dma_wait3A_333 : memref<!tpu.dma_semaphore, #tpu.memory_space<semaphore_mem>>) src(%dma_wait3A_339 : memref<128x1024xf32, #tpu.memory_space<hbm>>) dst(%dma_wait3A_337 : memref<128x1024xf32, #tpu.memory_space<vmem_shared>>)
    %add3A_340 = arith.constant 640 : i32
    %add3A_341 = arith.addi %mul3A_0, %add3A_340 : i32
    %dma_start3A_342 = arith.constant 5 : i32
    %dma_start3A_343 = arith.constant 0 : i32
    %dma_start3A_344 = arith.constant 5 : i32
    %dma_start3A_345 = tpu.memref_slice %arg5[%dma_start3A_344] : memref<8x!tpu.dma_semaphore, #tpu.memory_space<semaphore_mem>> -> memref<1x!tpu.dma_semaphore, #tpu.memory_space<semaphore_mem>>
    %dma_start3A_346 = tpu.memref_squeeze %dma_start3A_345 : memref<1x!tpu.dma_semaphore, #tpu.memory_space<semaphore_mem>> -> memref<!tpu.dma_semaphore, #tpu.memory_space<semaphore_mem>>
    %dma_start3A_347 = arith.constant 0 : i32
    %dma_start3A_348 = tpu.memref_slice %arg2[%dma_start3A_343, %add3A_341, %dma_start3A_347] : memref<1x8192x1024xf32, #tpu.memory_space<hbm>> -> memref<1x128x1024xf32, #tpu.memory_space<hbm>>
    %dma_start3A_349 = tpu.memref_squeeze %dma_start3A_348 : memref<1x128x1024xf32, #tpu.memory_space<hbm>> -> memref<128x1024xf32, #tpu.memory_space<hbm>>
    %dma_start3A_350 = arith.constant 0 : i32
    %dma_start3A_351 = arith.constant 0 : i32
    %dma_start3A_352 = tpu.memref_slice %arg3[%dma_start3A_342, %dma_start3A_350, %dma_start3A_351] : memref<8x128x1024xf32, #tpu.memory_space<vmem_shared>> -> memref<1x128x1024xf32, #tpu.memory_space<vmem_shared>>
    %dma_start3A_353 = tpu.memref_squeeze %dma_start3A_352 : memref<1x128x1024xf32, #tpu.memory_space<vmem_shared>> -> memref<128x1024xf32, #tpu.memory_space<vmem_shared>>
    tpu.enqueue_dma source(%dma_start3A_353 : memref<128x1024xf32, #tpu.memory_space<vmem_shared>>) target(%dma_start3A_349 : memref<128x1024xf32, #tpu.memory_space<hbm>>) target_semaphore(%dma_start3A_346 : memref<!tpu.dma_semaphore, #tpu.memory_space<semaphore_mem>>)
    %add3A_354 = arith.constant 512 : i32
    %add3A_355 = arith.addi %mul3A_0, %add3A_354 : i32
    %dma_wait3A_356 = arith.constant 4 : i32
    %dma_wait3A_357 = arith.constant 0 : i32
    %dma_wait3A_358 = arith.constant 4 : i32
    %dma_wait3A_359 = tpu.memref_slice %arg5[%dma_wait3A_358] : memref<8x!tpu.dma_semaphore, #tpu.memory_space<semaphore_mem>> -> memref<1x!tpu.dma_semaphore, #tpu.memory_space<semaphore_mem>>
    %dma_wait3A_360 = tpu.memref_squeeze %dma_wait3A_359 : memref<1x!tpu.dma_semaphore, #tpu.memory_space<semaphore_mem>> -> memref<!tpu.dma_semaphore, #tpu.memory_space<semaphore_mem>>
    %dma_wait3A_361 = arith.constant 0 : i32
    %dma_wait3A_362 = tpu.memref_slice %arg2[%dma_wait3A_357, %add3A_355, %dma_wait3A_361] : memref<1x8192x1024xf32, #tpu.memory_space<hbm>> -> memref<1x128x1024xf32, #tpu.memory_space<hbm>>
    %dma_wait3A_363 = tpu.memref_squeeze %dma_wait3A_362 : memref<1x128x1024xf32, #tpu.memory_space<hbm>> -> memref<128x1024xf32, #tpu.memory_space<hbm>>
    %dma_wait3A_364 = arith.constant 0 : i32
    %dma_wait3A_365 = arith.constant 0 : i32
    %dma_wait3A_366 = tpu.memref_slice %arg3[%dma_wait3A_356, %dma_wait3A_364, %dma_wait3A_365] : memref<8x128x1024xf32, #tpu.memory_space<vmem_shared>> -> memref<1x128x1024xf32, #tpu.memory_space<vmem_shared>>
    %dma_wait3A_367 = tpu.memref_squeeze %dma_wait3A_366 : memref<1x128x1024xf32, #tpu.memory_space<vmem_shared>> -> memref<128x1024xf32, #tpu.memory_space<vmem_shared>>
    tpu.wait_dma2 semaphore(%dma_wait3A_360 : memref<!tpu.dma_semaphore, #tpu.memory_space<semaphore_mem>>) src(%dma_wait3A_367 : memref<128x1024xf32, #tpu.memory_space<vmem_shared>>) dst(%dma_wait3A_363 : memref<128x1024xf32, #tpu.memory_space<hbm>>)
    %add3A_368 = arith.constant 1536 : i32
    %add3A_369 = arith.addi %mul3A_0, %add3A_368 : i32
    %dma_start3A_370 = arith.constant 4 : i32
    %dma_start3A_371 = arith.constant 4 : i32
    %dma_start3A_372 = tpu.memref_slice %arg4[%dma_start3A_371] : memref<8x!tpu.dma_semaphore, #tpu.memory_space<semaphore_mem>> -> memref<1x!tpu.dma_semaphore, #tpu.memory_space<semaphore_mem>>
    %dma_start3A_373 = tpu.memref_squeeze %dma_start3A_372 : memref<1x!tpu.dma_semaphore, #tpu.memory_space<semaphore_mem>> -> memref<!tpu.dma_semaphore, #tpu.memory_space<semaphore_mem>>
    %dma_start3A_374 = arith.constant 0 : i32
    %dma_start3A_375 = arith.constant 0 : i32
    %dma_start3A_376 = tpu.memref_slice %arg3[%dma_start3A_370, %dma_start3A_374, %dma_start3A_375] : memref<8x128x1024xf32, #tpu.memory_space<vmem_shared>> -> memref<1x128x1024xf32, #tpu.memory_space<vmem_shared>>
    %dma_start3A_377 = tpu.memref_squeeze %dma_start3A_376 : memref<1x128x1024xf32, #tpu.memory_space<vmem_shared>> -> memref<128x1024xf32, #tpu.memory_space<vmem_shared>>
    %dma_start3A_378 = arith.constant 0 : i32
    %dma_start3A_379 = tpu.memref_slice %arg1[%add3A_369, %dma_start3A_378] : memref<8192x1024xf32, #tpu.memory_space<hbm>> -> memref<128x1024xf32, #tpu.memory_space<hbm>>
    tpu.enqueue_dma source(%dma_start3A_379 : memref<128x1024xf32, #tpu.memory_space<hbm>>) target(%dma_start3A_377 : memref<128x1024xf32, #tpu.memory_space<vmem_shared>>) target_semaphore(%dma_start3A_373 : memref<!tpu.dma_semaphore, #tpu.memory_space<semaphore_mem>>)
    %add3A_380 = arith.constant 768 : i32
    %add3A_381 = arith.addi %mul3A_0, %add3A_380 : i32
    %dma_wait3A_382 = arith.constant 6 : i32
    %dma_wait3A_383 = arith.constant 6 : i32
    %dma_wait3A_384 = tpu.memref_slice %arg4[%dma_wait3A_383] : memref<8x!tpu.dma_semaphore, #tpu.memory_space<semaphore_mem>> -> memref<1x!tpu.dma_semaphore, #tpu.memory_space<semaphore_mem>>
    %dma_wait3A_385 = tpu.memref_squeeze %dma_wait3A_384 : memref<1x!tpu.dma_semaphore, #tpu.memory_space<semaphore_mem>> -> memref<!tpu.dma_semaphore, #tpu.memory_space<semaphore_mem>>
    %dma_wait3A_386 = arith.constant 0 : i32
    %dma_wait3A_387 = arith.constant 0 : i32
    %dma_wait3A_388 = tpu.memref_slice %arg3[%dma_wait3A_382, %dma_wait3A_386, %dma_wait3A_387] : memref<8x128x1024xf32, #tpu.memory_space<vmem_shared>> -> memref<1x128x1024xf32, #tpu.memory_space<vmem_shared>>
    %dma_wait3A_389 = tpu.memref_squeeze %dma_wait3A_388 : memref<1x128x1024xf32, #tpu.memory_space<vmem_shared>> -> memref<128x1024xf32, #tpu.memory_space<vmem_shared>>
    %dma_wait3A_390 = arith.constant 0 : i32
    %dma_wait3A_391 = tpu.memref_slice %arg1[%add3A_381, %dma_wait3A_390] : memref<8192x1024xf32, #tpu.memory_space<hbm>> -> memref<128x1024xf32, #tpu.memory_space<hbm>>
    tpu.wait_dma2 semaphore(%dma_wait3A_385 : memref<!tpu.dma_semaphore, #tpu.memory_space<semaphore_mem>>) src(%dma_wait3A_391 : memref<128x1024xf32, #tpu.memory_space<hbm>>) dst(%dma_wait3A_389 : memref<128x1024xf32, #tpu.memory_space<vmem_shared>>)
    %add3A_392 = arith.constant 768 : i32
    %add3A_393 = arith.addi %mul3A_0, %add3A_392 : i32
    %dma_start3A_394 = arith.constant 6 : i32
    %dma_start3A_395 = arith.constant 0 : i32
    %dma_start3A_396 = arith.constant 6 : i32
    %dma_start3A_397 = tpu.memref_slice %arg5[%dma_start3A_396] : memref<8x!tpu.dma_semaphore, #tpu.memory_space<semaphore_mem>> -> memref<1x!tpu.dma_semaphore, #tpu.memory_space<semaphore_mem>>
    %dma_start3A_398 = tpu.memref_squeeze %dma_start3A_397 : memref<1x!tpu.dma_semaphore, #tpu.memory_space<semaphore_mem>> -> memref<!tpu.dma_semaphore, #tpu.memory_space<semaphore_mem>>
    %dma_start3A_399 = arith.constant 0 : i32
    %dma_start3A_400 = tpu.memref_slice %arg2[%dma_start3A_395, %add3A_393, %dma_start3A_399] : memref<1x8192x1024xf32, #tpu.memory_space<hbm>> -> memref<1x128x1024xf32, #tpu.memory_space<hbm>>
    %dma_start3A_401 = tpu.memref_squeeze %dma_start3A_400 : memref<1x128x1024xf32, #tpu.memory_space<hbm>> -> memref<128x1024xf32, #tpu.memory_space<hbm>>
    %dma_start3A_402 = arith.constant 0 : i32
    %dma_start3A_403 = arith.constant 0 : i32
    %dma_start3A_404 = tpu.memref_slice %arg3[%dma_start3A_394, %dma_start3A_402, %dma_start3A_403] : memref<8x128x1024xf32, #tpu.memory_space<vmem_shared>> -> memref<1x128x1024xf32, #tpu.memory_space<vmem_shared>>
    %dma_start3A_405 = tpu.memref_squeeze %dma_start3A_404 : memref<1x128x1024xf32, #tpu.memory_space<vmem_shared>> -> memref<128x1024xf32, #tpu.memory_space<vmem_shared>>
    tpu.enqueue_dma source(%dma_start3A_405 : memref<128x1024xf32, #tpu.memory_space<vmem_shared>>) target(%dma_start3A_401 : memref<128x1024xf32, #tpu.memory_space<hbm>>) target_semaphore(%dma_start3A_398 : memref<!tpu.dma_semaphore, #tpu.memory_space<semaphore_mem>>)
    %add3A_406 = arith.constant 640 : i32
    %add3A_407 = arith.addi %mul3A_0, %add3A_406 : i32
    %dma_wait3A_408 = arith.constant 5 : i32
    %dma_wait3A_409 = arith.constant 0 : i32
    %dma_wait3A_410 = arith.constant 5 : i32
    %dma_wait3A_411 = tpu.memref_slice %arg5[%dma_wait3A_410] : memref<8x!tpu.dma_semaphore, #tpu.memory_space<semaphore_mem>> -> memref<1x!tpu.dma_semaphore, #tpu.memory_space<semaphore_mem>>
    %dma_wait3A_412 = tpu.memref_squeeze %dma_wait3A_411 : memref<1x!tpu.dma_semaphore, #tpu.memory_space<semaphore_mem>> -> memref<!tpu.dma_semaphore, #tpu.memory_space<semaphore_mem>>
    %dma_wait3A_413 = arith.constant 0 : i32
    %dma_wait3A_414 = tpu.memref_slice %arg2[%dma_wait3A_409, %add3A_407, %dma_wait3A_413] : memref<1x8192x1024xf32, #tpu.memory_space<hbm>> -> memref<1x128x1024xf32, #tpu.memory_space<hbm>>
    %dma_wait3A_415 = tpu.memref_squeeze %dma_wait3A_414 : memref<1x128x1024xf32, #tpu.memory_space<hbm>> -> memref<128x1024xf32, #tpu.memory_space<hbm>>
    %dma_wait3A_416 = arith.constant 0 : i32
    %dma_wait3A_417 = arith.constant 0 : i32
    %dma_wait3A_418 = tpu.memref_slice %arg3[%dma_wait3A_408, %dma_wait3A_416, %dma_wait3A_417] : memref<8x128x1024xf32, #tpu.memory_space<vmem_shared>> -> memref<1x128x1024xf32, #tpu.memory_space<vmem_shared>>
    %dma_wait3A_419 = tpu.memref_squeeze %dma_wait3A_418 : memref<1x128x1024xf32, #tpu.memory_space<vmem_shared>> -> memref<128x1024xf32, #tpu.memory_space<vmem_shared>>
    tpu.wait_dma2 semaphore(%dma_wait3A_412 : memref<!tpu.dma_semaphore, #tpu.memory_space<semaphore_mem>>) src(%dma_wait3A_419 : memref<128x1024xf32, #tpu.memory_space<vmem_shared>>) dst(%dma_wait3A_415 : memref<128x1024xf32, #tpu.memory_space<hbm>>)
    %add3A_420 = arith.constant 1664 : i32
    %add3A_421 = arith.addi %mul3A_0, %add3A_420 : i32
    %dma_start3A_422 = arith.constant 5 : i32
    %dma_start3A_423 = arith.constant 5 : i32
    %dma_start3A_424 = tpu.memref_slice %arg4[%dma_start3A_423] : memref<8x!tpu.dma_semaphore, #tpu.memory_space<semaphore_mem>> -> memref<1x!tpu.dma_semaphore, #tpu.memory_space<semaphore_mem>>
    %dma_start3A_425 = tpu.memref_squeeze %dma_start3A_424 : memref<1x!tpu.dma_semaphore, #tpu.memory_space<semaphore_mem>> -> memref<!tpu.dma_semaphore, #tpu.memory_space<semaphore_mem>>
    %dma_start3A_426 = arith.constant 0 : i32
    %dma_start3A_427 = arith.constant 0 : i32
    %dma_start3A_428 = tpu.memref_slice %arg3[%dma_start3A_422, %dma_start3A_426, %dma_start3A_427] : memref<8x128x1024xf32, #tpu.memory_space<vmem_shared>> -> memref<1x128x1024xf32, #tpu.memory_space<vmem_shared>>
    %dma_start3A_429 = tpu.memref_squeeze %dma_start3A_428 : memref<1x128x1024xf32, #tpu.memory_space<vmem_shared>> -> memref<128x1024xf32, #tpu.memory_space<vmem_shared>>
    %dma_start3A_430 = arith.constant 0 : i32
    %dma_start3A_431 = tpu.memref_slice %arg1[%add3A_421, %dma_start3A_430] : memref<8192x1024xf32, #tpu.memory_space<hbm>> -> memref<128x1024xf32, #tpu.memory_space<hbm>>
    tpu.enqueue_dma source(%dma_start3A_431 : memref<128x1024xf32, #tpu.memory_space<hbm>>) target(%dma_start3A_429 : memref<128x1024xf32, #tpu.memory_space<vmem_shared>>) target_semaphore(%dma_start3A_425 : memref<!tpu.dma_semaphore, #tpu.memory_space<semaphore_mem>>)
    %add3A_432 = arith.constant 896 : i32
    %add3A_433 = arith.addi %mul3A_0, %add3A_432 : i32
    %dma_wait3A_434 = arith.constant 7 : i32
    %dma_wait3A_435 = arith.constant 7 : i32
    %dma_wait3A_436 = tpu.memref_slice %arg4[%dma_wait3A_435] : memref<8x!tpu.dma_semaphore, #tpu.memory_space<semaphore_mem>> -> memref<1x!tpu.dma_semaphore, #tpu.memory_space<semaphore_mem>>
    %dma_wait3A_437 = tpu.memref_squeeze %dma_wait3A_436 : memref<1x!tpu.dma_semaphore, #tpu.memory_space<semaphore_mem>> -> memref<!tpu.dma_semaphore, #tpu.memory_space<semaphore_mem>>
    %dma_wait3A_438 = arith.constant 0 : i32
    %dma_wait3A_439 = arith.constant 0 : i32
    %dma_wait3A_440 = tpu.memref_slice %arg3[%dma_wait3A_434, %dma_wait3A_438, %dma_wait3A_439] : memref<8x128x1024xf32, #tpu.memory_space<vmem_shared>> -> memref<1x128x1024xf32, #tpu.memory_space<vmem_shared>>
    %dma_wait3A_441 = tpu.memref_squeeze %dma_wait3A_440 : memref<1x128x1024xf32, #tpu.memory_space<vmem_shared>> -> memref<128x1024xf32, #tpu.memory_space<vmem_shared>>
    %dma_wait3A_442 = arith.constant 0 : i32
    %dma_wait3A_443 = tpu.memref_slice %arg1[%add3A_433, %dma_wait3A_442] : memref<8192x1024xf32, #tpu.memory_space<hbm>> -> memref<128x1024xf32, #tpu.memory_space<hbm>>
    tpu.wait_dma2 semaphore(%dma_wait3A_437 : memref<!tpu.dma_semaphore, #tpu.memory_space<semaphore_mem>>) src(%dma_wait3A_443 : memref<128x1024xf32, #tpu.memory_space<hbm>>) dst(%dma_wait3A_441 : memref<128x1024xf32, #tpu.memory_space<vmem_shared>>)
    %add3A_444 = arith.constant 896 : i32
    %add3A_445 = arith.addi %mul3A_0, %add3A_444 : i32
    %dma_start3A_446 = arith.constant 7 : i32
    %dma_start3A_447 = arith.constant 0 : i32
    %dma_start3A_448 = arith.constant 7 : i32
    %dma_start3A_449 = tpu.memref_slice %arg5[%dma_start3A_448] : memref<8x!tpu.dma_semaphore, #tpu.memory_space<semaphore_mem>> -> memref<1x!tpu.dma_semaphore, #tpu.memory_space<semaphore_mem>>
    %dma_start3A_450 = tpu.memref_squeeze %dma_start3A_449 : memref<1x!tpu.dma_semaphore, #tpu.memory_space<semaphore_mem>> -> memref<!tpu.dma_semaphore, #tpu.memory_space<semaphore_mem>>
    %dma_start3A_451 = arith.constant 0 : i32
    %dma_start3A_452 = tpu.memref_slice %arg2[%dma_start3A_447, %add3A_445, %dma_start3A_451] : memref<1x8192x1024xf32, #tpu.memory_space<hbm>> -> memref<1x128x1024xf32, #tpu.memory_space<hbm>>
    %dma_start3A_453 = tpu.memref_squeeze %dma_start3A_452 : memref<1x128x1024xf32, #tpu.memory_space<hbm>> -> memref<128x1024xf32, #tpu.memory_space<hbm>>
    %dma_start3A_454 = arith.constant 0 : i32
    %dma_start3A_455 = arith.constant 0 : i32
    %dma_start3A_456 = tpu.memref_slice %arg3[%dma_start3A_446, %dma_start3A_454, %dma_start3A_455] : memref<8x128x1024xf32, #tpu.memory_space<vmem_shared>> -> memref<1x128x1024xf32, #tpu.memory_space<vmem_shared>>
    %dma_start3A_457 = tpu.memref_squeeze %dma_start3A_456 : memref<1x128x1024xf32, #tpu.memory_space<vmem_shared>> -> memref<128x1024xf32, #tpu.memory_space<vmem_shared>>
    tpu.enqueue_dma source(%dma_start3A_457 : memref<128x1024xf32, #tpu.memory_space<vmem_shared>>) target(%dma_start3A_453 : memref<128x1024xf32, #tpu.memory_space<hbm>>) target_semaphore(%dma_start3A_450 : memref<!tpu.dma_semaphore, #tpu.memory_space<semaphore_mem>>)
    %add3A_458 = arith.constant 768 : i32
    %add3A_459 = arith.addi %mul3A_0, %add3A_458 : i32
    %dma_wait3A_460 = arith.constant 6 : i32
    %dma_wait3A_461 = arith.constant 0 : i32
    %dma_wait3A_462 = arith.constant 6 : i32
    %dma_wait3A_463 = tpu.memref_slice %arg5[%dma_wait3A_462] : memref<8x!tpu.dma_semaphore, #tpu.memory_space<semaphore_mem>> -> memref<1x!tpu.dma_semaphore, #tpu.memory_space<semaphore_mem>>
    %dma_wait3A_464 = tpu.memref_squeeze %dma_wait3A_463 : memref<1x!tpu.dma_semaphore, #tpu.memory_space<semaphore_mem>> -> memref<!tpu.dma_semaphore, #tpu.memory_space<semaphore_mem>>
    %dma_wait3A_465 = arith.constant 0 : i32
    %dma_wait3A_466 = tpu.memref_slice %arg2[%dma_wait3A_461, %add3A_459, %dma_wait3A_465] : memref<1x8192x1024xf32, #tpu.memory_space<hbm>> -> memref<1x128x1024xf32, #tpu.memory_space<hbm>>
    %dma_wait3A_467 = tpu.memref_squeeze %dma_wait3A_466 : memref<1x128x1024xf32, #tpu.memory_space<hbm>> -> memref<128x1024xf32, #tpu.memory_space<hbm>>
    %dma_wait3A_468 = arith.constant 0 : i32
    %dma_wait3A_469 = arith.constant 0 : i32
    %dma_wait3A_470 = tpu.memref_slice %arg3[%dma_wait3A_460, %dma_wait3A_468, %dma_wait3A_469] : memref<8x128x1024xf32, #tpu.memory_space<vmem_shared>> -> memref<1x128x1024xf32, #tpu.memory_space<vmem_shared>>
    %dma_wait3A_471 = tpu.memref_squeeze %dma_wait3A_470 : memref<1x128x1024xf32, #tpu.memory_space<vmem_shared>> -> memref<128x1024xf32, #tpu.memory_space<vmem_shared>>
    tpu.wait_dma2 semaphore(%dma_wait3A_464 : memref<!tpu.dma_semaphore, #tpu.memory_space<semaphore_mem>>) src(%dma_wait3A_471 : memref<128x1024xf32, #tpu.memory_space<vmem_shared>>) dst(%dma_wait3A_467 : memref<128x1024xf32, #tpu.memory_space<hbm>>)
    %add3A_472 = arith.constant 1792 : i32
    %add3A_473 = arith.addi %mul3A_0, %add3A_472 : i32
    %dma_start3A_474 = arith.constant 6 : i32
    %dma_start3A_475 = arith.constant 6 : i32
    %dma_start3A_476 = tpu.memref_slice %arg4[%dma_start3A_475] : memref<8x!tpu.dma_semaphore, #tpu.memory_space<semaphore_mem>> -> memref<1x!tpu.dma_semaphore, #tpu.memory_space<semaphore_mem>>
    %dma_start3A_477 = tpu.memref_squeeze %dma_start3A_476 : memref<1x!tpu.dma_semaphore, #tpu.memory_space<semaphore_mem>> -> memref<!tpu.dma_semaphore, #tpu.memory_space<semaphore_mem>>
    %dma_start3A_478 = arith.constant 0 : i32
    %dma_start3A_479 = arith.constant 0 : i32
    %dma_start3A_480 = tpu.memref_slice %arg3[%dma_start3A_474, %dma_start3A_478, %dma_start3A_479] : memref<8x128x1024xf32, #tpu.memory_space<vmem_shared>> -> memref<1x128x1024xf32, #tpu.memory_space<vmem_shared>>
    %dma_start3A_481 = tpu.memref_squeeze %dma_start3A_480 : memref<1x128x1024xf32, #tpu.memory_space<vmem_shared>> -> memref<128x1024xf32, #tpu.memory_space<vmem_shared>>
    %dma_start3A_482 = arith.constant 0 : i32
    %dma_start3A_483 = tpu.memref_slice %arg1[%add3A_473, %dma_start3A_482] : memref<8192x1024xf32, #tpu.memory_space<hbm>> -> memref<128x1024xf32, #tpu.memory_space<hbm>>
    tpu.enqueue_dma source(%dma_start3A_483 : memref<128x1024xf32, #tpu.memory_space<hbm>>) target(%dma_start3A_481 : memref<128x1024xf32, #tpu.memory_space<vmem_shared>>) target_semaphore(%dma_start3A_477 : memref<!tpu.dma_semaphore, #tpu.memory_space<semaphore_mem>>)
    %add3A_484 = arith.constant 1024 : i32
    %add3A_485 = arith.addi %mul3A_0, %add3A_484 : i32
    %dma_wait3A_486 = arith.constant 0 : i32
    %dma_wait3A_487 = arith.constant 0 : i32
    %dma_wait3A_488 = tpu.memref_slice %arg4[%dma_wait3A_487] : memref<8x!tpu.dma_semaphore, #tpu.memory_space<semaphore_mem>> -> memref<1x!tpu.dma_semaphore, #tpu.memory_space<semaphore_mem>>
    %dma_wait3A_489 = tpu.memref_squeeze %dma_wait3A_488 : memref<1x!tpu.dma_semaphore, #tpu.memory_space<semaphore_mem>> -> memref<!tpu.dma_semaphore, #tpu.memory_space<semaphore_mem>>
    %dma_wait3A_490 = arith.constant 0 : i32
    %dma_wait3A_491 = arith.constant 0 : i32
    %dma_wait3A_492 = tpu.memref_slice %arg3[%dma_wait3A_486, %dma_wait3A_490, %dma_wait3A_491] : memref<8x128x1024xf32, #tpu.memory_space<vmem_shared>> -> memref<1x128x1024xf32, #tpu.memory_space<vmem_shared>>
    %dma_wait3A_493 = tpu.memref_squeeze %dma_wait3A_492 : memref<1x128x1024xf32, #tpu.memory_space<vmem_shared>> -> memref<128x1024xf32, #tpu.memory_space<vmem_shared>>
    %dma_wait3A_494 = arith.constant 0 : i32
    %dma_wait3A_495 = tpu.memref_slice %arg1[%add3A_485, %dma_wait3A_494] : memref<8192x1024xf32, #tpu.memory_space<hbm>> -> memref<128x1024xf32, #tpu.memory_space<hbm>>
    tpu.wait_dma2 semaphore(%dma_wait3A_489 : memref<!tpu.dma_semaphore, #tpu.memory_space<semaphore_mem>>) src(%dma_wait3A_495 : memref<128x1024xf32, #tpu.memory_space<hbm>>) dst(%dma_wait3A_493 : memref<128x1024xf32, #tpu.memory_space<vmem_shared>>)
    %add3A_496 = arith.constant 1024 : i32
    %add3A_497 = arith.addi %mul3A_0, %add3A_496 : i32
    %dma_start3A_498 = arith.constant 0 : i32
    %dma_start3A_499 = arith.constant 0 : i32
    %dma_start3A_500 = arith.constant 0 : i32
    %dma_start3A_501 = tpu.memref_slice %arg5[%dma_start3A_500] : memref<8x!tpu.dma_semaphore, #tpu.memory_space<semaphore_mem>> -> memref<1x!tpu.dma_semaphore, #tpu.memory_space<semaphore_mem>>
    %dma_start3A_502 = tpu.memref_squeeze %dma_start3A_501 : memref<1x!tpu.dma_semaphore, #tpu.memory_space<semaphore_mem>> -> memref<!tpu.dma_semaphore, #tpu.memory_space<semaphore_mem>>
    %dma_start3A_503 = arith.constant 0 : i32
    %dma_start3A_504 = tpu.memref_slice %arg2[%dma_start3A_499, %add3A_497, %dma_start3A_503] : memref<1x8192x1024xf32, #tpu.memory_space<hbm>> -> memref<1x128x1024xf32, #tpu.memory_space<hbm>>
    %dma_start3A_505 = tpu.memref_squeeze %dma_start3A_504 : memref<1x128x1024xf32, #tpu.memory_space<hbm>> -> memref<128x1024xf32, #tpu.memory_space<hbm>>
    %dma_start3A_506 = arith.constant 0 : i32
    %dma_start3A_507 = arith.constant 0 : i32
    %dma_start3A_508 = tpu.memref_slice %arg3[%dma_start3A_498, %dma_start3A_506, %dma_start3A_507] : memref<8x128x1024xf32, #tpu.memory_space<vmem_shared>> -> memref<1x128x1024xf32, #tpu.memory_space<vmem_shared>>
    %dma_start3A_509 = tpu.memref_squeeze %dma_start3A_508 : memref<1x128x1024xf32, #tpu.memory_space<vmem_shared>> -> memref<128x1024xf32, #tpu.memory_space<vmem_shared>>
    tpu.enqueue_dma source(%dma_start3A_509 : memref<128x1024xf32, #tpu.memory_space<vmem_shared>>) target(%dma_start3A_505 : memref<128x1024xf32, #tpu.memory_space<hbm>>) target_semaphore(%dma_start3A_502 : memref<!tpu.dma_semaphore, #tpu.memory_space<semaphore_mem>>)
    %add3A_510 = arith.constant 896 : i32
    %add3A_511 = arith.addi %mul3A_0, %add3A_510 : i32
    %dma_wait3A_512 = arith.constant 7 : i32
    %dma_wait3A_513 = arith.constant 0 : i32
    %dma_wait3A_514 = arith.constant 7 : i32
    %dma_wait3A_515 = tpu.memref_slice %arg5[%dma_wait3A_514] : memref<8x!tpu.dma_semaphore, #tpu.memory_space<semaphore_mem>> -> memref<1x!tpu.dma_semaphore, #tpu.memory_space<semaphore_mem>>
    %dma_wait3A_516 = tpu.memref_squeeze %dma_wait3A_515 : memref<1x!tpu.dma_semaphore, #tpu.memory_space<semaphore_mem>> -> memref<!tpu.dma_semaphore, #tpu.memory_space<semaphore_mem>>
    %dma_wait3A_517 = arith.constant 0 : i32
    %dma_wait3A_518 = tpu.memref_slice %arg2[%dma_wait3A_513, %add3A_511, %dma_wait3A_517] : memref<1x8192x1024xf32, #tpu.memory_space<hbm>> -> memref<1x128x1024xf32, #tpu.memory_space<hbm>>
    %dma_wait3A_519 = tpu.memref_squeeze %dma_wait3A_518 : memref<1x128x1024xf32, #tpu.memory_space<hbm>> -> memref<128x1024xf32, #tpu.memory_space<hbm>>
    %dma_wait3A_520 = arith.constant 0 : i32
    %dma_wait3A_521 = arith.constant 0 : i32
    %dma_wait3A_522 = tpu.memref_slice %arg3[%dma_wait3A_512, %dma_wait3A_520, %dma_wait3A_521] : memref<8x128x1024xf32, #tpu.memory_space<vmem_shared>> -> memref<1x128x1024xf32, #tpu.memory_space<vmem_shared>>
    %dma_wait3A_523 = tpu.memref_squeeze %dma_wait3A_522 : memref<1x128x1024xf32, #tpu.memory_space<vmem_shared>> -> memref<128x1024xf32, #tpu.memory_space<vmem_shared>>
    tpu.wait_dma2 semaphore(%dma_wait3A_516 : memref<!tpu.dma_semaphore, #tpu.memory_space<semaphore_mem>>) src(%dma_wait3A_523 : memref<128x1024xf32, #tpu.memory_space<vmem_shared>>) dst(%dma_wait3A_519 : memref<128x1024xf32, #tpu.memory_space<hbm>>)
    %add3A_524 = arith.constant 1920 : i32
    %add3A_525 = arith.addi %mul3A_0, %add3A_524 : i32
    %dma_start3A_526 = arith.constant 7 : i32
    %dma_start3A_527 = arith.constant 7 : i32
    %dma_start3A_528 = tpu.memref_slice %arg4[%dma_start3A_527] : memref<8x!tpu.dma_semaphore, #tpu.memory_space<semaphore_mem>> -> memref<1x!tpu.dma_semaphore, #tpu.memory_space<semaphore_mem>>
    %dma_start3A_529 = tpu.memref_squeeze %dma_start3A_528 : memref<1x!tpu.dma_semaphore, #tpu.memory_space<semaphore_mem>> -> memref<!tpu.dma_semaphore, #tpu.memory_space<semaphore_mem>>
    %dma_start3A_530 = arith.constant 0 : i32
    %dma_start3A_531 = arith.constant 0 : i32
    %dma_start3A_532 = tpu.memref_slice %arg3[%dma_start3A_526, %dma_start3A_530, %dma_start3A_531] : memref<8x128x1024xf32, #tpu.memory_space<vmem_shared>> -> memref<1x128x1024xf32, #tpu.memory_space<vmem_shared>>
    %dma_start3A_533 = tpu.memref_squeeze %dma_start3A_532 : memref<1x128x1024xf32, #tpu.memory_space<vmem_shared>> -> memref<128x1024xf32, #tpu.memory_space<vmem_shared>>
    %dma_start3A_534 = arith.constant 0 : i32
    %dma_start3A_535 = tpu.memref_slice %arg1[%add3A_525, %dma_start3A_534] : memref<8192x1024xf32, #tpu.memory_space<hbm>> -> memref<128x1024xf32, #tpu.memory_space<hbm>>
    tpu.enqueue_dma source(%dma_start3A_535 : memref<128x1024xf32, #tpu.memory_space<hbm>>) target(%dma_start3A_533 : memref<128x1024xf32, #tpu.memory_space<vmem_shared>>) target_semaphore(%dma_start3A_529 : memref<!tpu.dma_semaphore, #tpu.memory_space<semaphore_mem>>)
    %add3A_536 = arith.constant 1152 : i32
    %add3A_537 = arith.addi %mul3A_0, %add3A_536 : i32
    %dma_wait3A_538 = arith.constant 1 : i32
    %dma_wait3A_539 = arith.constant 1 : i32
    %dma_wait3A_540 = tpu.memref_slice %arg4[%dma_wait3A_539] : memref<8x!tpu.dma_semaphore, #tpu.memory_space<semaphore_mem>> -> memref<1x!tpu.dma_semaphore, #tpu.memory_space<semaphore_mem>>
    %dma_wait3A_541 = tpu.memref_squeeze %dma_wait3A_540 : memref<1x!tpu.dma_semaphore, #tpu.memory_space<semaphore_mem>> -> memref<!tpu.dma_semaphore, #tpu.memory_space<semaphore_mem>>
    %dma_wait3A_542 = arith.constant 0 : i32
    %dma_wait3A_543 = arith.constant 0 : i32
    %dma_wait3A_544 = tpu.memref_slice %arg3[%dma_wait3A_538, %dma_wait3A_542, %dma_wait3A_543] : memref<8x128x1024xf32, #tpu.memory_space<vmem_shared>> -> memref<1x128x1024xf32, #tpu.memory_space<vmem_shared>>
    %dma_wait3A_545 = tpu.memref_squeeze %dma_wait3A_544 : memref<1x128x1024xf32, #tpu.memory_space<vmem_shared>> -> memref<128x1024xf32, #tpu.memory_space<vmem_shared>>
    %dma_wait3A_546 = arith.constant 0 : i32
    %dma_wait3A_547 = tpu.memref_slice %arg1[%add3A_537, %dma_wait3A_546] : memref<8192x1024xf32, #tpu.memory_space<hbm>> -> memref<128x1024xf32, #tpu.memory_space<hbm>>
    tpu.wait_dma2 semaphore(%dma_wait3A_541 : memref<!tpu.dma_semaphore, #tpu.memory_space<semaphore_mem>>) src(%dma_wait3A_547 : memref<128x1024xf32, #tpu.memory_space<hbm>>) dst(%dma_wait3A_545 : memref<128x1024xf32, #tpu.memory_space<vmem_shared>>)
    %add3A_548 = arith.constant 1152 : i32
    %add3A_549 = arith.addi %mul3A_0, %add3A_548 : i32
    %dma_start3A_550 = arith.constant 1 : i32
    %dma_start3A_551 = arith.constant 0 : i32
    %dma_start3A_552 = arith.constant 1 : i32
    %dma_start3A_553 = tpu.memref_slice %arg5[%dma_start3A_552] : memref<8x!tpu.dma_semaphore, #tpu.memory_space<semaphore_mem>> -> memref<1x!tpu.dma_semaphore, #tpu.memory_space<semaphore_mem>>
    %dma_start3A_554 = tpu.memref_squeeze %dma_start3A_553 : memref<1x!tpu.dma_semaphore, #tpu.memory_space<semaphore_mem>> -> memref<!tpu.dma_semaphore, #tpu.memory_space<semaphore_mem>>
    %dma_start3A_555 = arith.constant 0 : i32
    %dma_start3A_556 = tpu.memref_slice %arg2[%dma_start3A_551, %add3A_549, %dma_start3A_555] : memref<1x8192x1024xf32, #tpu.memory_space<hbm>> -> memref<1x128x1024xf32, #tpu.memory_space<hbm>>
    %dma_start3A_557 = tpu.memref_squeeze %dma_start3A_556 : memref<1x128x1024xf32, #tpu.memory_space<hbm>> -> memref<128x1024xf32, #tpu.memory_space<hbm>>
    %dma_start3A_558 = arith.constant 0 : i32
    %dma_start3A_559 = arith.constant 0 : i32
    %dma_start3A_560 = tpu.memref_slice %arg3[%dma_start3A_550, %dma_start3A_558, %dma_start3A_559] : memref<8x128x1024xf32, #tpu.memory_space<vmem_shared>> -> memref<1x128x1024xf32, #tpu.memory_space<vmem_shared>>
    %dma_start3A_561 = tpu.memref_squeeze %dma_start3A_560 : memref<1x128x1024xf32, #tpu.memory_space<vmem_shared>> -> memref<128x1024xf32, #tpu.memory_space<vmem_shared>>
    tpu.enqueue_dma source(%dma_start3A_561 : memref<128x1024xf32, #tpu.memory_space<vmem_shared>>) target(%dma_start3A_557 : memref<128x1024xf32, #tpu.memory_space<hbm>>) target_semaphore(%dma_start3A_554 : memref<!tpu.dma_semaphore, #tpu.memory_space<semaphore_mem>>)
    %add3A_562 = arith.constant 1024 : i32
    %add3A_563 = arith.addi %mul3A_0, %add3A_562 : i32
    %dma_wait3A_564 = arith.constant 0 : i32
    %dma_wait3A_565 = arith.constant 0 : i32
    %dma_wait3A_566 = arith.constant 0 : i32
    %dma_wait3A_567 = tpu.memref_slice %arg5[%dma_wait3A_566] : memref<8x!tpu.dma_semaphore, #tpu.memory_space<semaphore_mem>> -> memref<1x!tpu.dma_semaphore, #tpu.memory_space<semaphore_mem>>
    %dma_wait3A_568 = tpu.memref_squeeze %dma_wait3A_567 : memref<1x!tpu.dma_semaphore, #tpu.memory_space<semaphore_mem>> -> memref<!tpu.dma_semaphore, #tpu.memory_space<semaphore_mem>>
    %dma_wait3A_569 = arith.constant 0 : i32
    %dma_wait3A_570 = tpu.memref_slice %arg2[%dma_wait3A_565, %add3A_563, %dma_wait3A_569] : memref<1x8192x1024xf32, #tpu.memory_space<hbm>> -> memref<1x128x1024xf32, #tpu.memory_space<hbm>>
    %dma_wait3A_571 = tpu.memref_squeeze %dma_wait3A_570 : memref<1x128x1024xf32, #tpu.memory_space<hbm>> -> memref<128x1024xf32, #tpu.memory_space<hbm>>
    %dma_wait3A_572 = arith.constant 0 : i32
    %dma_wait3A_573 = arith.constant 0 : i32
    %dma_wait3A_574 = tpu.memref_slice %arg3[%dma_wait3A_564, %dma_wait3A_572, %dma_wait3A_573] : memref<8x128x1024xf32, #tpu.memory_space<vmem_shared>> -> memref<1x128x1024xf32, #tpu.memory_space<vmem_shared>>
    %dma_wait3A_575 = tpu.memref_squeeze %dma_wait3A_574 : memref<1x128x1024xf32, #tpu.memory_space<vmem_shared>> -> memref<128x1024xf32, #tpu.memory_space<vmem_shared>>
    tpu.wait_dma2 semaphore(%dma_wait3A_568 : memref<!tpu.dma_semaphore, #tpu.memory_space<semaphore_mem>>) src(%dma_wait3A_575 : memref<128x1024xf32, #tpu.memory_space<vmem_shared>>) dst(%dma_wait3A_571 : memref<128x1024xf32, #tpu.memory_space<hbm>>)
    %add3A_576 = arith.constant 2048 : i32
    %add3A_577 = arith.addi %mul3A_0, %add3A_576 : i32
    %dma_start3A_578 = arith.constant 0 : i32
    %dma_start3A_579 = arith.constant 0 : i32
    %dma_start3A_580 = tpu.memref_slice %arg4[%dma_start3A_579] : memref<8x!tpu.dma_semaphore, #tpu.memory_space<semaphore_mem>> -> memref<1x!tpu.dma_semaphore, #tpu.memory_space<semaphore_mem>>
    %dma_start3A_581 = tpu.memref_squeeze %dma_start3A_580 : memref<1x!tpu.dma_semaphore, #tpu.memory_space<semaphore_mem>> -> memref<!tpu.dma_semaphore, #tpu.memory_space<semaphore_mem>>
    %dma_start3A_582 = arith.constant 0 : i32
    %dma_start3A_583 = arith.constant 0 : i32
    %dma_start3A_584 = tpu.memref_slice %arg3[%dma_start3A_578, %dma_start3A_582, %dma_start3A_583] : memref<8x128x1024xf32, #tpu.memory_space<vmem_shared>> -> memref<1x128x1024xf32, #tpu.memory_space<vmem_shared>>
    %dma_start3A_585 = tpu.memref_squeeze %dma_start3A_584 : memref<1x128x1024xf32, #tpu.memory_space<vmem_shared>> -> memref<128x1024xf32, #tpu.memory_space<vmem_shared>>
    %dma_start3A_586 = arith.constant 0 : i32
    %dma_start3A_587 = tpu.memref_slice %arg1[%add3A_577, %dma_start3A_586] : memref<8192x1024xf32, #tpu.memory_space<hbm>> -> memref<128x1024xf32, #tpu.memory_space<hbm>>
    tpu.enqueue_dma source(%dma_start3A_587 : memref<128x1024xf32, #tpu.memory_space<hbm>>) target(%dma_start3A_585 : memref<128x1024xf32, #tpu.memory_space<vmem_shared>>) target_semaphore(%dma_start3A_581 : memref<!tpu.dma_semaphore, #tpu.memory_space<semaphore_mem>>)
    %add3A_588 = arith.constant 1280 : i32
    %add3A_589 = arith.addi %mul3A_0, %add3A_588 : i32
    %dma_wait3A_590 = arith.constant 2 : i32
    %dma_wait3A_591 = arith.constant 2 : i32
    %dma_wait3A_592 = tpu.memref_slice %arg4[%dma_wait3A_591] : memref<8x!tpu.dma_semaphore, #tpu.memory_space<semaphore_mem>> -> memref<1x!tpu.dma_semaphore, #tpu.memory_space<semaphore_mem>>
    %dma_wait3A_593 = tpu.memref_squeeze %dma_wait3A_592 : memref<1x!tpu.dma_semaphore, #tpu.memory_space<semaphore_mem>> -> memref<!tpu.dma_semaphore, #tpu.memory_space<semaphore_mem>>
    %dma_wait3A_594 = arith.constant 0 : i32
    %dma_wait3A_595 = arith.constant 0 : i32
    %dma_wait3A_596 = tpu.memref_slice %arg3[%dma_wait3A_590, %dma_wait3A_594, %dma_wait3A_595] : memref<8x128x1024xf32, #tpu.memory_space<vmem_shared>> -> memref<1x128x1024xf32, #tpu.memory_space<vmem_shared>>
    %dma_wait3A_597 = tpu.memref_squeeze %dma_wait3A_596 : memref<1x128x1024xf32, #tpu.memory_space<vmem_shared>> -> memref<128x1024xf32, #tpu.memory_space<vmem_shared>>
    %dma_wait3A_598 = arith.constant 0 : i32
    %dma_wait3A_599 = tpu.memref_slice %arg1[%add3A_589, %dma_wait3A_598] : memref<8192x1024xf32, #tpu.memory_space<hbm>> -> memref<128x1024xf32, #tpu.memory_space<hbm>>
    tpu.wait_dma2 semaphore(%dma_wait3A_593 : memref<!tpu.dma_semaphore, #tpu.memory_space<semaphore_mem>>) src(%dma_wait3A_599 : memref<128x1024xf32, #tpu.memory_space<hbm>>) dst(%dma_wait3A_597 : memref<128x1024xf32, #tpu.memory_space<vmem_shared>>)
    %add3A_600 = arith.constant 1280 : i32
    %add3A_601 = arith.addi %mul3A_0, %add3A_600 : i32
    %dma_start3A_602 = arith.constant 2 : i32
    %dma_start3A_603 = arith.constant 0 : i32
    %dma_start3A_604 = arith.constant 2 : i32
    %dma_start3A_605 = tpu.memref_slice %arg5[%dma_start3A_604] : memref<8x!tpu.dma_semaphore, #tpu.memory_space<semaphore_mem>> -> memref<1x!tpu.dma_semaphore, #tpu.memory_space<semaphore_mem>>
    %dma_start3A_606 = tpu.memref_squeeze %dma_start3A_605 : memref<1x!tpu.dma_semaphore, #tpu.memory_space<semaphore_mem>> -> memref<!tpu.dma_semaphore, #tpu.memory_space<semaphore_mem>>
    %dma_start3A_607 = arith.constant 0 : i32
    %dma_start3A_608 = tpu.memref_slice %arg2[%dma_start3A_603, %add3A_601, %dma_start3A_607] : memref<1x8192x1024xf32, #tpu.memory_space<hbm>> -> memref<1x128x1024xf32, #tpu.memory_space<hbm>>
    %dma_start3A_609 = tpu.memref_squeeze %dma_start3A_608 : memref<1x128x1024xf32, #tpu.memory_space<hbm>> -> memref<128x1024xf32, #tpu.memory_space<hbm>>
    %dma_start3A_610 = arith.constant 0 : i32
    %dma_start3A_611 = arith.constant 0 : i32
    %dma_start3A_612 = tpu.memref_slice %arg3[%dma_start3A_602, %dma_start3A_610, %dma_start3A_611] : memref<8x128x1024xf32, #tpu.memory_space<vmem_shared>> -> memref<1x128x1024xf32, #tpu.memory_space<vmem_shared>>
    %dma_start3A_613 = tpu.memref_squeeze %dma_start3A_612 : memref<1x128x1024xf32, #tpu.memory_space<vmem_shared>> -> memref<128x1024xf32, #tpu.memory_space<vmem_shared>>
    tpu.enqueue_dma source(%dma_start3A_613 : memref<128x1024xf32, #tpu.memory_space<vmem_shared>>) target(%dma_start3A_609 : memref<128x1024xf32, #tpu.memory_space<hbm>>) target_semaphore(%dma_start3A_606 : memref<!tpu.dma_semaphore, #tpu.memory_space<semaphore_mem>>)
    %add3A_614 = arith.constant 1152 : i32
    %add3A_615 = arith.addi %mul3A_0, %add3A_614 : i32
    %dma_wait3A_616 = arith.constant 1 : i32
    %dma_wait3A_617 = arith.constant 0 : i32
    %dma_wait3A_618 = arith.constant 1 : i32
    %dma_wait3A_619 = tpu.memref_slice %arg5[%dma_wait3A_618] : memref<8x!tpu.dma_semaphore, #tpu.memory_space<semaphore_mem>> -> memref<1x!tpu.dma_semaphore, #tpu.memory_space<semaphore_mem>>
    %dma_wait3A_620 = tpu.memref_squeeze %dma_wait3A_619 : memref<1x!tpu.dma_semaphore, #tpu.memory_space<semaphore_mem>> -> memref<!tpu.dma_semaphore, #tpu.memory_space<semaphore_mem>>
    %dma_wait3A_621 = arith.constant 0 : i32
    %dma_wait3A_622 = tpu.memref_slice %arg2[%dma_wait3A_617, %add3A_615, %dma_wait3A_621] : memref<1x8192x1024xf32, #tpu.memory_space<hbm>> -> memref<1x128x1024xf32, #tpu.memory_space<hbm>>
    %dma_wait3A_623 = tpu.memref_squeeze %dma_wait3A_622 : memref<1x128x1024xf32, #tpu.memory_space<hbm>> -> memref<128x1024xf32, #tpu.memory_space<hbm>>
    %dma_wait3A_624 = arith.constant 0 : i32
    %dma_wait3A_625 = arith.constant 0 : i32
    %dma_wait3A_626 = tpu.memref_slice %arg3[%dma_wait3A_616, %dma_wait3A_624, %dma_wait3A_625] : memref<8x128x1024xf32, #tpu.memory_space<vmem_shared>> -> memref<1x128x1024xf32, #tpu.memory_space<vmem_shared>>
    %dma_wait3A_627 = tpu.memref_squeeze %dma_wait3A_626 : memref<1x128x1024xf32, #tpu.memory_space<vmem_shared>> -> memref<128x1024xf32, #tpu.memory_space<vmem_shared>>
    tpu.wait_dma2 semaphore(%dma_wait3A_620 : memref<!tpu.dma_semaphore, #tpu.memory_space<semaphore_mem>>) src(%dma_wait3A_627 : memref<128x1024xf32, #tpu.memory_space<vmem_shared>>) dst(%dma_wait3A_623 : memref<128x1024xf32, #tpu.memory_space<hbm>>)
    %add3A_628 = arith.constant 2176 : i32
    %add3A_629 = arith.addi %mul3A_0, %add3A_628 : i32
    %dma_start3A_630 = arith.constant 1 : i32
    %dma_start3A_631 = arith.constant 1 : i32
    %dma_start3A_632 = tpu.memref_slice %arg4[%dma_start3A_631] : memref<8x!tpu.dma_semaphore, #tpu.memory_space<semaphore_mem>> -> memref<1x!tpu.dma_semaphore, #tpu.memory_space<semaphore_mem>>
    %dma_start3A_633 = tpu.memref_squeeze %dma_start3A_632 : memref<1x!tpu.dma_semaphore, #tpu.memory_space<semaphore_mem>> -> memref<!tpu.dma_semaphore, #tpu.memory_space<semaphore_mem>>
    %dma_start3A_634 = arith.constant 0 : i32
    %dma_start3A_635 = arith.constant 0 : i32
    %dma_start3A_636 = tpu.memref_slice %arg3[%dma_start3A_630, %dma_start3A_634, %dma_start3A_635] : memref<8x128x1024xf32, #tpu.memory_space<vmem_shared>> -> memref<1x128x1024xf32, #tpu.memory_space<vmem_shared>>
    %dma_start3A_637 = tpu.memref_squeeze %dma_start3A_636 : memref<1x128x1024xf32, #tpu.memory_space<vmem_shared>> -> memref<128x1024xf32, #tpu.memory_space<vmem_shared>>
    %dma_start3A_638 = arith.constant 0 : i32
    %dma_start3A_639 = tpu.memref_slice %arg1[%add3A_629, %dma_start3A_638] : memref<8192x1024xf32, #tpu.memory_space<hbm>> -> memref<128x1024xf32, #tpu.memory_space<hbm>>
    tpu.enqueue_dma source(%dma_start3A_639 : memref<128x1024xf32, #tpu.memory_space<hbm>>) target(%dma_start3A_637 : memref<128x1024xf32, #tpu.memory_space<vmem_shared>>) target_semaphore(%dma_start3A_633 : memref<!tpu.dma_semaphore, #tpu.memory_space<semaphore_mem>>)
    %add3A_640 = arith.constant 1408 : i32
    %add3A_641 = arith.addi %mul3A_0, %add3A_640 : i32
    %dma_wait3A_642 = arith.constant 3 : i32
    %dma_wait3A_643 = arith.constant 3 : i32
    %dma_wait3A_644 = tpu.memref_slice %arg4[%dma_wait3A_643] : memref<8x!tpu.dma_semaphore, #tpu.memory_space<semaphore_mem>> -> memref<1x!tpu.dma_semaphore, #tpu.memory_space<semaphore_mem>>
    %dma_wait3A_645 = tpu.memref_squeeze %dma_wait3A_644 : memref<1x!tpu.dma_semaphore, #tpu.memory_space<semaphore_mem>> -> memref<!tpu.dma_semaphore, #tpu.memory_space<semaphore_mem>>
    %dma_wait3A_646 = arith.constant 0 : i32
    %dma_wait3A_647 = arith.constant 0 : i32
    %dma_wait3A_648 = tpu.memref_slice %arg3[%dma_wait3A_642, %dma_wait3A_646, %dma_wait3A_647] : memref<8x128x1024xf32, #tpu.memory_space<vmem_shared>> -> memref<1x128x1024xf32, #tpu.memory_space<vmem_shared>>
    %dma_wait3A_649 = tpu.memref_squeeze %dma_wait3A_648 : memref<1x128x1024xf32, #tpu.memory_space<vmem_shared>> -> memref<128x1024xf32, #tpu.memory_space<vmem_shared>>
    %dma_wait3A_650 = arith.constant 0 : i32
    %dma_wait3A_651 = tpu.memref_slice %arg1[%add3A_641, %dma_wait3A_650] : memref<8192x1024xf32, #tpu.memory_space<hbm>> -> memref<128x1024xf32, #tpu.memory_space<hbm>>
    tpu.wait_dma2 semaphore(%dma_wait3A_645 : memref<!tpu.dma_semaphore, #tpu.memory_space<semaphore_mem>>) src(%dma_wait3A_651 : memref<128x1024xf32, #tpu.memory_space<hbm>>) dst(%dma_wait3A_649 : memref<128x1024xf32, #tpu.memory_space<vmem_shared>>)
    %add3A_652 = arith.constant 1408 : i32
    %add3A_653 = arith.addi %mul3A_0, %add3A_652 : i32
    %dma_start3A_654 = arith.constant 3 : i32
    %dma_start3A_655 = arith.constant 0 : i32
    %dma_start3A_656 = arith.constant 3 : i32
    %dma_start3A_657 = tpu.memref_slice %arg5[%dma_start3A_656] : memref<8x!tpu.dma_semaphore, #tpu.memory_space<semaphore_mem>> -> memref<1x!tpu.dma_semaphore, #tpu.memory_space<semaphore_mem>>
    %dma_start3A_658 = tpu.memref_squeeze %dma_start3A_657 : memref<1x!tpu.dma_semaphore, #tpu.memory_space<semaphore_mem>> -> memref<!tpu.dma_semaphore, #tpu.memory_space<semaphore_mem>>
    %dma_start3A_659 = arith.constant 0 : i32
    %dma_start3A_660 = tpu.memref_slice %arg2[%dma_start3A_655, %add3A_653, %dma_start3A_659] : memref<1x8192x1024xf32, #tpu.memory_space<hbm>> -> memref<1x128x1024xf32, #tpu.memory_space<hbm>>
    %dma_start3A_661 = tpu.memref_squeeze %dma_start3A_660 : memref<1x128x1024xf32, #tpu.memory_space<hbm>> -> memref<128x1024xf32, #tpu.memory_space<hbm>>
    %dma_start3A_662 = arith.constant 0 : i32
    %dma_start3A_663 = arith.constant 0 : i32
    %dma_start3A_664 = tpu.memref_slice %arg3[%dma_start3A_654, %dma_start3A_662, %dma_start3A_663] : memref<8x128x1024xf32, #tpu.memory_space<vmem_shared>> -> memref<1x128x1024xf32, #tpu.memory_space<vmem_shared>>
    %dma_start3A_665 = tpu.memref_squeeze %dma_start3A_664 : memref<1x128x1024xf32, #tpu.memory_space<vmem_shared>> -> memref<128x1024xf32, #tpu.memory_space<vmem_shared>>
    tpu.enqueue_dma source(%dma_start3A_665 : memref<128x1024xf32, #tpu.memory_space<vmem_shared>>) target(%dma_start3A_661 : memref<128x1024xf32, #tpu.memory_space<hbm>>) target_semaphore(%dma_start3A_658 : memref<!tpu.dma_semaphore, #tpu.memory_space<semaphore_mem>>)
    %add3A_666 = arith.constant 1280 : i32
    %add3A_667 = arith.addi %mul3A_0, %add3A_666 : i32
    %dma_wait3A_668 = arith.constant 2 : i32
    %dma_wait3A_669 = arith.constant 0 : i32
    %dma_wait3A_670 = arith.constant 2 : i32
    %dma_wait3A_671 = tpu.memref_slice %arg5[%dma_wait3A_670] : memref<8x!tpu.dma_semaphore, #tpu.memory_space<semaphore_mem>> -> memref<1x!tpu.dma_semaphore, #tpu.memory_space<semaphore_mem>>
    %dma_wait3A_672 = tpu.memref_squeeze %dma_wait3A_671 : memref<1x!tpu.dma_semaphore, #tpu.memory_space<semaphore_mem>> -> memref<!tpu.dma_semaphore, #tpu.memory_space<semaphore_mem>>
    %dma_wait3A_673 = arith.constant 0 : i32
    %dma_wait3A_674 = tpu.memref_slice %arg2[%dma_wait3A_669, %add3A_667, %dma_wait3A_673] : memref<1x8192x1024xf32, #tpu.memory_space<hbm>> -> memref<1x128x1024xf32, #tpu.memory_space<hbm>>
    %dma_wait3A_675 = tpu.memref_squeeze %dma_wait3A_674 : memref<1x128x1024xf32, #tpu.memory_space<hbm>> -> memref<128x1024xf32, #tpu.memory_space<hbm>>
    %dma_wait3A_676 = arith.constant 0 : i32
    %dma_wait3A_677 = arith.constant 0 : i32
    %dma_wait3A_678 = tpu.memref_slice %arg3[%dma_wait3A_668, %dma_wait3A_676, %dma_wait3A_677] : memref<8x128x1024xf32, #tpu.memory_space<vmem_shared>> -> memref<1x128x1024xf32, #tpu.memory_space<vmem_shared>>
    %dma_wait3A_679 = tpu.memref_squeeze %dma_wait3A_678 : memref<1x128x1024xf32, #tpu.memory_space<vmem_shared>> -> memref<128x1024xf32, #tpu.memory_space<vmem_shared>>
    tpu.wait_dma2 semaphore(%dma_wait3A_672 : memref<!tpu.dma_semaphore, #tpu.memory_space<semaphore_mem>>) src(%dma_wait3A_679 : memref<128x1024xf32, #tpu.memory_space<vmem_shared>>) dst(%dma_wait3A_675 : memref<128x1024xf32, #tpu.memory_space<hbm>>)
    %add3A_680 = arith.constant 2304 : i32
    %add3A_681 = arith.addi %mul3A_0, %add3A_680 : i32
    %dma_start3A_682 = arith.constant 2 : i32
    %dma_start3A_683 = arith.constant 2 : i32
    %dma_start3A_684 = tpu.memref_slice %arg4[%dma_start3A_683] : memref<8x!tpu.dma_semaphore, #tpu.memory_space<semaphore_mem>> -> memref<1x!tpu.dma_semaphore, #tpu.memory_space<semaphore_mem>>
    %dma_start3A_685 = tpu.memref_squeeze %dma_start3A_684 : memref<1x!tpu.dma_semaphore, #tpu.memory_space<semaphore_mem>> -> memref<!tpu.dma_semaphore, #tpu.memory_space<semaphore_mem>>
    %dma_start3A_686 = arith.constant 0 : i32
    %dma_start3A_687 = arith.constant 0 : i32
    %dma_start3A_688 = tpu.memref_slice %arg3[%dma_start3A_682, %dma_start3A_686, %dma_start3A_687] : memref<8x128x1024xf32, #tpu.memory_space<vmem_shared>> -> memref<1x128x1024xf32, #tpu.memory_space<vmem_shared>>
    %dma_start3A_689 = tpu.memref_squeeze %dma_start3A_688 : memref<1x128x1024xf32, #tpu.memory_space<vmem_shared>> -> memref<128x1024xf32, #tpu.memory_space<vmem_shared>>
    %dma_start3A_690 = arith.constant 0 : i32
    %dma_start3A_691 = tpu.memref_slice %arg1[%add3A_681, %dma_start3A_690] : memref<8192x1024xf32, #tpu.memory_space<hbm>> -> memref<128x1024xf32, #tpu.memory_space<hbm>>
    tpu.enqueue_dma source(%dma_start3A_691 : memref<128x1024xf32, #tpu.memory_space<hbm>>) target(%dma_start3A_689 : memref<128x1024xf32, #tpu.memory_space<vmem_shared>>) target_semaphore(%dma_start3A_685 : memref<!tpu.dma_semaphore, #tpu.memory_space<semaphore_mem>>)
    %add3A_692 = arith.constant 1536 : i32
    %add3A_693 = arith.addi %mul3A_0, %add3A_692 : i32
    %dma_wait3A_694 = arith.constant 4 : i32
    %dma_wait3A_695 = arith.constant 4 : i32
    %dma_wait3A_696 = tpu.memref_slice %arg4[%dma_wait3A_695] : memref<8x!tpu.dma_semaphore, #tpu.memory_space<semaphore_mem>> -> memref<1x!tpu.dma_semaphore, #tpu.memory_space<semaphore_mem>>
    %dma_wait3A_697 = tpu.memref_squeeze %dma_wait3A_696 : memref<1x!tpu.dma_semaphore, #tpu.memory_space<semaphore_mem>> -> memref<!tpu.dma_semaphore, #tpu.memory_space<semaphore_mem>>
    %dma_wait3A_698 = arith.constant 0 : i32
    %dma_wait3A_699 = arith.constant 0 : i32
    %dma_wait3A_700 = tpu.memref_slice %arg3[%dma_wait3A_694, %dma_wait3A_698, %dma_wait3A_699] : memref<8x128x1024xf32, #tpu.memory_space<vmem_shared>> -> memref<1x128x1024xf32, #tpu.memory_space<vmem_shared>>
    %dma_wait3A_701 = tpu.memref_squeeze %dma_wait3A_700 : memref<1x128x1024xf32, #tpu.memory_space<vmem_shared>> -> memref<128x1024xf32, #tpu.memory_space<vmem_shared>>
    %dma_wait3A_702 = arith.constant 0 : i32
    %dma_wait3A_703 = tpu.memref_slice %arg1[%add3A_693, %dma_wait3A_702] : memref<8192x1024xf32, #tpu.memory_space<hbm>> -> memref<128x1024xf32, #tpu.memory_space<hbm>>
    tpu.wait_dma2 semaphore(%dma_wait3A_697 : memref<!tpu.dma_semaphore, #tpu.memory_space<semaphore_mem>>) src(%dma_wait3A_703 : memref<128x1024xf32, #tpu.memory_space<hbm>>) dst(%dma_wait3A_701 : memref<128x1024xf32, #tpu.memory_space<vmem_shared>>)
    %add3A_704 = arith.constant 1536 : i32
    %add3A_705 = arith.addi %mul3A_0, %add3A_704 : i32
    %dma_start3A_706 = arith.constant 4 : i32
    %dma_start3A_707 = arith.constant 0 : i32
    %dma_start3A_708 = arith.constant 4 : i32
    %dma_start3A_709 = tpu.memref_slice %arg5[%dma_start3A_708] : memref<8x!tpu.dma_semaphore, #tpu.memory_space<semaphore_mem>> -> memref<1x!tpu.dma_semaphore, #tpu.memory_space<semaphore_mem>>
    %dma_start3A_710 = tpu.memref_squeeze %dma_start3A_709 : memref<1x!tpu.dma_semaphore, #tpu.memory_space<semaphore_mem>> -> memref<!tpu.dma_semaphore, #tpu.memory_space<semaphore_mem>>
    %dma_start3A_711 = arith.constant 0 : i32
    %dma_start3A_712 = tpu.memref_slice %arg2[%dma_start3A_707, %add3A_705, %dma_start3A_711] : memref<1x8192x1024xf32, #tpu.memory_space<hbm>> -> memref<1x128x1024xf32, #tpu.memory_space<hbm>>
    %dma_start3A_713 = tpu.memref_squeeze %dma_start3A_712 : memref<1x128x1024xf32, #tpu.memory_space<hbm>> -> memref<128x1024xf32, #tpu.memory_space<hbm>>
    %dma_start3A_714 = arith.constant 0 : i32
    %dma_start3A_715 = arith.constant 0 : i32
    %dma_start3A_716 = tpu.memref_slice %arg3[%dma_start3A_706, %dma_start3A_714, %dma_start3A_715] : memref<8x128x1024xf32, #tpu.memory_space<vmem_shared>> -> memref<1x128x1024xf32, #tpu.memory_space<vmem_shared>>
    %dma_start3A_717 = tpu.memref_squeeze %dma_start3A_716 : memref<1x128x1024xf32, #tpu.memory_space<vmem_shared>> -> memref<128x1024xf32, #tpu.memory_space<vmem_shared>>
    tpu.enqueue_dma source(%dma_start3A_717 : memref<128x1024xf32, #tpu.memory_space<vmem_shared>>) target(%dma_start3A_713 : memref<128x1024xf32, #tpu.memory_space<hbm>>) target_semaphore(%dma_start3A_710 : memref<!tpu.dma_semaphore, #tpu.memory_space<semaphore_mem>>)
    %add3A_718 = arith.constant 1408 : i32
    %add3A_719 = arith.addi %mul3A_0, %add3A_718 : i32
    %dma_wait3A_720 = arith.constant 3 : i32
    %dma_wait3A_721 = arith.constant 0 : i32
    %dma_wait3A_722 = arith.constant 3 : i32
    %dma_wait3A_723 = tpu.memref_slice %arg5[%dma_wait3A_722] : memref<8x!tpu.dma_semaphore, #tpu.memory_space<semaphore_mem>> -> memref<1x!tpu.dma_semaphore, #tpu.memory_space<semaphore_mem>>
    %dma_wait3A_724 = tpu.memref_squeeze %dma_wait3A_723 : memref<1x!tpu.dma_semaphore, #tpu.memory_space<semaphore_mem>> -> memref<!tpu.dma_semaphore, #tpu.memory_space<semaphore_mem>>
    %dma_wait3A_725 = arith.constant 0 : i32
    %dma_wait3A_726 = tpu.memref_slice %arg2[%dma_wait3A_721, %add3A_719, %dma_wait3A_725] : memref<1x8192x1024xf32, #tpu.memory_space<hbm>> -> memref<1x128x1024xf32, #tpu.memory_space<hbm>>
    %dma_wait3A_727 = tpu.memref_squeeze %dma_wait3A_726 : memref<1x128x1024xf32, #tpu.memory_space<hbm>> -> memref<128x1024xf32, #tpu.memory_space<hbm>>
    %dma_wait3A_728 = arith.constant 0 : i32
    %dma_wait3A_729 = arith.constant 0 : i32
    %dma_wait3A_730 = tpu.memref_slice %arg3[%dma_wait3A_720, %dma_wait3A_728, %dma_wait3A_729] : memref<8x128x1024xf32, #tpu.memory_space<vmem_shared>> -> memref<1x128x1024xf32, #tpu.memory_space<vmem_shared>>
    %dma_wait3A_731 = tpu.memref_squeeze %dma_wait3A_730 : memref<1x128x1024xf32, #tpu.memory_space<vmem_shared>> -> memref<128x1024xf32, #tpu.memory_space<vmem_shared>>
    tpu.wait_dma2 semaphore(%dma_wait3A_724 : memref<!tpu.dma_semaphore, #tpu.memory_space<semaphore_mem>>) src(%dma_wait3A_731 : memref<128x1024xf32, #tpu.memory_space<vmem_shared>>) dst(%dma_wait3A_727 : memref<128x1024xf32, #tpu.memory_space<hbm>>)
    %add3A_732 = arith.constant 2432 : i32
    %add3A_733 = arith.addi %mul3A_0, %add3A_732 : i32
    %dma_start3A_734 = arith.constant 3 : i32
    %dma_start3A_735 = arith.constant 3 : i32
    %dma_start3A_736 = tpu.memref_slice %arg4[%dma_start3A_735] : memref<8x!tpu.dma_semaphore, #tpu.memory_space<semaphore_mem>> -> memref<1x!tpu.dma_semaphore, #tpu.memory_space<semaphore_mem>>
    %dma_start3A_737 = tpu.memref_squeeze %dma_start3A_736 : memref<1x!tpu.dma_semaphore, #tpu.memory_space<semaphore_mem>> -> memref<!tpu.dma_semaphore, #tpu.memory_space<semaphore_mem>>
    %dma_start3A_738 = arith.constant 0 : i32
    %dma_start3A_739 = arith.constant 0 : i32
    %dma_start3A_740 = tpu.memref_slice %arg3[%dma_start3A_734, %dma_start3A_738, %dma_start3A_739] : memref<8x128x1024xf32, #tpu.memory_space<vmem_shared>> -> memref<1x128x1024xf32, #tpu.memory_space<vmem_shared>>
    %dma_start3A_741 = tpu.memref_squeeze %dma_start3A_740 : memref<1x128x1024xf32, #tpu.memory_space<vmem_shared>> -> memref<128x1024xf32, #tpu.memory_space<vmem_shared>>
    %dma_start3A_742 = arith.constant 0 : i32
    %dma_start3A_743 = tpu.memref_slice %arg1[%add3A_733, %dma_start3A_742] : memref<8192x1024xf32, #tpu.memory_space<hbm>> -> memref<128x1024xf32, #tpu.memory_space<hbm>>
    tpu.enqueue_dma source(%dma_start3A_743 : memref<128x1024xf32, #tpu.memory_space<hbm>>) target(%dma_start3A_741 : memref<128x1024xf32, #tpu.memory_space<vmem_shared>>) target_semaphore(%dma_start3A_737 : memref<!tpu.dma_semaphore, #tpu.memory_space<semaphore_mem>>)
    %add3A_744 = arith.constant 1664 : i32
    %add3A_745 = arith.addi %mul3A_0, %add3A_744 : i32
    %dma_wait3A_746 = arith.constant 5 : i32
    %dma_wait3A_747 = arith.constant 5 : i32
    %dma_wait3A_748 = tpu.memref_slice %arg4[%dma_wait3A_747] : memref<8x!tpu.dma_semaphore, #tpu.memory_space<semaphore_mem>> -> memref<1x!tpu.dma_semaphore, #tpu.memory_space<semaphore_mem>>
    %dma_wait3A_749 = tpu.memref_squeeze %dma_wait3A_748 : memref<1x!tpu.dma_semaphore, #tpu.memory_space<semaphore_mem>> -> memref<!tpu.dma_semaphore, #tpu.memory_space<semaphore_mem>>
    %dma_wait3A_750 = arith.constant 0 : i32
    %dma_wait3A_751 = arith.constant 0 : i32
    %dma_wait3A_752 = tpu.memref_slice %arg3[%dma_wait3A_746, %dma_wait3A_750, %dma_wait3A_751] : memref<8x128x1024xf32, #tpu.memory_space<vmem_shared>> -> memref<1x128x1024xf32, #tpu.memory_space<vmem_shared>>
    %dma_wait3A_753 = tpu.memref_squeeze %dma_wait3A_752 : memref<1x128x1024xf32, #tpu.memory_space<vmem_shared>> -> memref<128x1024xf32, #tpu.memory_space<vmem_shared>>
    %dma_wait3A_754 = arith.constant 0 : i32
    %dma_wait3A_755 = tpu.memref_slice %arg1[%add3A_745, %dma_wait3A_754] : memref<8192x1024xf32, #tpu.memory_space<hbm>> -> memref<128x1024xf32, #tpu.memory_space<hbm>>
    tpu.wait_dma2 semaphore(%dma_wait3A_749 : memref<!tpu.dma_semaphore, #tpu.memory_space<semaphore_mem>>) src(%dma_wait3A_755 : memref<128x1024xf32, #tpu.memory_space<hbm>>) dst(%dma_wait3A_753 : memref<128x1024xf32, #tpu.memory_space<vmem_shared>>)
    %add3A_756 = arith.constant 1664 : i32
    %add3A_757 = arith.addi %mul3A_0, %add3A_756 : i32
    %dma_start3A_758 = arith.constant 5 : i32
    %dma_start3A_759 = arith.constant 0 : i32
    %dma_start3A_760 = arith.constant 5 : i32
    %dma_start3A_761 = tpu.memref_slice %arg5[%dma_start3A_760] : memref<8x!tpu.dma_semaphore, #tpu.memory_space<semaphore_mem>> -> memref<1x!tpu.dma_semaphore, #tpu.memory_space<semaphore_mem>>
    %dma_start3A_762 = tpu.memref_squeeze %dma_start3A_761 : memref<1x!tpu.dma_semaphore, #tpu.memory_space<semaphore_mem>> -> memref<!tpu.dma_semaphore, #tpu.memory_space<semaphore_mem>>
    %dma_start3A_763 = arith.constant 0 : i32
    %dma_start3A_764 = tpu.memref_slice %arg2[%dma_start3A_759, %add3A_757, %dma_start3A_763] : memref<1x8192x1024xf32, #tpu.memory_space<hbm>> -> memref<1x128x1024xf32, #tpu.memory_space<hbm>>
    %dma_start3A_765 = tpu.memref_squeeze %dma_start3A_764 : memref<1x128x1024xf32, #tpu.memory_space<hbm>> -> memref<128x1024xf32, #tpu.memory_space<hbm>>
    %dma_start3A_766 = arith.constant 0 : i32
    %dma_start3A_767 = arith.constant 0 : i32
    %dma_start3A_768 = tpu.memref_slice %arg3[%dma_start3A_758, %dma_start3A_766, %dma_start3A_767] : memref<8x128x1024xf32, #tpu.memory_space<vmem_shared>> -> memref<1x128x1024xf32, #tpu.memory_space<vmem_shared>>
    %dma_start3A_769 = tpu.memref_squeeze %dma_start3A_768 : memref<1x128x1024xf32, #tpu.memory_space<vmem_shared>> -> memref<128x1024xf32, #tpu.memory_space<vmem_shared>>
    tpu.enqueue_dma source(%dma_start3A_769 : memref<128x1024xf32, #tpu.memory_space<vmem_shared>>) target(%dma_start3A_765 : memref<128x1024xf32, #tpu.memory_space<hbm>>) target_semaphore(%dma_start3A_762 : memref<!tpu.dma_semaphore, #tpu.memory_space<semaphore_mem>>)
    %add3A_770 = arith.constant 1536 : i32
    %add3A_771 = arith.addi %mul3A_0, %add3A_770 : i32
    %dma_wait3A_772 = arith.constant 4 : i32
    %dma_wait3A_773 = arith.constant 0 : i32
    %dma_wait3A_774 = arith.constant 4 : i32
    %dma_wait3A_775 = tpu.memref_slice %arg5[%dma_wait3A_774] : memref<8x!tpu.dma_semaphore, #tpu.memory_space<semaphore_mem>> -> memref<1x!tpu.dma_semaphore, #tpu.memory_space<semaphore_mem>>
    %dma_wait3A_776 = tpu.memref_squeeze %dma_wait3A_775 : memref<1x!tpu.dma_semaphore, #tpu.memory_space<semaphore_mem>> -> memref<!tpu.dma_semaphore, #tpu.memory_space<semaphore_mem>>
    %dma_wait3A_777 = arith.constant 0 : i32
    %dma_wait3A_778 = tpu.memref_slice %arg2[%dma_wait3A_773, %add3A_771, %dma_wait3A_777] : memref<1x8192x1024xf32, #tpu.memory_space<hbm>> -> memref<1x128x1024xf32, #tpu.memory_space<hbm>>
    %dma_wait3A_779 = tpu.memref_squeeze %dma_wait3A_778 : memref<1x128x1024xf32, #tpu.memory_space<hbm>> -> memref<128x1024xf32, #tpu.memory_space<hbm>>
    %dma_wait3A_780 = arith.constant 0 : i32
    %dma_wait3A_781 = arith.constant 0 : i32
    %dma_wait3A_782 = tpu.memref_slice %arg3[%dma_wait3A_772, %dma_wait3A_780, %dma_wait3A_781] : memref<8x128x1024xf32, #tpu.memory_space<vmem_shared>> -> memref<1x128x1024xf32, #tpu.memory_space<vmem_shared>>
    %dma_wait3A_783 = tpu.memref_squeeze %dma_wait3A_782 : memref<1x128x1024xf32, #tpu.memory_space<vmem_shared>> -> memref<128x1024xf32, #tpu.memory_space<vmem_shared>>
    tpu.wait_dma2 semaphore(%dma_wait3A_776 : memref<!tpu.dma_semaphore, #tpu.memory_space<semaphore_mem>>) src(%dma_wait3A_783 : memref<128x1024xf32, #tpu.memory_space<vmem_shared>>) dst(%dma_wait3A_779 : memref<128x1024xf32, #tpu.memory_space<hbm>>)
    %add3A_784 = arith.constant 2560 : i32
    %add3A_785 = arith.addi %mul3A_0, %add3A_784 : i32
    %dma_start3A_786 = arith.constant 4 : i32
    %dma_start3A_787 = arith.constant 4 : i32
    %dma_start3A_788 = tpu.memref_slice %arg4[%dma_start3A_787] : memref<8x!tpu.dma_semaphore, #tpu.memory_space<semaphore_mem>> -> memref<1x!tpu.dma_semaphore, #tpu.memory_space<semaphore_mem>>
    %dma_start3A_789 = tpu.memref_squeeze %dma_start3A_788 : memref<1x!tpu.dma_semaphore, #tpu.memory_space<semaphore_mem>> -> memref<!tpu.dma_semaphore, #tpu.memory_space<semaphore_mem>>
    %dma_start3A_790 = arith.constant 0 : i32
    %dma_start3A_791 = arith.constant 0 : i32
    %dma_start3A_792 = tpu.memref_slice %arg3[%dma_start3A_786, %dma_start3A_790, %dma_start3A_791] : memref<8x128x1024xf32, #tpu.memory_space<vmem_shared>> -> memref<1x128x1024xf32, #tpu.memory_space<vmem_shared>>
    %dma_start3A_793 = tpu.memref_squeeze %dma_start3A_792 : memref<1x128x1024xf32, #tpu.memory_space<vmem_shared>> -> memref<128x1024xf32, #tpu.memory_space<vmem_shared>>
    %dma_start3A_794 = arith.constant 0 : i32
    %dma_start3A_795 = tpu.memref_slice %arg1[%add3A_785, %dma_start3A_794] : memref<8192x1024xf32, #tpu.memory_space<hbm>> -> memref<128x1024xf32, #tpu.memory_space<hbm>>
    tpu.enqueue_dma source(%dma_start3A_795 : memref<128x1024xf32, #tpu.memory_space<hbm>>) target(%dma_start3A_793 : memref<128x1024xf32, #tpu.memory_space<vmem_shared>>) target_semaphore(%dma_start3A_789 : memref<!tpu.dma_semaphore, #tpu.memory_space<semaphore_mem>>)
    %add3A_796 = arith.constant 1792 : i32
    %add3A_797 = arith.addi %mul3A_0, %add3A_796 : i32
    %dma_wait3A_798 = arith.constant 6 : i32
    %dma_wait3A_799 = arith.constant 6 : i32
    %dma_wait3A_800 = tpu.memref_slice %arg4[%dma_wait3A_799] : memref<8x!tpu.dma_semaphore, #tpu.memory_space<semaphore_mem>> -> memref<1x!tpu.dma_semaphore, #tpu.memory_space<semaphore_mem>>
    %dma_wait3A_801 = tpu.memref_squeeze %dma_wait3A_800 : memref<1x!tpu.dma_semaphore, #tpu.memory_space<semaphore_mem>> -> memref<!tpu.dma_semaphore, #tpu.memory_space<semaphore_mem>>
    %dma_wait3A_802 = arith.constant 0 : i32
    %dma_wait3A_803 = arith.constant 0 : i32
    %dma_wait3A_804 = tpu.memref_slice %arg3[%dma_wait3A_798, %dma_wait3A_802, %dma_wait3A_803] : memref<8x128x1024xf32, #tpu.memory_space<vmem_shared>> -> memref<1x128x1024xf32, #tpu.memory_space<vmem_shared>>
    %dma_wait3A_805 = tpu.memref_squeeze %dma_wait3A_804 : memref<1x128x1024xf32, #tpu.memory_space<vmem_shared>> -> memref<128x1024xf32, #tpu.memory_space<vmem_shared>>
    %dma_wait3A_806 = arith.constant 0 : i32
    %dma_wait3A_807 = tpu.memref_slice %arg1[%add3A_797, %dma_wait3A_806] : memref<8192x1024xf32, #tpu.memory_space<hbm>> -> memref<128x1024xf32, #tpu.memory_space<hbm>>
    tpu.wait_dma2 semaphore(%dma_wait3A_801 : memref<!tpu.dma_semaphore, #tpu.memory_space<semaphore_mem>>) src(%dma_wait3A_807 : memref<128x1024xf32, #tpu.memory_space<hbm>>) dst(%dma_wait3A_805 : memref<128x1024xf32, #tpu.memory_space<vmem_shared>>)
    %add3A_808 = arith.constant 1792 : i32
    %add3A_809 = arith.addi %mul3A_0, %add3A_808 : i32
    %dma_start3A_810 = arith.constant 6 : i32
    %dma_start3A_811 = arith.constant 0 : i32
    %dma_start3A_812 = arith.constant 6 : i32
    %dma_start3A_813 = tpu.memref_slice %arg5[%dma_start3A_812] : memref<8x!tpu.dma_semaphore, #tpu.memory_space<semaphore_mem>> -> memref<1x!tpu.dma_semaphore, #tpu.memory_space<semaphore_mem>>
    %dma_start3A_814 = tpu.memref_squeeze %dma_start3A_813 : memref<1x!tpu.dma_semaphore, #tpu.memory_space<semaphore_mem>> -> memref<!tpu.dma_semaphore, #tpu.memory_space<semaphore_mem>>
    %dma_start3A_815 = arith.constant 0 : i32
    %dma_start3A_816 = tpu.memref_slice %arg2[%dma_start3A_811, %add3A_809, %dma_start3A_815] : memref<1x8192x1024xf32, #tpu.memory_space<hbm>> -> memref<1x128x1024xf32, #tpu.memory_space<hbm>>
    %dma_start3A_817 = tpu.memref_squeeze %dma_start3A_816 : memref<1x128x1024xf32, #tpu.memory_space<hbm>> -> memref<128x1024xf32, #tpu.memory_space<hbm>>
    %dma_start3A_818 = arith.constant 0 : i32
    %dma_start3A_819 = arith.constant 0 : i32
    %dma_start3A_820 = tpu.memref_slice %arg3[%dma_start3A_810, %dma_start3A_818, %dma_start3A_819] : memref<8x128x1024xf32, #tpu.memory_space<vmem_shared>> -> memref<1x128x1024xf32, #tpu.memory_space<vmem_shared>>
    %dma_start3A_821 = tpu.memref_squeeze %dma_start3A_820 : memref<1x128x1024xf32, #tpu.memory_space<vmem_shared>> -> memref<128x1024xf32, #tpu.memory_space<vmem_shared>>
    tpu.enqueue_dma source(%dma_start3A_821 : memref<128x1024xf32, #tpu.memory_space<vmem_shared>>) target(%dma_start3A_817 : memref<128x1024xf32, #tpu.memory_space<hbm>>) target_semaphore(%dma_start3A_814 : memref<!tpu.dma_semaphore, #tpu.memory_space<semaphore_mem>>)
    %add3A_822 = arith.constant 1664 : i32
    %add3A_823 = arith.addi %mul3A_0, %add3A_822 : i32
    %dma_wait3A_824 = arith.constant 5 : i32
    %dma_wait3A_825 = arith.constant 0 : i32
    %dma_wait3A_826 = arith.constant 5 : i32
    %dma_wait3A_827 = tpu.memref_slice %arg5[%dma_wait3A_826] : memref<8x!tpu.dma_semaphore, #tpu.memory_space<semaphore_mem>> -> memref<1x!tpu.dma_semaphore, #tpu.memory_space<semaphore_mem>>
    %dma_wait3A_828 = tpu.memref_squeeze %dma_wait3A_827 : memref<1x!tpu.dma_semaphore, #tpu.memory_space<semaphore_mem>> -> memref<!tpu.dma_semaphore, #tpu.memory_space<semaphore_mem>>
    %dma_wait3A_829 = arith.constant 0 : i32
    %dma_wait3A_830 = tpu.memref_slice %arg2[%dma_wait3A_825, %add3A_823, %dma_wait3A_829] : memref<1x8192x1024xf32, #tpu.memory_space<hbm>> -> memref<1x128x1024xf32, #tpu.memory_space<hbm>>
    %dma_wait3A_831 = tpu.memref_squeeze %dma_wait3A_830 : memref<1x128x1024xf32, #tpu.memory_space<hbm>> -> memref<128x1024xf32, #tpu.memory_space<hbm>>
    %dma_wait3A_832 = arith.constant 0 : i32
    %dma_wait3A_833 = arith.constant 0 : i32
    %dma_wait3A_834 = tpu.memref_slice %arg3[%dma_wait3A_824, %dma_wait3A_832, %dma_wait3A_833] : memref<8x128x1024xf32, #tpu.memory_space<vmem_shared>> -> memref<1x128x1024xf32, #tpu.memory_space<vmem_shared>>
    %dma_wait3A_835 = tpu.memref_squeeze %dma_wait3A_834 : memref<1x128x1024xf32, #tpu.memory_space<vmem_shared>> -> memref<128x1024xf32, #tpu.memory_space<vmem_shared>>
    tpu.wait_dma2 semaphore(%dma_wait3A_828 : memref<!tpu.dma_semaphore, #tpu.memory_space<semaphore_mem>>) src(%dma_wait3A_835 : memref<128x1024xf32, #tpu.memory_space<vmem_shared>>) dst(%dma_wait3A_831 : memref<128x1024xf32, #tpu.memory_space<hbm>>)
    %add3A_836 = arith.constant 2688 : i32
    %add3A_837 = arith.addi %mul3A_0, %add3A_836 : i32
    %dma_start3A_838 = arith.constant 5 : i32
    %dma_start3A_839 = arith.constant 5 : i32
    %dma_start3A_840 = tpu.memref_slice %arg4[%dma_start3A_839] : memref<8x!tpu.dma_semaphore, #tpu.memory_space<semaphore_mem>> -> memref<1x!tpu.dma_semaphore, #tpu.memory_space<semaphore_mem>>
    %dma_start3A_841 = tpu.memref_squeeze %dma_start3A_840 : memref<1x!tpu.dma_semaphore, #tpu.memory_space<semaphore_mem>> -> memref<!tpu.dma_semaphore, #tpu.memory_space<semaphore_mem>>
    %dma_start3A_842 = arith.constant 0 : i32
    %dma_start3A_843 = arith.constant 0 : i32
    %dma_start3A_844 = tpu.memref_slice %arg3[%dma_start3A_838, %dma_start3A_842, %dma_start3A_843] : memref<8x128x1024xf32, #tpu.memory_space<vmem_shared>> -> memref<1x128x1024xf32, #tpu.memory_space<vmem_shared>>
    %dma_start3A_845 = tpu.memref_squeeze %dma_start3A_844 : memref<1x128x1024xf32, #tpu.memory_space<vmem_shared>> -> memref<128x1024xf32, #tpu.memory_space<vmem_shared>>
    %dma_start3A_846 = arith.constant 0 : i32
    %dma_start3A_847 = tpu.memref_slice %arg1[%add3A_837, %dma_start3A_846] : memref<8192x1024xf32, #tpu.memory_space<hbm>> -> memref<128x1024xf32, #tpu.memory_space<hbm>>
    tpu.enqueue_dma source(%dma_start3A_847 : memref<128x1024xf32, #tpu.memory_space<hbm>>) target(%dma_start3A_845 : memref<128x1024xf32, #tpu.memory_space<vmem_shared>>) target_semaphore(%dma_start3A_841 : memref<!tpu.dma_semaphore, #tpu.memory_space<semaphore_mem>>)
    %add3A_848 = arith.constant 1920 : i32
    %add3A_849 = arith.addi %mul3A_0, %add3A_848 : i32
    %dma_wait3A_850 = arith.constant 7 : i32
    %dma_wait3A_851 = arith.constant 7 : i32
    %dma_wait3A_852 = tpu.memref_slice %arg4[%dma_wait3A_851] : memref<8x!tpu.dma_semaphore, #tpu.memory_space<semaphore_mem>> -> memref<1x!tpu.dma_semaphore, #tpu.memory_space<semaphore_mem>>
    %dma_wait3A_853 = tpu.memref_squeeze %dma_wait3A_852 : memref<1x!tpu.dma_semaphore, #tpu.memory_space<semaphore_mem>> -> memref<!tpu.dma_semaphore, #tpu.memory_space<semaphore_mem>>
    %dma_wait3A_854 = arith.constant 0 : i32
    %dma_wait3A_855 = arith.constant 0 : i32
    %dma_wait3A_856 = tpu.memref_slice %arg3[%dma_wait3A_850, %dma_wait3A_854, %dma_wait3A_855] : memref<8x128x1024xf32, #tpu.memory_space<vmem_shared>> -> memref<1x128x1024xf32, #tpu.memory_space<vmem_shared>>
    %dma_wait3A_857 = tpu.memref_squeeze %dma_wait3A_856 : memref<1x128x1024xf32, #tpu.memory_space<vmem_shared>> -> memref<128x1024xf32, #tpu.memory_space<vmem_shared>>
    %dma_wait3A_858 = arith.constant 0 : i32
    %dma_wait3A_859 = tpu.memref_slice %arg1[%add3A_849, %dma_wait3A_858] : memref<8192x1024xf32, #tpu.memory_space<hbm>> -> memref<128x1024xf32, #tpu.memory_space<hbm>>
    tpu.wait_dma2 semaphore(%dma_wait3A_853 : memref<!tpu.dma_semaphore, #tpu.memory_space<semaphore_mem>>) src(%dma_wait3A_859 : memref<128x1024xf32, #tpu.memory_space<hbm>>) dst(%dma_wait3A_857 : memref<128x1024xf32, #tpu.memory_space<vmem_shared>>)
    %add3A_860 = arith.constant 1920 : i32
    %add3A_861 = arith.addi %mul3A_0, %add3A_860 : i32
    %dma_start3A_862 = arith.constant 7 : i32
    %dma_start3A_863 = arith.constant 0 : i32
    %dma_start3A_864 = arith.constant 7 : i32
    %dma_start3A_865 = tpu.memref_slice %arg5[%dma_start3A_864] : memref<8x!tpu.dma_semaphore, #tpu.memory_space<semaphore_mem>> -> memref<1x!tpu.dma_semaphore, #tpu.memory_space<semaphore_mem>>
    %dma_start3A_866 = tpu.memref_squeeze %dma_start3A_865 : memref<1x!tpu.dma_semaphore, #tpu.memory_space<semaphore_mem>> -> memref<!tpu.dma_semaphore, #tpu.memory_space<semaphore_mem>>
    %dma_start3A_867 = arith.constant 0 : i32
    %dma_start3A_868 = tpu.memref_slice %arg2[%dma_start3A_863, %add3A_861, %dma_start3A_867] : memref<1x8192x1024xf32, #tpu.memory_space<hbm>> -> memref<1x128x1024xf32, #tpu.memory_space<hbm>>
    %dma_start3A_869 = tpu.memref_squeeze %dma_start3A_868 : memref<1x128x1024xf32, #tpu.memory_space<hbm>> -> memref<128x1024xf32, #tpu.memory_space<hbm>>
    %dma_start3A_870 = arith.constant 0 : i32
    %dma_start3A_871 = arith.constant 0 : i32
    %dma_start3A_872 = tpu.memref_slice %arg3[%dma_start3A_862, %dma_start3A_870, %dma_start3A_871] : memref<8x128x1024xf32, #tpu.memory_space<vmem_shared>> -> memref<1x128x1024xf32, #tpu.memory_space<vmem_shared>>
    %dma_start3A_873 = tpu.memref_squeeze %dma_start3A_872 : memref<1x128x1024xf32, #tpu.memory_space<vmem_shared>> -> memref<128x1024xf32, #tpu.memory_space<vmem_shared>>
    tpu.enqueue_dma source(%dma_start3A_873 : memref<128x1024xf32, #tpu.memory_space<vmem_shared>>) target(%dma_start3A_869 : memref<128x1024xf32, #tpu.memory_space<hbm>>) target_semaphore(%dma_start3A_866 : memref<!tpu.dma_semaphore, #tpu.memory_space<semaphore_mem>>)
    %add3A_874 = arith.constant 1792 : i32
    %add3A_875 = arith.addi %mul3A_0, %add3A_874 : i32
    %dma_wait3A_876 = arith.constant 6 : i32
    %dma_wait3A_877 = arith.constant 0 : i32
    %dma_wait3A_878 = arith.constant 6 : i32
    %dma_wait3A_879 = tpu.memref_slice %arg5[%dma_wait3A_878] : memref<8x!tpu.dma_semaphore, #tpu.memory_space<semaphore_mem>> -> memref<1x!tpu.dma_semaphore, #tpu.memory_space<semaphore_mem>>
    %dma_wait3A_880 = tpu.memref_squeeze %dma_wait3A_879 : memref<1x!tpu.dma_semaphore, #tpu.memory_space<semaphore_mem>> -> memref<!tpu.dma_semaphore, #tpu.memory_space<semaphore_mem>>
    %dma_wait3A_881 = arith.constant 0 : i32
    %dma_wait3A_882 = tpu.memref_slice %arg2[%dma_wait3A_877, %add3A_875, %dma_wait3A_881] : memref<1x8192x1024xf32, #tpu.memory_space<hbm>> -> memref<1x128x1024xf32, #tpu.memory_space<hbm>>
    %dma_wait3A_883 = tpu.memref_squeeze %dma_wait3A_882 : memref<1x128x1024xf32, #tpu.memory_space<hbm>> -> memref<128x1024xf32, #tpu.memory_space<hbm>>
    %dma_wait3A_884 = arith.constant 0 : i32
    %dma_wait3A_885 = arith.constant 0 : i32
    %dma_wait3A_886 = tpu.memref_slice %arg3[%dma_wait3A_876, %dma_wait3A_884, %dma_wait3A_885] : memref<8x128x1024xf32, #tpu.memory_space<vmem_shared>> -> memref<1x128x1024xf32, #tpu.memory_space<vmem_shared>>
    %dma_wait3A_887 = tpu.memref_squeeze %dma_wait3A_886 : memref<1x128x1024xf32, #tpu.memory_space<vmem_shared>> -> memref<128x1024xf32, #tpu.memory_space<vmem_shared>>
    tpu.wait_dma2 semaphore(%dma_wait3A_880 : memref<!tpu.dma_semaphore, #tpu.memory_space<semaphore_mem>>) src(%dma_wait3A_887 : memref<128x1024xf32, #tpu.memory_space<vmem_shared>>) dst(%dma_wait3A_883 : memref<128x1024xf32, #tpu.memory_space<hbm>>)
    %add3A_888 = arith.constant 2816 : i32
    %add3A_889 = arith.addi %mul3A_0, %add3A_888 : i32
    %dma_start3A_890 = arith.constant 6 : i32
    %dma_start3A_891 = arith.constant 6 : i32
    %dma_start3A_892 = tpu.memref_slice %arg4[%dma_start3A_891] : memref<8x!tpu.dma_semaphore, #tpu.memory_space<semaphore_mem>> -> memref<1x!tpu.dma_semaphore, #tpu.memory_space<semaphore_mem>>
    %dma_start3A_893 = tpu.memref_squeeze %dma_start3A_892 : memref<1x!tpu.dma_semaphore, #tpu.memory_space<semaphore_mem>> -> memref<!tpu.dma_semaphore, #tpu.memory_space<semaphore_mem>>
    %dma_start3A_894 = arith.constant 0 : i32
    %dma_start3A_895 = arith.constant 0 : i32
    %dma_start3A_896 = tpu.memref_slice %arg3[%dma_start3A_890, %dma_start3A_894, %dma_start3A_895] : memref<8x128x1024xf32, #tpu.memory_space<vmem_shared>> -> memref<1x128x1024xf32, #tpu.memory_space<vmem_shared>>
    %dma_start3A_897 = tpu.memref_squeeze %dma_start3A_896 : memref<1x128x1024xf32, #tpu.memory_space<vmem_shared>> -> memref<128x1024xf32, #tpu.memory_space<vmem_shared>>
    %dma_start3A_898 = arith.constant 0 : i32
    %dma_start3A_899 = tpu.memref_slice %arg1[%add3A_889, %dma_start3A_898] : memref<8192x1024xf32, #tpu.memory_space<hbm>> -> memref<128x1024xf32, #tpu.memory_space<hbm>>
    tpu.enqueue_dma source(%dma_start3A_899 : memref<128x1024xf32, #tpu.memory_space<hbm>>) target(%dma_start3A_897 : memref<128x1024xf32, #tpu.memory_space<vmem_shared>>) target_semaphore(%dma_start3A_893 : memref<!tpu.dma_semaphore, #tpu.memory_space<semaphore_mem>>)
    %add3A_900 = arith.constant 2048 : i32
    %add3A_901 = arith.addi %mul3A_0, %add3A_900 : i32
    %dma_wait3A_902 = arith.constant 0 : i32
    %dma_wait3A_903 = arith.constant 0 : i32
    %dma_wait3A_904 = tpu.memref_slice %arg4[%dma_wait3A_903] : memref<8x!tpu.dma_semaphore, #tpu.memory_space<semaphore_mem>> -> memref<1x!tpu.dma_semaphore, #tpu.memory_space<semaphore_mem>>
    %dma_wait3A_905 = tpu.memref_squeeze %dma_wait3A_904 : memref<1x!tpu.dma_semaphore, #tpu.memory_space<semaphore_mem>> -> memref<!tpu.dma_semaphore, #tpu.memory_space<semaphore_mem>>
    %dma_wait3A_906 = arith.constant 0 : i32
    %dma_wait3A_907 = arith.constant 0 : i32
    %dma_wait3A_908 = tpu.memref_slice %arg3[%dma_wait3A_902, %dma_wait3A_906, %dma_wait3A_907] : memref<8x128x1024xf32, #tpu.memory_space<vmem_shared>> -> memref<1x128x1024xf32, #tpu.memory_space<vmem_shared>>
    %dma_wait3A_909 = tpu.memref_squeeze %dma_wait3A_908 : memref<1x128x1024xf32, #tpu.memory_space<vmem_shared>> -> memref<128x1024xf32, #tpu.memory_space<vmem_shared>>
    %dma_wait3A_910 = arith.constant 0 : i32
    %dma_wait3A_911 = tpu.memref_slice %arg1[%add3A_901, %dma_wait3A_910] : memref<8192x1024xf32, #tpu.memory_space<hbm>> -> memref<128x1024xf32, #tpu.memory_space<hbm>>
    tpu.wait_dma2 semaphore(%dma_wait3A_905 : memref<!tpu.dma_semaphore, #tpu.memory_space<semaphore_mem>>) src(%dma_wait3A_911 : memref<128x1024xf32, #tpu.memory_space<hbm>>) dst(%dma_wait3A_909 : memref<128x1024xf32, #tpu.memory_space<vmem_shared>>)
    %add3A_912 = arith.constant 2048 : i32
    %add3A_913 = arith.addi %mul3A_0, %add3A_912 : i32
    %dma_start3A_914 = arith.constant 0 : i32
    %dma_start3A_915 = arith.constant 0 : i32
    %dma_start3A_916 = arith.constant 0 : i32
    %dma_start3A_917 = tpu.memref_slice %arg5[%dma_start3A_916] : memref<8x!tpu.dma_semaphore, #tpu.memory_space<semaphore_mem>> -> memref<1x!tpu.dma_semaphore, #tpu.memory_space<semaphore_mem>>
    %dma_start3A_918 = tpu.memref_squeeze %dma_start3A_917 : memref<1x!tpu.dma_semaphore, #tpu.memory_space<semaphore_mem>> -> memref<!tpu.dma_semaphore, #tpu.memory_space<semaphore_mem>>
    %dma_start3A_919 = arith.constant 0 : i32
    %dma_start3A_920 = tpu.memref_slice %arg2[%dma_start3A_915, %add3A_913, %dma_start3A_919] : memref<1x8192x1024xf32, #tpu.memory_space<hbm>> -> memref<1x128x1024xf32, #tpu.memory_space<hbm>>
    %dma_start3A_921 = tpu.memref_squeeze %dma_start3A_920 : memref<1x128x1024xf32, #tpu.memory_space<hbm>> -> memref<128x1024xf32, #tpu.memory_space<hbm>>
    %dma_start3A_922 = arith.constant 0 : i32
    %dma_start3A_923 = arith.constant 0 : i32
    %dma_start3A_924 = tpu.memref_slice %arg3[%dma_start3A_914, %dma_start3A_922, %dma_start3A_923] : memref<8x128x1024xf32, #tpu.memory_space<vmem_shared>> -> memref<1x128x1024xf32, #tpu.memory_space<vmem_shared>>
    %dma_start3A_925 = tpu.memref_squeeze %dma_start3A_924 : memref<1x128x1024xf32, #tpu.memory_space<vmem_shared>> -> memref<128x1024xf32, #tpu.memory_space<vmem_shared>>
    tpu.enqueue_dma source(%dma_start3A_925 : memref<128x1024xf32, #tpu.memory_space<vmem_shared>>) target(%dma_start3A_921 : memref<128x1024xf32, #tpu.memory_space<hbm>>) target_semaphore(%dma_start3A_918 : memref<!tpu.dma_semaphore, #tpu.memory_space<semaphore_mem>>)
    %add3A_926 = arith.constant 1920 : i32
    %add3A_927 = arith.addi %mul3A_0, %add3A_926 : i32
    %dma_wait3A_928 = arith.constant 7 : i32
    %dma_wait3A_929 = arith.constant 0 : i32
    %dma_wait3A_930 = arith.constant 7 : i32
    %dma_wait3A_931 = tpu.memref_slice %arg5[%dma_wait3A_930] : memref<8x!tpu.dma_semaphore, #tpu.memory_space<semaphore_mem>> -> memref<1x!tpu.dma_semaphore, #tpu.memory_space<semaphore_mem>>
    %dma_wait3A_932 = tpu.memref_squeeze %dma_wait3A_931 : memref<1x!tpu.dma_semaphore, #tpu.memory_space<semaphore_mem>> -> memref<!tpu.dma_semaphore, #tpu.memory_space<semaphore_mem>>
    %dma_wait3A_933 = arith.constant 0 : i32
    %dma_wait3A_934 = tpu.memref_slice %arg2[%dma_wait3A_929, %add3A_927, %dma_wait3A_933] : memref<1x8192x1024xf32, #tpu.memory_space<hbm>> -> memref<1x128x1024xf32, #tpu.memory_space<hbm>>
    %dma_wait3A_935 = tpu.memref_squeeze %dma_wait3A_934 : memref<1x128x1024xf32, #tpu.memory_space<hbm>> -> memref<128x1024xf32, #tpu.memory_space<hbm>>
    %dma_wait3A_936 = arith.constant 0 : i32
    %dma_wait3A_937 = arith.constant 0 : i32
    %dma_wait3A_938 = tpu.memref_slice %arg3[%dma_wait3A_928, %dma_wait3A_936, %dma_wait3A_937] : memref<8x128x1024xf32, #tpu.memory_space<vmem_shared>> -> memref<1x128x1024xf32, #tpu.memory_space<vmem_shared>>
    %dma_wait3A_939 = tpu.memref_squeeze %dma_wait3A_938 : memref<1x128x1024xf32, #tpu.memory_space<vmem_shared>> -> memref<128x1024xf32, #tpu.memory_space<vmem_shared>>
    tpu.wait_dma2 semaphore(%dma_wait3A_932 : memref<!tpu.dma_semaphore, #tpu.memory_space<semaphore_mem>>) src(%dma_wait3A_939 : memref<128x1024xf32, #tpu.memory_space<vmem_shared>>) dst(%dma_wait3A_935 : memref<128x1024xf32, #tpu.memory_space<hbm>>)
    %add3A_940 = arith.constant 2944 : i32
    %add3A_941 = arith.addi %mul3A_0, %add3A_940 : i32
    %dma_start3A_942 = arith.constant 7 : i32
    %dma_start3A_943 = arith.constant 7 : i32
    %dma_start3A_944 = tpu.memref_slice %arg4[%dma_start3A_943] : memref<8x!tpu.dma_semaphore, #tpu.memory_space<semaphore_mem>> -> memref<1x!tpu.dma_semaphore, #tpu.memory_space<semaphore_mem>>
    %dma_start3A_945 = tpu.memref_squeeze %dma_start3A_944 : memref<1x!tpu.dma_semaphore, #tpu.memory_space<semaphore_mem>> -> memref<!tpu.dma_semaphore, #tpu.memory_space<semaphore_mem>>
    %dma_start3A_946 = arith.constant 0 : i32
    %dma_start3A_947 = arith.constant 0 : i32
    %dma_start3A_948 = tpu.memref_slice %arg3[%dma_start3A_942, %dma_start3A_946, %dma_start3A_947] : memref<8x128x1024xf32, #tpu.memory_space<vmem_shared>> -> memref<1x128x1024xf32, #tpu.memory_space<vmem_shared>>
    %dma_start3A_949 = tpu.memref_squeeze %dma_start3A_948 : memref<1x128x1024xf32, #tpu.memory_space<vmem_shared>> -> memref<128x1024xf32, #tpu.memory_space<vmem_shared>>
    %dma_start3A_950 = arith.constant 0 : i32
    %dma_start3A_951 = tpu.memref_slice %arg1[%add3A_941, %dma_start3A_950] : memref<8192x1024xf32, #tpu.memory_space<hbm>> -> memref<128x1024xf32, #tpu.memory_space<hbm>>
    tpu.enqueue_dma source(%dma_start3A_951 : memref<128x1024xf32, #tpu.memory_space<hbm>>) target(%dma_start3A_949 : memref<128x1024xf32, #tpu.memory_space<vmem_shared>>) target_semaphore(%dma_start3A_945 : memref<!tpu.dma_semaphore, #tpu.memory_space<semaphore_mem>>)
    %add3A_952 = arith.constant 2176 : i32
    %add3A_953 = arith.addi %mul3A_0, %add3A_952 : i32
    %dma_wait3A_954 = arith.constant 1 : i32
    %dma_wait3A_955 = arith.constant 1 : i32
    %dma_wait3A_956 = tpu.memref_slice %arg4[%dma_wait3A_955] : memref<8x!tpu.dma_semaphore, #tpu.memory_space<semaphore_mem>> -> memref<1x!tpu.dma_semaphore, #tpu.memory_space<semaphore_mem>>
    %dma_wait3A_957 = tpu.memref_squeeze %dma_wait3A_956 : memref<1x!tpu.dma_semaphore, #tpu.memory_space<semaphore_mem>> -> memref<!tpu.dma_semaphore, #tpu.memory_space<semaphore_mem>>
    %dma_wait3A_958 = arith.constant 0 : i32
    %dma_wait3A_959 = arith.constant 0 : i32
    %dma_wait3A_960 = tpu.memref_slice %arg3[%dma_wait3A_954, %dma_wait3A_958, %dma_wait3A_959] : memref<8x128x1024xf32, #tpu.memory_space<vmem_shared>> -> memref<1x128x1024xf32, #tpu.memory_space<vmem_shared>>
    %dma_wait3A_961 = tpu.memref_squeeze %dma_wait3A_960 : memref<1x128x1024xf32, #tpu.memory_space<vmem_shared>> -> memref<128x1024xf32, #tpu.memory_space<vmem_shared>>
    %dma_wait3A_962 = arith.constant 0 : i32
    %dma_wait3A_963 = tpu.memref_slice %arg1[%add3A_953, %dma_wait3A_962] : memref<8192x1024xf32, #tpu.memory_space<hbm>> -> memref<128x1024xf32, #tpu.memory_space<hbm>>
    tpu.wait_dma2 semaphore(%dma_wait3A_957 : memref<!tpu.dma_semaphore, #tpu.memory_space<semaphore_mem>>) src(%dma_wait3A_963 : memref<128x1024xf32, #tpu.memory_space<hbm>>) dst(%dma_wait3A_961 : memref<128x1024xf32, #tpu.memory_space<vmem_shared>>)
    %add3A_964 = arith.constant 2176 : i32
    %add3A_965 = arith.addi %mul3A_0, %add3A_964 : i32
    %dma_start3A_966 = arith.constant 1 : i32
    %dma_start3A_967 = arith.constant 0 : i32
    %dma_start3A_968 = arith.constant 1 : i32
    %dma_start3A_969 = tpu.memref_slice %arg5[%dma_start3A_968] : memref<8x!tpu.dma_semaphore, #tpu.memory_space<semaphore_mem>> -> memref<1x!tpu.dma_semaphore, #tpu.memory_space<semaphore_mem>>
    %dma_start3A_970 = tpu.memref_squeeze %dma_start3A_969 : memref<1x!tpu.dma_semaphore, #tpu.memory_space<semaphore_mem>> -> memref<!tpu.dma_semaphore, #tpu.memory_space<semaphore_mem>>
    %dma_start3A_971 = arith.constant 0 : i32
    %dma_start3A_972 = tpu.memref_slice %arg2[%dma_start3A_967, %add3A_965, %dma_start3A_971] : memref<1x8192x1024xf32, #tpu.memory_space<hbm>> -> memref<1x128x1024xf32, #tpu.memory_space<hbm>>
    %dma_start3A_973 = tpu.memref_squeeze %dma_start3A_972 : memref<1x128x1024xf32, #tpu.memory_space<hbm>> -> memref<128x1024xf32, #tpu.memory_space<hbm>>
    %dma_start3A_974 = arith.constant 0 : i32
    %dma_start3A_975 = arith.constant 0 : i32
    %dma_start3A_976 = tpu.memref_slice %arg3[%dma_start3A_966, %dma_start3A_974, %dma_start3A_975] : memref<8x128x1024xf32, #tpu.memory_space<vmem_shared>> -> memref<1x128x1024xf32, #tpu.memory_space<vmem_shared>>
    %dma_start3A_977 = tpu.memref_squeeze %dma_start3A_976 : memref<1x128x1024xf32, #tpu.memory_space<vmem_shared>> -> memref<128x1024xf32, #tpu.memory_space<vmem_shared>>
    tpu.enqueue_dma source(%dma_start3A_977 : memref<128x1024xf32, #tpu.memory_space<vmem_shared>>) target(%dma_start3A_973 : memref<128x1024xf32, #tpu.memory_space<hbm>>) target_semaphore(%dma_start3A_970 : memref<!tpu.dma_semaphore, #tpu.memory_space<semaphore_mem>>)
    %add3A_978 = arith.constant 2048 : i32
    %add3A_979 = arith.addi %mul3A_0, %add3A_978 : i32
    %dma_wait3A_980 = arith.constant 0 : i32
    %dma_wait3A_981 = arith.constant 0 : i32
    %dma_wait3A_982 = arith.constant 0 : i32
    %dma_wait3A_983 = tpu.memref_slice %arg5[%dma_wait3A_982] : memref<8x!tpu.dma_semaphore, #tpu.memory_space<semaphore_mem>> -> memref<1x!tpu.dma_semaphore, #tpu.memory_space<semaphore_mem>>
    %dma_wait3A_984 = tpu.memref_squeeze %dma_wait3A_983 : memref<1x!tpu.dma_semaphore, #tpu.memory_space<semaphore_mem>> -> memref<!tpu.dma_semaphore, #tpu.memory_space<semaphore_mem>>
    %dma_wait3A_985 = arith.constant 0 : i32
    %dma_wait3A_986 = tpu.memref_slice %arg2[%dma_wait3A_981, %add3A_979, %dma_wait3A_985] : memref<1x8192x1024xf32, #tpu.memory_space<hbm>> -> memref<1x128x1024xf32, #tpu.memory_space<hbm>>
    %dma_wait3A_987 = tpu.memref_squeeze %dma_wait3A_986 : memref<1x128x1024xf32, #tpu.memory_space<hbm>> -> memref<128x1024xf32, #tpu.memory_space<hbm>>
    %dma_wait3A_988 = arith.constant 0 : i32
    %dma_wait3A_989 = arith.constant 0 : i32
    %dma_wait3A_990 = tpu.memref_slice %arg3[%dma_wait3A_980, %dma_wait3A_988, %dma_wait3A_989] : memref<8x128x1024xf32, #tpu.memory_space<vmem_shared>> -> memref<1x128x1024xf32, #tpu.memory_space<vmem_shared>>
    %dma_wait3A_991 = tpu.memref_squeeze %dma_wait3A_990 : memref<1x128x1024xf32, #tpu.memory_space<vmem_shared>> -> memref<128x1024xf32, #tpu.memory_space<vmem_shared>>
    tpu.wait_dma2 semaphore(%dma_wait3A_984 : memref<!tpu.dma_semaphore, #tpu.memory_space<semaphore_mem>>) src(%dma_wait3A_991 : memref<128x1024xf32, #tpu.memory_space<vmem_shared>>) dst(%dma_wait3A_987 : memref<128x1024xf32, #tpu.memory_space<hbm>>)
    %add3A_992 = arith.constant 3072 : i32
    %add3A_993 = arith.addi %mul3A_0, %add3A_992 : i32
    %dma_start3A_994 = arith.constant 0 : i32
    %dma_start3A_995 = arith.constant 0 : i32
    %dma_start3A_996 = tpu.memref_slice %arg4[%dma_start3A_995] : memref<8x!tpu.dma_semaphore, #tpu.memory_space<semaphore_mem>> -> memref<1x!tpu.dma_semaphore, #tpu.memory_space<semaphore_mem>>
    %dma_start3A_997 = tpu.memref_squeeze %dma_start3A_996 : memref<1x!tpu.dma_semaphore, #tpu.memory_space<semaphore_mem>> -> memref<!tpu.dma_semaphore, #tpu.memory_space<semaphore_mem>>
    %dma_start3A_998 = arith.constant 0 : i32
    %dma_start3A_999 = arith.constant 0 : i32
    %dma_start3A_1000 = tpu.memref_slice %arg3[%dma_start3A_994, %dma_start3A_998, %dma_start3A_999] : memref<8x128x1024xf32, #tpu.memory_space<vmem_shared>> -> memref<1x128x1024xf32, #tpu.memory_space<vmem_shared>>
    %dma_start3A_1001 = tpu.memref_squeeze %dma_start3A_1000 : memref<1x128x1024xf32, #tpu.memory_space<vmem_shared>> -> memref<128x1024xf32, #tpu.memory_space<vmem_shared>>
    %dma_start3A_1002 = arith.constant 0 : i32
    %dma_start3A_1003 = tpu.memref_slice %arg1[%add3A_993, %dma_start3A_1002] : memref<8192x1024xf32, #tpu.memory_space<hbm>> -> memref<128x1024xf32, #tpu.memory_space<hbm>>
    tpu.enqueue_dma source(%dma_start3A_1003 : memref<128x1024xf32, #tpu.memory_space<hbm>>) target(%dma_start3A_1001 : memref<128x1024xf32, #tpu.memory_space<vmem_shared>>) target_semaphore(%dma_start3A_997 : memref<!tpu.dma_semaphore, #tpu.memory_space<semaphore_mem>>)
    %add3A_1004 = arith.constant 2304 : i32
    %add3A_1005 = arith.addi %mul3A_0, %add3A_1004 : i32
    %dma_wait3A_1006 = arith.constant 2 : i32
    %dma_wait3A_1007 = arith.constant 2 : i32
    %dma_wait3A_1008 = tpu.memref_slice %arg4[%dma_wait3A_1007] : memref<8x!tpu.dma_semaphore, #tpu.memory_space<semaphore_mem>> -> memref<1x!tpu.dma_semaphore, #tpu.memory_space<semaphore_mem>>
    %dma_wait3A_1009 = tpu.memref_squeeze %dma_wait3A_1008 : memref<1x!tpu.dma_semaphore, #tpu.memory_space<semaphore_mem>> -> memref<!tpu.dma_semaphore, #tpu.memory_space<semaphore_mem>>
    %dma_wait3A_1010 = arith.constant 0 : i32
    %dma_wait3A_1011 = arith.constant 0 : i32
    %dma_wait3A_1012 = tpu.memref_slice %arg3[%dma_wait3A_1006, %dma_wait3A_1010, %dma_wait3A_1011] : memref<8x128x1024xf32, #tpu.memory_space<vmem_shared>> -> memref<1x128x1024xf32, #tpu.memory_space<vmem_shared>>
    %dma_wait3A_1013 = tpu.memref_squeeze %dma_wait3A_1012 : memref<1x128x1024xf32, #tpu.memory_space<vmem_shared>> -> memref<128x1024xf32, #tpu.memory_space<vmem_shared>>
    %dma_wait3A_1014 = arith.constant 0 : i32
    %dma_wait3A_1015 = tpu.memref_slice %arg1[%add3A_1005, %dma_wait3A_1014] : memref<8192x1024xf32, #tpu.memory_space<hbm>> -> memref<128x1024xf32, #tpu.memory_space<hbm>>
    tpu.wait_dma2 semaphore(%dma_wait3A_1009 : memref<!tpu.dma_semaphore, #tpu.memory_space<semaphore_mem>>) src(%dma_wait3A_1015 : memref<128x1024xf32, #tpu.memory_space<hbm>>) dst(%dma_wait3A_1013 : memref<128x1024xf32, #tpu.memory_space<vmem_shared>>)
    %add3A_1016 = arith.constant 2304 : i32
    %add3A_1017 = arith.addi %mul3A_0, %add3A_1016 : i32
    %dma_start3A_1018 = arith.constant 2 : i32
    %dma_start3A_1019 = arith.constant 0 : i32
    %dma_start3A_1020 = arith.constant 2 : i32
    %dma_start3A_1021 = tpu.memref_slice %arg5[%dma_start3A_1020] : memref<8x!tpu.dma_semaphore, #tpu.memory_space<semaphore_mem>> -> memref<1x!tpu.dma_semaphore, #tpu.memory_space<semaphore_mem>>
    %dma_start3A_1022 = tpu.memref_squeeze %dma_start3A_1021 : memref<1x!tpu.dma_semaphore, #tpu.memory_space<semaphore_mem>> -> memref<!tpu.dma_semaphore, #tpu.memory_space<semaphore_mem>>
    %dma_start3A_1023 = arith.constant 0 : i32
    %dma_start3A_1024 = tpu.memref_slice %arg2[%dma_start3A_1019, %add3A_1017, %dma_start3A_1023] : memref<1x8192x1024xf32, #tpu.memory_space<hbm>> -> memref<1x128x1024xf32, #tpu.memory_space<hbm>>
    %dma_start3A_1025 = tpu.memref_squeeze %dma_start3A_1024 : memref<1x128x1024xf32, #tpu.memory_space<hbm>> -> memref<128x1024xf32, #tpu.memory_space<hbm>>
    %dma_start3A_1026 = arith.constant 0 : i32
    %dma_start3A_1027 = arith.constant 0 : i32
    %dma_start3A_1028 = tpu.memref_slice %arg3[%dma_start3A_1018, %dma_start3A_1026, %dma_start3A_1027] : memref<8x128x1024xf32, #tpu.memory_space<vmem_shared>> -> memref<1x128x1024xf32, #tpu.memory_space<vmem_shared>>
    %dma_start3A_1029 = tpu.memref_squeeze %dma_start3A_1028 : memref<1x128x1024xf32, #tpu.memory_space<vmem_shared>> -> memref<128x1024xf32, #tpu.memory_space<vmem_shared>>
    tpu.enqueue_dma source(%dma_start3A_1029 : memref<128x1024xf32, #tpu.memory_space<vmem_shared>>) target(%dma_start3A_1025 : memref<128x1024xf32, #tpu.memory_space<hbm>>) target_semaphore(%dma_start3A_1022 : memref<!tpu.dma_semaphore, #tpu.memory_space<semaphore_mem>>)
    %add3A_1030 = arith.constant 2176 : i32
    %add3A_1031 = arith.addi %mul3A_0, %add3A_1030 : i32
    %dma_wait3A_1032 = arith.constant 1 : i32
    %dma_wait3A_1033 = arith.constant 0 : i32
    %dma_wait3A_1034 = arith.constant 1 : i32
    %dma_wait3A_1035 = tpu.memref_slice %arg5[%dma_wait3A_1034] : memref<8x!tpu.dma_semaphore, #tpu.memory_space<semaphore_mem>> -> memref<1x!tpu.dma_semaphore, #tpu.memory_space<semaphore_mem>>
    %dma_wait3A_1036 = tpu.memref_squeeze %dma_wait3A_1035 : memref<1x!tpu.dma_semaphore, #tpu.memory_space<semaphore_mem>> -> memref<!tpu.dma_semaphore, #tpu.memory_space<semaphore_mem>>
    %dma_wait3A_1037 = arith.constant 0 : i32
    %dma_wait3A_1038 = tpu.memref_slice %arg2[%dma_wait3A_1033, %add3A_1031, %dma_wait3A_1037] : memref<1x8192x1024xf32, #tpu.memory_space<hbm>> -> memref<1x128x1024xf32, #tpu.memory_space<hbm>>
    %dma_wait3A_1039 = tpu.memref_squeeze %dma_wait3A_1038 : memref<1x128x1024xf32, #tpu.memory_space<hbm>> -> memref<128x1024xf32, #tpu.memory_space<hbm>>
    %dma_wait3A_1040 = arith.constant 0 : i32
    %dma_wait3A_1041 = arith.constant 0 : i32
    %dma_wait3A_1042 = tpu.memref_slice %arg3[%dma_wait3A_1032, %dma_wait3A_1040, %dma_wait3A_1041] : memref<8x128x1024xf32, #tpu.memory_space<vmem_shared>> -> memref<1x128x1024xf32, #tpu.memory_space<vmem_shared>>
    %dma_wait3A_1043 = tpu.memref_squeeze %dma_wait3A_1042 : memref<1x128x1024xf32, #tpu.memory_space<vmem_shared>> -> memref<128x1024xf32, #tpu.memory_space<vmem_shared>>
    tpu.wait_dma2 semaphore(%dma_wait3A_1036 : memref<!tpu.dma_semaphore, #tpu.memory_space<semaphore_mem>>) src(%dma_wait3A_1043 : memref<128x1024xf32, #tpu.memory_space<vmem_shared>>) dst(%dma_wait3A_1039 : memref<128x1024xf32, #tpu.memory_space<hbm>>)
    %add3A_1044 = arith.constant 3200 : i32
    %add3A_1045 = arith.addi %mul3A_0, %add3A_1044 : i32
    %dma_start3A_1046 = arith.constant 1 : i32
    %dma_start3A_1047 = arith.constant 1 : i32
    %dma_start3A_1048 = tpu.memref_slice %arg4[%dma_start3A_1047] : memref<8x!tpu.dma_semaphore, #tpu.memory_space<semaphore_mem>> -> memref<1x!tpu.dma_semaphore, #tpu.memory_space<semaphore_mem>>
    %dma_start3A_1049 = tpu.memref_squeeze %dma_start3A_1048 : memref<1x!tpu.dma_semaphore, #tpu.memory_space<semaphore_mem>> -> memref<!tpu.dma_semaphore, #tpu.memory_space<semaphore_mem>>
    %dma_start3A_1050 = arith.constant 0 : i32
    %dma_start3A_1051 = arith.constant 0 : i32
    %dma_start3A_1052 = tpu.memref_slice %arg3[%dma_start3A_1046, %dma_start3A_1050, %dma_start3A_1051] : memref<8x128x1024xf32, #tpu.memory_space<vmem_shared>> -> memref<1x128x1024xf32, #tpu.memory_space<vmem_shared>>
    %dma_start3A_1053 = tpu.memref_squeeze %dma_start3A_1052 : memref<1x128x1024xf32, #tpu.memory_space<vmem_shared>> -> memref<128x1024xf32, #tpu.memory_space<vmem_shared>>
    %dma_start3A_1054 = arith.constant 0 : i32
    %dma_start3A_1055 = tpu.memref_slice %arg1[%add3A_1045, %dma_start3A_1054] : memref<8192x1024xf32, #tpu.memory_space<hbm>> -> memref<128x1024xf32, #tpu.memory_space<hbm>>
    tpu.enqueue_dma source(%dma_start3A_1055 : memref<128x1024xf32, #tpu.memory_space<hbm>>) target(%dma_start3A_1053 : memref<128x1024xf32, #tpu.memory_space<vmem_shared>>) target_semaphore(%dma_start3A_1049 : memref<!tpu.dma_semaphore, #tpu.memory_space<semaphore_mem>>)
    %add3A_1056 = arith.constant 2432 : i32
    %add3A_1057 = arith.addi %mul3A_0, %add3A_1056 : i32
    %dma_wait3A_1058 = arith.constant 3 : i32
    %dma_wait3A_1059 = arith.constant 3 : i32
    %dma_wait3A_1060 = tpu.memref_slice %arg4[%dma_wait3A_1059] : memref<8x!tpu.dma_semaphore, #tpu.memory_space<semaphore_mem>> -> memref<1x!tpu.dma_semaphore, #tpu.memory_space<semaphore_mem>>
    %dma_wait3A_1061 = tpu.memref_squeeze %dma_wait3A_1060 : memref<1x!tpu.dma_semaphore, #tpu.memory_space<semaphore_mem>> -> memref<!tpu.dma_semaphore, #tpu.memory_space<semaphore_mem>>
    %dma_wait3A_1062 = arith.constant 0 : i32
    %dma_wait3A_1063 = arith.constant 0 : i32
    %dma_wait3A_1064 = tpu.memref_slice %arg3[%dma_wait3A_1058, %dma_wait3A_1062, %dma_wait3A_1063] : memref<8x128x1024xf32, #tpu.memory_space<vmem_shared>> -> memref<1x128x1024xf32, #tpu.memory_space<vmem_shared>>
    %dma_wait3A_1065 = tpu.memref_squeeze %dma_wait3A_1064 : memref<1x128x1024xf32, #tpu.memory_space<vmem_shared>> -> memref<128x1024xf32, #tpu.memory_space<vmem_shared>>
    %dma_wait3A_1066 = arith.constant 0 : i32
    %dma_wait3A_1067 = tpu.memref_slice %arg1[%add3A_1057, %dma_wait3A_1066] : memref<8192x1024xf32, #tpu.memory_space<hbm>> -> memref<128x1024xf32, #tpu.memory_space<hbm>>
    tpu.wait_dma2 semaphore(%dma_wait3A_1061 : memref<!tpu.dma_semaphore, #tpu.memory_space<semaphore_mem>>) src(%dma_wait3A_1067 : memref<128x1024xf32, #tpu.memory_space<hbm>>) dst(%dma_wait3A_1065 : memref<128x1024xf32, #tpu.memory_space<vmem_shared>>)
    %add3A_1068 = arith.constant 2432 : i32
    %add3A_1069 = arith.addi %mul3A_0, %add3A_1068 : i32
    %dma_start3A_1070 = arith.constant 3 : i32
    %dma_start3A_1071 = arith.constant 0 : i32
    %dma_start3A_1072 = arith.constant 3 : i32
    %dma_start3A_1073 = tpu.memref_slice %arg5[%dma_start3A_1072] : memref<8x!tpu.dma_semaphore, #tpu.memory_space<semaphore_mem>> -> memref<1x!tpu.dma_semaphore, #tpu.memory_space<semaphore_mem>>
    %dma_start3A_1074 = tpu.memref_squeeze %dma_start3A_1073 : memref<1x!tpu.dma_semaphore, #tpu.memory_space<semaphore_mem>> -> memref<!tpu.dma_semaphore, #tpu.memory_space<semaphore_mem>>
    %dma_start3A_1075 = arith.constant 0 : i32
    %dma_start3A_1076 = tpu.memref_slice %arg2[%dma_start3A_1071, %add3A_1069, %dma_start3A_1075] : memref<1x8192x1024xf32, #tpu.memory_space<hbm>> -> memref<1x128x1024xf32, #tpu.memory_space<hbm>>
    %dma_start3A_1077 = tpu.memref_squeeze %dma_start3A_1076 : memref<1x128x1024xf32, #tpu.memory_space<hbm>> -> memref<128x1024xf32, #tpu.memory_space<hbm>>
    %dma_start3A_1078 = arith.constant 0 : i32
    %dma_start3A_1079 = arith.constant 0 : i32
    %dma_start3A_1080 = tpu.memref_slice %arg3[%dma_start3A_1070, %dma_start3A_1078, %dma_start3A_1079] : memref<8x128x1024xf32, #tpu.memory_space<vmem_shared>> -> memref<1x128x1024xf32, #tpu.memory_space<vmem_shared>>
    %dma_start3A_1081 = tpu.memref_squeeze %dma_start3A_1080 : memref<1x128x1024xf32, #tpu.memory_space<vmem_shared>> -> memref<128x1024xf32, #tpu.memory_space<vmem_shared>>
    tpu.enqueue_dma source(%dma_start3A_1081 : memref<128x1024xf32, #tpu.memory_space<vmem_shared>>) target(%dma_start3A_1077 : memref<128x1024xf32, #tpu.memory_space<hbm>>) target_semaphore(%dma_start3A_1074 : memref<!tpu.dma_semaphore, #tpu.memory_space<semaphore_mem>>)
    %add3A_1082 = arith.constant 2304 : i32
    %add3A_1083 = arith.addi %mul3A_0, %add3A_1082 : i32
    %dma_wait3A_1084 = arith.constant 2 : i32
    %dma_wait3A_1085 = arith.constant 0 : i32
    %dma_wait3A_1086 = arith.constant 2 : i32
    %dma_wait3A_1087 = tpu.memref_slice %arg5[%dma_wait3A_1086] : memref<8x!tpu.dma_semaphore, #tpu.memory_space<semaphore_mem>> -> memref<1x!tpu.dma_semaphore, #tpu.memory_space<semaphore_mem>>
    %dma_wait3A_1088 = tpu.memref_squeeze %dma_wait3A_1087 : memref<1x!tpu.dma_semaphore, #tpu.memory_space<semaphore_mem>> -> memref<!tpu.dma_semaphore, #tpu.memory_space<semaphore_mem>>
    %dma_wait3A_1089 = arith.constant 0 : i32
    %dma_wait3A_1090 = tpu.memref_slice %arg2[%dma_wait3A_1085, %add3A_1083, %dma_wait3A_1089] : memref<1x8192x1024xf32, #tpu.memory_space<hbm>> -> memref<1x128x1024xf32, #tpu.memory_space<hbm>>
    %dma_wait3A_1091 = tpu.memref_squeeze %dma_wait3A_1090 : memref<1x128x1024xf32, #tpu.memory_space<hbm>> -> memref<128x1024xf32, #tpu.memory_space<hbm>>
    %dma_wait3A_1092 = arith.constant 0 : i32
    %dma_wait3A_1093 = arith.constant 0 : i32
    %dma_wait3A_1094 = tpu.memref_slice %arg3[%dma_wait3A_1084, %dma_wait3A_1092, %dma_wait3A_1093] : memref<8x128x1024xf32, #tpu.memory_space<vmem_shared>> -> memref<1x128x1024xf32, #tpu.memory_space<vmem_shared>>
    %dma_wait3A_1095 = tpu.memref_squeeze %dma_wait3A_1094 : memref<1x128x1024xf32, #tpu.memory_space<vmem_shared>> -> memref<128x1024xf32, #tpu.memory_space<vmem_shared>>
    tpu.wait_dma2 semaphore(%dma_wait3A_1088 : memref<!tpu.dma_semaphore, #tpu.memory_space<semaphore_mem>>) src(%dma_wait3A_1095 : memref<128x1024xf32, #tpu.memory_space<vmem_shared>>) dst(%dma_wait3A_1091 : memref<128x1024xf32, #tpu.memory_space<hbm>>)
    %add3A_1096 = arith.constant 3328 : i32
    %add3A_1097 = arith.addi %mul3A_0, %add3A_1096 : i32
    %dma_start3A_1098 = arith.constant 2 : i32
    %dma_start3A_1099 = arith.constant 2 : i32
    %dma_start3A_1100 = tpu.memref_slice %arg4[%dma_start3A_1099] : memref<8x!tpu.dma_semaphore, #tpu.memory_space<semaphore_mem>> -> memref<1x!tpu.dma_semaphore, #tpu.memory_space<semaphore_mem>>
    %dma_start3A_1101 = tpu.memref_squeeze %dma_start3A_1100 : memref<1x!tpu.dma_semaphore, #tpu.memory_space<semaphore_mem>> -> memref<!tpu.dma_semaphore, #tpu.memory_space<semaphore_mem>>
    %dma_start3A_1102 = arith.constant 0 : i32
    %dma_start3A_1103 = arith.constant 0 : i32
    %dma_start3A_1104 = tpu.memref_slice %arg3[%dma_start3A_1098, %dma_start3A_1102, %dma_start3A_1103] : memref<8x128x1024xf32, #tpu.memory_space<vmem_shared>> -> memref<1x128x1024xf32, #tpu.memory_space<vmem_shared>>
    %dma_start3A_1105 = tpu.memref_squeeze %dma_start3A_1104 : memref<1x128x1024xf32, #tpu.memory_space<vmem_shared>> -> memref<128x1024xf32, #tpu.memory_space<vmem_shared>>
    %dma_start3A_1106 = arith.constant 0 : i32
    %dma_start3A_1107 = tpu.memref_slice %arg1[%add3A_1097, %dma_start3A_1106] : memref<8192x1024xf32, #tpu.memory_space<hbm>> -> memref<128x1024xf32, #tpu.memory_space<hbm>>
    tpu.enqueue_dma source(%dma_start3A_1107 : memref<128x1024xf32, #tpu.memory_space<hbm>>) target(%dma_start3A_1105 : memref<128x1024xf32, #tpu.memory_space<vmem_shared>>) target_semaphore(%dma_start3A_1101 : memref<!tpu.dma_semaphore, #tpu.memory_space<semaphore_mem>>)
    %add3A_1108 = arith.constant 2560 : i32
    %add3A_1109 = arith.addi %mul3A_0, %add3A_1108 : i32
    %dma_wait3A_1110 = arith.constant 4 : i32
    %dma_wait3A_1111 = arith.constant 4 : i32
    %dma_wait3A_1112 = tpu.memref_slice %arg4[%dma_wait3A_1111] : memref<8x!tpu.dma_semaphore, #tpu.memory_space<semaphore_mem>> -> memref<1x!tpu.dma_semaphore, #tpu.memory_space<semaphore_mem>>
    %dma_wait3A_1113 = tpu.memref_squeeze %dma_wait3A_1112 : memref<1x!tpu.dma_semaphore, #tpu.memory_space<semaphore_mem>> -> memref<!tpu.dma_semaphore, #tpu.memory_space<semaphore_mem>>
    %dma_wait3A_1114 = arith.constant 0 : i32
    %dma_wait3A_1115 = arith.constant 0 : i32
    %dma_wait3A_1116 = tpu.memref_slice %arg3[%dma_wait3A_1110, %dma_wait3A_1114, %dma_wait3A_1115] : memref<8x128x1024xf32, #tpu.memory_space<vmem_shared>> -> memref<1x128x1024xf32, #tpu.memory_space<vmem_shared>>
    %dma_wait3A_1117 = tpu.memref_squeeze %dma_wait3A_1116 : memref<1x128x1024xf32, #tpu.memory_space<vmem_shared>> -> memref<128x1024xf32, #tpu.memory_space<vmem_shared>>
    %dma_wait3A_1118 = arith.constant 0 : i32
    %dma_wait3A_1119 = tpu.memref_slice %arg1[%add3A_1109, %dma_wait3A_1118] : memref<8192x1024xf32, #tpu.memory_space<hbm>> -> memref<128x1024xf32, #tpu.memory_space<hbm>>
    tpu.wait_dma2 semaphore(%dma_wait3A_1113 : memref<!tpu.dma_semaphore, #tpu.memory_space<semaphore_mem>>) src(%dma_wait3A_1119 : memref<128x1024xf32, #tpu.memory_space<hbm>>) dst(%dma_wait3A_1117 : memref<128x1024xf32, #tpu.memory_space<vmem_shared>>)
    %add3A_1120 = arith.constant 2560 : i32
    %add3A_1121 = arith.addi %mul3A_0, %add3A_1120 : i32
    %dma_start3A_1122 = arith.constant 4 : i32
    %dma_start3A_1123 = arith.constant 0 : i32
    %dma_start3A_1124 = arith.constant 4 : i32
    %dma_start3A_1125 = tpu.memref_slice %arg5[%dma_start3A_1124] : memref<8x!tpu.dma_semaphore, #tpu.memory_space<semaphore_mem>> -> memref<1x!tpu.dma_semaphore, #tpu.memory_space<semaphore_mem>>
    %dma_start3A_1126 = tpu.memref_squeeze %dma_start3A_1125 : memref<1x!tpu.dma_semaphore, #tpu.memory_space<semaphore_mem>> -> memref<!tpu.dma_semaphore, #tpu.memory_space<semaphore_mem>>
    %dma_start3A_1127 = arith.constant 0 : i32
    %dma_start3A_1128 = tpu.memref_slice %arg2[%dma_start3A_1123, %add3A_1121, %dma_start3A_1127] : memref<1x8192x1024xf32, #tpu.memory_space<hbm>> -> memref<1x128x1024xf32, #tpu.memory_space<hbm>>
    %dma_start3A_1129 = tpu.memref_squeeze %dma_start3A_1128 : memref<1x128x1024xf32, #tpu.memory_space<hbm>> -> memref<128x1024xf32, #tpu.memory_space<hbm>>
    %dma_start3A_1130 = arith.constant 0 : i32
    %dma_start3A_1131 = arith.constant 0 : i32
    %dma_start3A_1132 = tpu.memref_slice %arg3[%dma_start3A_1122, %dma_start3A_1130, %dma_start3A_1131] : memref<8x128x1024xf32, #tpu.memory_space<vmem_shared>> -> memref<1x128x1024xf32, #tpu.memory_space<vmem_shared>>
    %dma_start3A_1133 = tpu.memref_squeeze %dma_start3A_1132 : memref<1x128x1024xf32, #tpu.memory_space<vmem_shared>> -> memref<128x1024xf32, #tpu.memory_space<vmem_shared>>
    tpu.enqueue_dma source(%dma_start3A_1133 : memref<128x1024xf32, #tpu.memory_space<vmem_shared>>) target(%dma_start3A_1129 : memref<128x1024xf32, #tpu.memory_space<hbm>>) target_semaphore(%dma_start3A_1126 : memref<!tpu.dma_semaphore, #tpu.memory_space<semaphore_mem>>)
    %add3A_1134 = arith.constant 2432 : i32
    %add3A_1135 = arith.addi %mul3A_0, %add3A_1134 : i32
    %dma_wait3A_1136 = arith.constant 3 : i32
    %dma_wait3A_1137 = arith.constant 0 : i32
    %dma_wait3A_1138 = arith.constant 3 : i32
    %dma_wait3A_1139 = tpu.memref_slice %arg5[%dma_wait3A_1138] : memref<8x!tpu.dma_semaphore, #tpu.memory_space<semaphore_mem>> -> memref<1x!tpu.dma_semaphore, #tpu.memory_space<semaphore_mem>>
    %dma_wait3A_1140 = tpu.memref_squeeze %dma_wait3A_1139 : memref<1x!tpu.dma_semaphore, #tpu.memory_space<semaphore_mem>> -> memref<!tpu.dma_semaphore, #tpu.memory_space<semaphore_mem>>
    %dma_wait3A_1141 = arith.constant 0 : i32
    %dma_wait3A_1142 = tpu.memref_slice %arg2[%dma_wait3A_1137, %add3A_1135, %dma_wait3A_1141] : memref<1x8192x1024xf32, #tpu.memory_space<hbm>> -> memref<1x128x1024xf32, #tpu.memory_space<hbm>>
    %dma_wait3A_1143 = tpu.memref_squeeze %dma_wait3A_1142 : memref<1x128x1024xf32, #tpu.memory_space<hbm>> -> memref<128x1024xf32, #tpu.memory_space<hbm>>
    %dma_wait3A_1144 = arith.constant 0 : i32
    %dma_wait3A_1145 = arith.constant 0 : i32
    %dma_wait3A_1146 = tpu.memref_slice %arg3[%dma_wait3A_1136, %dma_wait3A_1144, %dma_wait3A_1145] : memref<8x128x1024xf32, #tpu.memory_space<vmem_shared>> -> memref<1x128x1024xf32, #tpu.memory_space<vmem_shared>>
    %dma_wait3A_1147 = tpu.memref_squeeze %dma_wait3A_1146 : memref<1x128x1024xf32, #tpu.memory_space<vmem_shared>> -> memref<128x1024xf32, #tpu.memory_space<vmem_shared>>
    tpu.wait_dma2 semaphore(%dma_wait3A_1140 : memref<!tpu.dma_semaphore, #tpu.memory_space<semaphore_mem>>) src(%dma_wait3A_1147 : memref<128x1024xf32, #tpu.memory_space<vmem_shared>>) dst(%dma_wait3A_1143 : memref<128x1024xf32, #tpu.memory_space<hbm>>)
    %add3A_1148 = arith.constant 3456 : i32
    %add3A_1149 = arith.addi %mul3A_0, %add3A_1148 : i32
    %dma_start3A_1150 = arith.constant 3 : i32
    %dma_start3A_1151 = arith.constant 3 : i32
    %dma_start3A_1152 = tpu.memref_slice %arg4[%dma_start3A_1151] : memref<8x!tpu.dma_semaphore, #tpu.memory_space<semaphore_mem>> -> memref<1x!tpu.dma_semaphore, #tpu.memory_space<semaphore_mem>>
    %dma_start3A_1153 = tpu.memref_squeeze %dma_start3A_1152 : memref<1x!tpu.dma_semaphore, #tpu.memory_space<semaphore_mem>> -> memref<!tpu.dma_semaphore, #tpu.memory_space<semaphore_mem>>
    %dma_start3A_1154 = arith.constant 0 : i32
    %dma_start3A_1155 = arith.constant 0 : i32
    %dma_start3A_1156 = tpu.memref_slice %arg3[%dma_start3A_1150, %dma_start3A_1154, %dma_start3A_1155] : memref<8x128x1024xf32, #tpu.memory_space<vmem_shared>> -> memref<1x128x1024xf32, #tpu.memory_space<vmem_shared>>
    %dma_start3A_1157 = tpu.memref_squeeze %dma_start3A_1156 : memref<1x128x1024xf32, #tpu.memory_space<vmem_shared>> -> memref<128x1024xf32, #tpu.memory_space<vmem_shared>>
    %dma_start3A_1158 = arith.constant 0 : i32
    %dma_start3A_1159 = tpu.memref_slice %arg1[%add3A_1149, %dma_start3A_1158] : memref<8192x1024xf32, #tpu.memory_space<hbm>> -> memref<128x1024xf32, #tpu.memory_space<hbm>>
    tpu.enqueue_dma source(%dma_start3A_1159 : memref<128x1024xf32, #tpu.memory_space<hbm>>) target(%dma_start3A_1157 : memref<128x1024xf32, #tpu.memory_space<vmem_shared>>) target_semaphore(%dma_start3A_1153 : memref<!tpu.dma_semaphore, #tpu.memory_space<semaphore_mem>>)
    %add3A_1160 = arith.constant 2688 : i32
    %add3A_1161 = arith.addi %mul3A_0, %add3A_1160 : i32
    %dma_wait3A_1162 = arith.constant 5 : i32
    %dma_wait3A_1163 = arith.constant 5 : i32
    %dma_wait3A_1164 = tpu.memref_slice %arg4[%dma_wait3A_1163] : memref<8x!tpu.dma_semaphore, #tpu.memory_space<semaphore_mem>> -> memref<1x!tpu.dma_semaphore, #tpu.memory_space<semaphore_mem>>
    %dma_wait3A_1165 = tpu.memref_squeeze %dma_wait3A_1164 : memref<1x!tpu.dma_semaphore, #tpu.memory_space<semaphore_mem>> -> memref<!tpu.dma_semaphore, #tpu.memory_space<semaphore_mem>>
    %dma_wait3A_1166 = arith.constant 0 : i32
    %dma_wait3A_1167 = arith.constant 0 : i32
    %dma_wait3A_1168 = tpu.memref_slice %arg3[%dma_wait3A_1162, %dma_wait3A_1166, %dma_wait3A_1167] : memref<8x128x1024xf32, #tpu.memory_space<vmem_shared>> -> memref<1x128x1024xf32, #tpu.memory_space<vmem_shared>>
    %dma_wait3A_1169 = tpu.memref_squeeze %dma_wait3A_1168 : memref<1x128x1024xf32, #tpu.memory_space<vmem_shared>> -> memref<128x1024xf32, #tpu.memory_space<vmem_shared>>
    %dma_wait3A_1170 = arith.constant 0 : i32
    %dma_wait3A_1171 = tpu.memref_slice %arg1[%add3A_1161, %dma_wait3A_1170] : memref<8192x1024xf32, #tpu.memory_space<hbm>> -> memref<128x1024xf32, #tpu.memory_space<hbm>>
    tpu.wait_dma2 semaphore(%dma_wait3A_1165 : memref<!tpu.dma_semaphore, #tpu.memory_space<semaphore_mem>>) src(%dma_wait3A_1171 : memref<128x1024xf32, #tpu.memory_space<hbm>>) dst(%dma_wait3A_1169 : memref<128x1024xf32, #tpu.memory_space<vmem_shared>>)
    %add3A_1172 = arith.constant 2688 : i32
    %add3A_1173 = arith.addi %mul3A_0, %add3A_1172 : i32
    %dma_start3A_1174 = arith.constant 5 : i32
    %dma_start3A_1175 = arith.constant 0 : i32
    %dma_start3A_1176 = arith.constant 5 : i32
    %dma_start3A_1177 = tpu.memref_slice %arg5[%dma_start3A_1176] : memref<8x!tpu.dma_semaphore, #tpu.memory_space<semaphore_mem>> -> memref<1x!tpu.dma_semaphore, #tpu.memory_space<semaphore_mem>>
    %dma_start3A_1178 = tpu.memref_squeeze %dma_start3A_1177 : memref<1x!tpu.dma_semaphore, #tpu.memory_space<semaphore_mem>> -> memref<!tpu.dma_semaphore, #tpu.memory_space<semaphore_mem>>
    %dma_start3A_1179 = arith.constant 0 : i32
    %dma_start3A_1180 = tpu.memref_slice %arg2[%dma_start3A_1175, %add3A_1173, %dma_start3A_1179] : memref<1x8192x1024xf32, #tpu.memory_space<hbm>> -> memref<1x128x1024xf32, #tpu.memory_space<hbm>>
    %dma_start3A_1181 = tpu.memref_squeeze %dma_start3A_1180 : memref<1x128x1024xf32, #tpu.memory_space<hbm>> -> memref<128x1024xf32, #tpu.memory_space<hbm>>
    %dma_start3A_1182 = arith.constant 0 : i32
    %dma_start3A_1183 = arith.constant 0 : i32
    %dma_start3A_1184 = tpu.memref_slice %arg3[%dma_start3A_1174, %dma_start3A_1182, %dma_start3A_1183] : memref<8x128x1024xf32, #tpu.memory_space<vmem_shared>> -> memref<1x128x1024xf32, #tpu.memory_space<vmem_shared>>
    %dma_start3A_1185 = tpu.memref_squeeze %dma_start3A_1184 : memref<1x128x1024xf32, #tpu.memory_space<vmem_shared>> -> memref<128x1024xf32, #tpu.memory_space<vmem_shared>>
    tpu.enqueue_dma source(%dma_start3A_1185 : memref<128x1024xf32, #tpu.memory_space<vmem_shared>>) target(%dma_start3A_1181 : memref<128x1024xf32, #tpu.memory_space<hbm>>) target_semaphore(%dma_start3A_1178 : memref<!tpu.dma_semaphore, #tpu.memory_space<semaphore_mem>>)
    %add3A_1186 = arith.constant 2560 : i32
    %add3A_1187 = arith.addi %mul3A_0, %add3A_1186 : i32
    %dma_wait3A_1188 = arith.constant 4 : i32
    %dma_wait3A_1189 = arith.constant 0 : i32
    %dma_wait3A_1190 = arith.constant 4 : i32
    %dma_wait3A_1191 = tpu.memref_slice %arg5[%dma_wait3A_1190] : memref<8x!tpu.dma_semaphore, #tpu.memory_space<semaphore_mem>> -> memref<1x!tpu.dma_semaphore, #tpu.memory_space<semaphore_mem>>
    %dma_wait3A_1192 = tpu.memref_squeeze %dma_wait3A_1191 : memref<1x!tpu.dma_semaphore, #tpu.memory_space<semaphore_mem>> -> memref<!tpu.dma_semaphore, #tpu.memory_space<semaphore_mem>>
    %dma_wait3A_1193 = arith.constant 0 : i32
    %dma_wait3A_1194 = tpu.memref_slice %arg2[%dma_wait3A_1189, %add3A_1187, %dma_wait3A_1193] : memref<1x8192x1024xf32, #tpu.memory_space<hbm>> -> memref<1x128x1024xf32, #tpu.memory_space<hbm>>
    %dma_wait3A_1195 = tpu.memref_squeeze %dma_wait3A_1194 : memref<1x128x1024xf32, #tpu.memory_space<hbm>> -> memref<128x1024xf32, #tpu.memory_space<hbm>>
    %dma_wait3A_1196 = arith.constant 0 : i32
    %dma_wait3A_1197 = arith.constant 0 : i32
    %dma_wait3A_1198 = tpu.memref_slice %arg3[%dma_wait3A_1188, %dma_wait3A_1196, %dma_wait3A_1197] : memref<8x128x1024xf32, #tpu.memory_space<vmem_shared>> -> memref<1x128x1024xf32, #tpu.memory_space<vmem_shared>>
    %dma_wait3A_1199 = tpu.memref_squeeze %dma_wait3A_1198 : memref<1x128x1024xf32, #tpu.memory_space<vmem_shared>> -> memref<128x1024xf32, #tpu.memory_space<vmem_shared>>
    tpu.wait_dma2 semaphore(%dma_wait3A_1192 : memref<!tpu.dma_semaphore, #tpu.memory_space<semaphore_mem>>) src(%dma_wait3A_1199 : memref<128x1024xf32, #tpu.memory_space<vmem_shared>>) dst(%dma_wait3A_1195 : memref<128x1024xf32, #tpu.memory_space<hbm>>)
    %add3A_1200 = arith.constant 3584 : i32
    %add3A_1201 = arith.addi %mul3A_0, %add3A_1200 : i32
    %dma_start3A_1202 = arith.constant 4 : i32
    %dma_start3A_1203 = arith.constant 4 : i32
    %dma_start3A_1204 = tpu.memref_slice %arg4[%dma_start3A_1203] : memref<8x!tpu.dma_semaphore, #tpu.memory_space<semaphore_mem>> -> memref<1x!tpu.dma_semaphore, #tpu.memory_space<semaphore_mem>>
    %dma_start3A_1205 = tpu.memref_squeeze %dma_start3A_1204 : memref<1x!tpu.dma_semaphore, #tpu.memory_space<semaphore_mem>> -> memref<!tpu.dma_semaphore, #tpu.memory_space<semaphore_mem>>
    %dma_start3A_1206 = arith.constant 0 : i32
    %dma_start3A_1207 = arith.constant 0 : i32
    %dma_start3A_1208 = tpu.memref_slice %arg3[%dma_start3A_1202, %dma_start3A_1206, %dma_start3A_1207] : memref<8x128x1024xf32, #tpu.memory_space<vmem_shared>> -> memref<1x128x1024xf32, #tpu.memory_space<vmem_shared>>
    %dma_start3A_1209 = tpu.memref_squeeze %dma_start3A_1208 : memref<1x128x1024xf32, #tpu.memory_space<vmem_shared>> -> memref<128x1024xf32, #tpu.memory_space<vmem_shared>>
    %dma_start3A_1210 = arith.constant 0 : i32
    %dma_start3A_1211 = tpu.memref_slice %arg1[%add3A_1201, %dma_start3A_1210] : memref<8192x1024xf32, #tpu.memory_space<hbm>> -> memref<128x1024xf32, #tpu.memory_space<hbm>>
    tpu.enqueue_dma source(%dma_start3A_1211 : memref<128x1024xf32, #tpu.memory_space<hbm>>) target(%dma_start3A_1209 : memref<128x1024xf32, #tpu.memory_space<vmem_shared>>) target_semaphore(%dma_start3A_1205 : memref<!tpu.dma_semaphore, #tpu.memory_space<semaphore_mem>>)
    %add3A_1212 = arith.constant 2816 : i32
    %add3A_1213 = arith.addi %mul3A_0, %add3A_1212 : i32
    %dma_wait3A_1214 = arith.constant 6 : i32
    %dma_wait3A_1215 = arith.constant 6 : i32
    %dma_wait3A_1216 = tpu.memref_slice %arg4[%dma_wait3A_1215] : memref<8x!tpu.dma_semaphore, #tpu.memory_space<semaphore_mem>> -> memref<1x!tpu.dma_semaphore, #tpu.memory_space<semaphore_mem>>
    %dma_wait3A_1217 = tpu.memref_squeeze %dma_wait3A_1216 : memref<1x!tpu.dma_semaphore, #tpu.memory_space<semaphore_mem>> -> memref<!tpu.dma_semaphore, #tpu.memory_space<semaphore_mem>>
    %dma_wait3A_1218 = arith.constant 0 : i32
    %dma_wait3A_1219 = arith.constant 0 : i32
    %dma_wait3A_1220 = tpu.memref_slice %arg3[%dma_wait3A_1214, %dma_wait3A_1218, %dma_wait3A_1219] : memref<8x128x1024xf32, #tpu.memory_space<vmem_shared>> -> memref<1x128x1024xf32, #tpu.memory_space<vmem_shared>>
    %dma_wait3A_1221 = tpu.memref_squeeze %dma_wait3A_1220 : memref<1x128x1024xf32, #tpu.memory_space<vmem_shared>> -> memref<128x1024xf32, #tpu.memory_space<vmem_shared>>
    %dma_wait3A_1222 = arith.constant 0 : i32
    %dma_wait3A_1223 = tpu.memref_slice %arg1[%add3A_1213, %dma_wait3A_1222] : memref<8192x1024xf32, #tpu.memory_space<hbm>> -> memref<128x1024xf32, #tpu.memory_space<hbm>>
    tpu.wait_dma2 semaphore(%dma_wait3A_1217 : memref<!tpu.dma_semaphore, #tpu.memory_space<semaphore_mem>>) src(%dma_wait3A_1223 : memref<128x1024xf32, #tpu.memory_space<hbm>>) dst(%dma_wait3A_1221 : memref<128x1024xf32, #tpu.memory_space<vmem_shared>>)
    %add3A_1224 = arith.constant 2816 : i32
    %add3A_1225 = arith.addi %mul3A_0, %add3A_1224 : i32
    %dma_start3A_1226 = arith.constant 6 : i32
    %dma_start3A_1227 = arith.constant 0 : i32
    %dma_start3A_1228 = arith.constant 6 : i32
    %dma_start3A_1229 = tpu.memref_slice %arg5[%dma_start3A_1228] : memref<8x!tpu.dma_semaphore, #tpu.memory_space<semaphore_mem>> -> memref<1x!tpu.dma_semaphore, #tpu.memory_space<semaphore_mem>>
    %dma_start3A_1230 = tpu.memref_squeeze %dma_start3A_1229 : memref<1x!tpu.dma_semaphore, #tpu.memory_space<semaphore_mem>> -> memref<!tpu.dma_semaphore, #tpu.memory_space<semaphore_mem>>
    %dma_start3A_1231 = arith.constant 0 : i32
    %dma_start3A_1232 = tpu.memref_slice %arg2[%dma_start3A_1227, %add3A_1225, %dma_start3A_1231] : memref<1x8192x1024xf32, #tpu.memory_space<hbm>> -> memref<1x128x1024xf32, #tpu.memory_space<hbm>>
    %dma_start3A_1233 = tpu.memref_squeeze %dma_start3A_1232 : memref<1x128x1024xf32, #tpu.memory_space<hbm>> -> memref<128x1024xf32, #tpu.memory_space<hbm>>
    %dma_start3A_1234 = arith.constant 0 : i32
    %dma_start3A_1235 = arith.constant 0 : i32
    %dma_start3A_1236 = tpu.memref_slice %arg3[%dma_start3A_1226, %dma_start3A_1234, %dma_start3A_1235] : memref<8x128x1024xf32, #tpu.memory_space<vmem_shared>> -> memref<1x128x1024xf32, #tpu.memory_space<vmem_shared>>
    %dma_start3A_1237 = tpu.memref_squeeze %dma_start3A_1236 : memref<1x128x1024xf32, #tpu.memory_space<vmem_shared>> -> memref<128x1024xf32, #tpu.memory_space<vmem_shared>>
    tpu.enqueue_dma source(%dma_start3A_1237 : memref<128x1024xf32, #tpu.memory_space<vmem_shared>>) target(%dma_start3A_1233 : memref<128x1024xf32, #tpu.memory_space<hbm>>) target_semaphore(%dma_start3A_1230 : memref<!tpu.dma_semaphore, #tpu.memory_space<semaphore_mem>>)
    %add3A_1238 = arith.constant 2688 : i32
    %add3A_1239 = arith.addi %mul3A_0, %add3A_1238 : i32
    %dma_wait3A_1240 = arith.constant 5 : i32
    %dma_wait3A_1241 = arith.constant 0 : i32
    %dma_wait3A_1242 = arith.constant 5 : i32
    %dma_wait3A_1243 = tpu.memref_slice %arg5[%dma_wait3A_1242] : memref<8x!tpu.dma_semaphore, #tpu.memory_space<semaphore_mem>> -> memref<1x!tpu.dma_semaphore, #tpu.memory_space<semaphore_mem>>
    %dma_wait3A_1244 = tpu.memref_squeeze %dma_wait3A_1243 : memref<1x!tpu.dma_semaphore, #tpu.memory_space<semaphore_mem>> -> memref<!tpu.dma_semaphore, #tpu.memory_space<semaphore_mem>>
    %dma_wait3A_1245 = arith.constant 0 : i32
    %dma_wait3A_1246 = tpu.memref_slice %arg2[%dma_wait3A_1241, %add3A_1239, %dma_wait3A_1245] : memref<1x8192x1024xf32, #tpu.memory_space<hbm>> -> memref<1x128x1024xf32, #tpu.memory_space<hbm>>
    %dma_wait3A_1247 = tpu.memref_squeeze %dma_wait3A_1246 : memref<1x128x1024xf32, #tpu.memory_space<hbm>> -> memref<128x1024xf32, #tpu.memory_space<hbm>>
    %dma_wait3A_1248 = arith.constant 0 : i32
    %dma_wait3A_1249 = arith.constant 0 : i32
    %dma_wait3A_1250 = tpu.memref_slice %arg3[%dma_wait3A_1240, %dma_wait3A_1248, %dma_wait3A_1249] : memref<8x128x1024xf32, #tpu.memory_space<vmem_shared>> -> memref<1x128x1024xf32, #tpu.memory_space<vmem_shared>>
    %dma_wait3A_1251 = tpu.memref_squeeze %dma_wait3A_1250 : memref<1x128x1024xf32, #tpu.memory_space<vmem_shared>> -> memref<128x1024xf32, #tpu.memory_space<vmem_shared>>
    tpu.wait_dma2 semaphore(%dma_wait3A_1244 : memref<!tpu.dma_semaphore, #tpu.memory_space<semaphore_mem>>) src(%dma_wait3A_1251 : memref<128x1024xf32, #tpu.memory_space<vmem_shared>>) dst(%dma_wait3A_1247 : memref<128x1024xf32, #tpu.memory_space<hbm>>)
    %add3A_1252 = arith.constant 3712 : i32
    %add3A_1253 = arith.addi %mul3A_0, %add3A_1252 : i32
    %dma_start3A_1254 = arith.constant 5 : i32
    %dma_start3A_1255 = arith.constant 5 : i32
    %dma_start3A_1256 = tpu.memref_slice %arg4[%dma_start3A_1255] : memref<8x!tpu.dma_semaphore, #tpu.memory_space<semaphore_mem>> -> memref<1x!tpu.dma_semaphore, #tpu.memory_space<semaphore_mem>>
    %dma_start3A_1257 = tpu.memref_squeeze %dma_start3A_1256 : memref<1x!tpu.dma_semaphore, #tpu.memory_space<semaphore_mem>> -> memref<!tpu.dma_semaphore, #tpu.memory_space<semaphore_mem>>
    %dma_start3A_1258 = arith.constant 0 : i32
    %dma_start3A_1259 = arith.constant 0 : i32
    %dma_start3A_1260 = tpu.memref_slice %arg3[%dma_start3A_1254, %dma_start3A_1258, %dma_start3A_1259] : memref<8x128x1024xf32, #tpu.memory_space<vmem_shared>> -> memref<1x128x1024xf32, #tpu.memory_space<vmem_shared>>
    %dma_start3A_1261 = tpu.memref_squeeze %dma_start3A_1260 : memref<1x128x1024xf32, #tpu.memory_space<vmem_shared>> -> memref<128x1024xf32, #tpu.memory_space<vmem_shared>>
    %dma_start3A_1262 = arith.constant 0 : i32
    %dma_start3A_1263 = tpu.memref_slice %arg1[%add3A_1253, %dma_start3A_1262] : memref<8192x1024xf32, #tpu.memory_space<hbm>> -> memref<128x1024xf32, #tpu.memory_space<hbm>>
    tpu.enqueue_dma source(%dma_start3A_1263 : memref<128x1024xf32, #tpu.memory_space<hbm>>) target(%dma_start3A_1261 : memref<128x1024xf32, #tpu.memory_space<vmem_shared>>) target_semaphore(%dma_start3A_1257 : memref<!tpu.dma_semaphore, #tpu.memory_space<semaphore_mem>>)
    %add3A_1264 = arith.constant 2944 : i32
    %add3A_1265 = arith.addi %mul3A_0, %add3A_1264 : i32
    %dma_wait3A_1266 = arith.constant 7 : i32
    %dma_wait3A_1267 = arith.constant 7 : i32
    %dma_wait3A_1268 = tpu.memref_slice %arg4[%dma_wait3A_1267] : memref<8x!tpu.dma_semaphore, #tpu.memory_space<semaphore_mem>> -> memref<1x!tpu.dma_semaphore, #tpu.memory_space<semaphore_mem>>
    %dma_wait3A_1269 = tpu.memref_squeeze %dma_wait3A_1268 : memref<1x!tpu.dma_semaphore, #tpu.memory_space<semaphore_mem>> -> memref<!tpu.dma_semaphore, #tpu.memory_space<semaphore_mem>>
    %dma_wait3A_1270 = arith.constant 0 : i32
    %dma_wait3A_1271 = arith.constant 0 : i32
    %dma_wait3A_1272 = tpu.memref_slice %arg3[%dma_wait3A_1266, %dma_wait3A_1270, %dma_wait3A_1271] : memref<8x128x1024xf32, #tpu.memory_space<vmem_shared>> -> memref<1x128x1024xf32, #tpu.memory_space<vmem_shared>>
    %dma_wait3A_1273 = tpu.memref_squeeze %dma_wait3A_1272 : memref<1x128x1024xf32, #tpu.memory_space<vmem_shared>> -> memref<128x1024xf32, #tpu.memory_space<vmem_shared>>
    %dma_wait3A_1274 = arith.constant 0 : i32
    %dma_wait3A_1275 = tpu.memref_slice %arg1[%add3A_1265, %dma_wait3A_1274] : memref<8192x1024xf32, #tpu.memory_space<hbm>> -> memref<128x1024xf32, #tpu.memory_space<hbm>>
    tpu.wait_dma2 semaphore(%dma_wait3A_1269 : memref<!tpu.dma_semaphore, #tpu.memory_space<semaphore_mem>>) src(%dma_wait3A_1275 : memref<128x1024xf32, #tpu.memory_space<hbm>>) dst(%dma_wait3A_1273 : memref<128x1024xf32, #tpu.memory_space<vmem_shared>>)
    %add3A_1276 = arith.constant 2944 : i32
    %add3A_1277 = arith.addi %mul3A_0, %add3A_1276 : i32
    %dma_start3A_1278 = arith.constant 7 : i32
    %dma_start3A_1279 = arith.constant 0 : i32
    %dma_start3A_1280 = arith.constant 7 : i32
    %dma_start3A_1281 = tpu.memref_slice %arg5[%dma_start3A_1280] : memref<8x!tpu.dma_semaphore, #tpu.memory_space<semaphore_mem>> -> memref<1x!tpu.dma_semaphore, #tpu.memory_space<semaphore_mem>>
    %dma_start3A_1282 = tpu.memref_squeeze %dma_start3A_1281 : memref<1x!tpu.dma_semaphore, #tpu.memory_space<semaphore_mem>> -> memref<!tpu.dma_semaphore, #tpu.memory_space<semaphore_mem>>
    %dma_start3A_1283 = arith.constant 0 : i32
    %dma_start3A_1284 = tpu.memref_slice %arg2[%dma_start3A_1279, %add3A_1277, %dma_start3A_1283] : memref<1x8192x1024xf32, #tpu.memory_space<hbm>> -> memref<1x128x1024xf32, #tpu.memory_space<hbm>>
    %dma_start3A_1285 = tpu.memref_squeeze %dma_start3A_1284 : memref<1x128x1024xf32, #tpu.memory_space<hbm>> -> memref<128x1024xf32, #tpu.memory_space<hbm>>
    %dma_start3A_1286 = arith.constant 0 : i32
    %dma_start3A_1287 = arith.constant 0 : i32
    %dma_start3A_1288 = tpu.memref_slice %arg3[%dma_start3A_1278, %dma_start3A_1286, %dma_start3A_1287] : memref<8x128x1024xf32, #tpu.memory_space<vmem_shared>> -> memref<1x128x1024xf32, #tpu.memory_space<vmem_shared>>
    %dma_start3A_1289 = tpu.memref_squeeze %dma_start3A_1288 : memref<1x128x1024xf32, #tpu.memory_space<vmem_shared>> -> memref<128x1024xf32, #tpu.memory_space<vmem_shared>>
    tpu.enqueue_dma source(%dma_start3A_1289 : memref<128x1024xf32, #tpu.memory_space<vmem_shared>>) target(%dma_start3A_1285 : memref<128x1024xf32, #tpu.memory_space<hbm>>) target_semaphore(%dma_start3A_1282 : memref<!tpu.dma_semaphore, #tpu.memory_space<semaphore_mem>>)
    %add3A_1290 = arith.constant 2816 : i32
    %add3A_1291 = arith.addi %mul3A_0, %add3A_1290 : i32
    %dma_wait3A_1292 = arith.constant 6 : i32
    %dma_wait3A_1293 = arith.constant 0 : i32
    %dma_wait3A_1294 = arith.constant 6 : i32
    %dma_wait3A_1295 = tpu.memref_slice %arg5[%dma_wait3A_1294] : memref<8x!tpu.dma_semaphore, #tpu.memory_space<semaphore_mem>> -> memref<1x!tpu.dma_semaphore, #tpu.memory_space<semaphore_mem>>
    %dma_wait3A_1296 = tpu.memref_squeeze %dma_wait3A_1295 : memref<1x!tpu.dma_semaphore, #tpu.memory_space<semaphore_mem>> -> memref<!tpu.dma_semaphore, #tpu.memory_space<semaphore_mem>>
    %dma_wait3A_1297 = arith.constant 0 : i32
    %dma_wait3A_1298 = tpu.memref_slice %arg2[%dma_wait3A_1293, %add3A_1291, %dma_wait3A_1297] : memref<1x8192x1024xf32, #tpu.memory_space<hbm>> -> memref<1x128x1024xf32, #tpu.memory_space<hbm>>
    %dma_wait3A_1299 = tpu.memref_squeeze %dma_wait3A_1298 : memref<1x128x1024xf32, #tpu.memory_space<hbm>> -> memref<128x1024xf32, #tpu.memory_space<hbm>>
    %dma_wait3A_1300 = arith.constant 0 : i32
    %dma_wait3A_1301 = arith.constant 0 : i32
    %dma_wait3A_1302 = tpu.memref_slice %arg3[%dma_wait3A_1292, %dma_wait3A_1300, %dma_wait3A_1301] : memref<8x128x1024xf32, #tpu.memory_space<vmem_shared>> -> memref<1x128x1024xf32, #tpu.memory_space<vmem_shared>>
    %dma_wait3A_1303 = tpu.memref_squeeze %dma_wait3A_1302 : memref<1x128x1024xf32, #tpu.memory_space<vmem_shared>> -> memref<128x1024xf32, #tpu.memory_space<vmem_shared>>
    tpu.wait_dma2 semaphore(%dma_wait3A_1296 : memref<!tpu.dma_semaphore, #tpu.memory_space<semaphore_mem>>) src(%dma_wait3A_1303 : memref<128x1024xf32, #tpu.memory_space<vmem_shared>>) dst(%dma_wait3A_1299 : memref<128x1024xf32, #tpu.memory_space<hbm>>)
    %add3A_1304 = arith.constant 3840 : i32
    %add3A_1305 = arith.addi %mul3A_0, %add3A_1304 : i32
    %dma_start3A_1306 = arith.constant 6 : i32
    %dma_start3A_1307 = arith.constant 6 : i32
    %dma_start3A_1308 = tpu.memref_slice %arg4[%dma_start3A_1307] : memref<8x!tpu.dma_semaphore, #tpu.memory_space<semaphore_mem>> -> memref<1x!tpu.dma_semaphore, #tpu.memory_space<semaphore_mem>>
    %dma_start3A_1309 = tpu.memref_squeeze %dma_start3A_1308 : memref<1x!tpu.dma_semaphore, #tpu.memory_space<semaphore_mem>> -> memref<!tpu.dma_semaphore, #tpu.memory_space<semaphore_mem>>
    %dma_start3A_1310 = arith.constant 0 : i32
    %dma_start3A_1311 = arith.constant 0 : i32
    %dma_start3A_1312 = tpu.memref_slice %arg3[%dma_start3A_1306, %dma_start3A_1310, %dma_start3A_1311] : memref<8x128x1024xf32, #tpu.memory_space<vmem_shared>> -> memref<1x128x1024xf32, #tpu.memory_space<vmem_shared>>
    %dma_start3A_1313 = tpu.memref_squeeze %dma_start3A_1312 : memref<1x128x1024xf32, #tpu.memory_space<vmem_shared>> -> memref<128x1024xf32, #tpu.memory_space<vmem_shared>>
    %dma_start3A_1314 = arith.constant 0 : i32
    %dma_start3A_1315 = tpu.memref_slice %arg1[%add3A_1305, %dma_start3A_1314] : memref<8192x1024xf32, #tpu.memory_space<hbm>> -> memref<128x1024xf32, #tpu.memory_space<hbm>>
    tpu.enqueue_dma source(%dma_start3A_1315 : memref<128x1024xf32, #tpu.memory_space<hbm>>) target(%dma_start3A_1313 : memref<128x1024xf32, #tpu.memory_space<vmem_shared>>) target_semaphore(%dma_start3A_1309 : memref<!tpu.dma_semaphore, #tpu.memory_space<semaphore_mem>>)
    %add3A_1316 = arith.constant 3072 : i32
    %add3A_1317 = arith.addi %mul3A_0, %add3A_1316 : i32
    %dma_wait3A_1318 = arith.constant 0 : i32
    %dma_wait3A_1319 = arith.constant 0 : i32
    %dma_wait3A_1320 = tpu.memref_slice %arg4[%dma_wait3A_1319] : memref<8x!tpu.dma_semaphore, #tpu.memory_space<semaphore_mem>> -> memref<1x!tpu.dma_semaphore, #tpu.memory_space<semaphore_mem>>
    %dma_wait3A_1321 = tpu.memref_squeeze %dma_wait3A_1320 : memref<1x!tpu.dma_semaphore, #tpu.memory_space<semaphore_mem>> -> memref<!tpu.dma_semaphore, #tpu.memory_space<semaphore_mem>>
    %dma_wait3A_1322 = arith.constant 0 : i32
    %dma_wait3A_1323 = arith.constant 0 : i32
    %dma_wait3A_1324 = tpu.memref_slice %arg3[%dma_wait3A_1318, %dma_wait3A_1322, %dma_wait3A_1323] : memref<8x128x1024xf32, #tpu.memory_space<vmem_shared>> -> memref<1x128x1024xf32, #tpu.memory_space<vmem_shared>>
    %dma_wait3A_1325 = tpu.memref_squeeze %dma_wait3A_1324 : memref<1x128x1024xf32, #tpu.memory_space<vmem_shared>> -> memref<128x1024xf32, #tpu.memory_space<vmem_shared>>
    %dma_wait3A_1326 = arith.constant 0 : i32
    %dma_wait3A_1327 = tpu.memref_slice %arg1[%add3A_1317, %dma_wait3A_1326] : memref<8192x1024xf32, #tpu.memory_space<hbm>> -> memref<128x1024xf32, #tpu.memory_space<hbm>>
    tpu.wait_dma2 semaphore(%dma_wait3A_1321 : memref<!tpu.dma_semaphore, #tpu.memory_space<semaphore_mem>>) src(%dma_wait3A_1327 : memref<128x1024xf32, #tpu.memory_space<hbm>>) dst(%dma_wait3A_1325 : memref<128x1024xf32, #tpu.memory_space<vmem_shared>>)
    %add3A_1328 = arith.constant 3072 : i32
    %add3A_1329 = arith.addi %mul3A_0, %add3A_1328 : i32
    %dma_start3A_1330 = arith.constant 0 : i32
    %dma_start3A_1331 = arith.constant 0 : i32
    %dma_start3A_1332 = arith.constant 0 : i32
    %dma_start3A_1333 = tpu.memref_slice %arg5[%dma_start3A_1332] : memref<8x!tpu.dma_semaphore, #tpu.memory_space<semaphore_mem>> -> memref<1x!tpu.dma_semaphore, #tpu.memory_space<semaphore_mem>>
    %dma_start3A_1334 = tpu.memref_squeeze %dma_start3A_1333 : memref<1x!tpu.dma_semaphore, #tpu.memory_space<semaphore_mem>> -> memref<!tpu.dma_semaphore, #tpu.memory_space<semaphore_mem>>
    %dma_start3A_1335 = arith.constant 0 : i32
    %dma_start3A_1336 = tpu.memref_slice %arg2[%dma_start3A_1331, %add3A_1329, %dma_start3A_1335] : memref<1x8192x1024xf32, #tpu.memory_space<hbm>> -> memref<1x128x1024xf32, #tpu.memory_space<hbm>>
    %dma_start3A_1337 = tpu.memref_squeeze %dma_start3A_1336 : memref<1x128x1024xf32, #tpu.memory_space<hbm>> -> memref<128x1024xf32, #tpu.memory_space<hbm>>
    %dma_start3A_1338 = arith.constant 0 : i32
    %dma_start3A_1339 = arith.constant 0 : i32
    %dma_start3A_1340 = tpu.memref_slice %arg3[%dma_start3A_1330, %dma_start3A_1338, %dma_start3A_1339] : memref<8x128x1024xf32, #tpu.memory_space<vmem_shared>> -> memref<1x128x1024xf32, #tpu.memory_space<vmem_shared>>
    %dma_start3A_1341 = tpu.memref_squeeze %dma_start3A_1340 : memref<1x128x1024xf32, #tpu.memory_space<vmem_shared>> -> memref<128x1024xf32, #tpu.memory_space<vmem_shared>>
    tpu.enqueue_dma source(%dma_start3A_1341 : memref<128x1024xf32, #tpu.memory_space<vmem_shared>>) target(%dma_start3A_1337 : memref<128x1024xf32, #tpu.memory_space<hbm>>) target_semaphore(%dma_start3A_1334 : memref<!tpu.dma_semaphore, #tpu.memory_space<semaphore_mem>>)
    %add3A_1342 = arith.constant 2944 : i32
    %add3A_1343 = arith.addi %mul3A_0, %add3A_1342 : i32
    %dma_wait3A_1344 = arith.constant 7 : i32
    %dma_wait3A_1345 = arith.constant 0 : i32
    %dma_wait3A_1346 = arith.constant 7 : i32
    %dma_wait3A_1347 = tpu.memref_slice %arg5[%dma_wait3A_1346] : memref<8x!tpu.dma_semaphore, #tpu.memory_space<semaphore_mem>> -> memref<1x!tpu.dma_semaphore, #tpu.memory_space<semaphore_mem>>
    %dma_wait3A_1348 = tpu.memref_squeeze %dma_wait3A_1347 : memref<1x!tpu.dma_semaphore, #tpu.memory_space<semaphore_mem>> -> memref<!tpu.dma_semaphore, #tpu.memory_space<semaphore_mem>>
    %dma_wait3A_1349 = arith.constant 0 : i32
    %dma_wait3A_1350 = tpu.memref_slice %arg2[%dma_wait3A_1345, %add3A_1343, %dma_wait3A_1349] : memref<1x8192x1024xf32, #tpu.memory_space<hbm>> -> memref<1x128x1024xf32, #tpu.memory_space<hbm>>
    %dma_wait3A_1351 = tpu.memref_squeeze %dma_wait3A_1350 : memref<1x128x1024xf32, #tpu.memory_space<hbm>> -> memref<128x1024xf32, #tpu.memory_space<hbm>>
    %dma_wait3A_1352 = arith.constant 0 : i32
    %dma_wait3A_1353 = arith.constant 0 : i32
    %dma_wait3A_1354 = tpu.memref_slice %arg3[%dma_wait3A_1344, %dma_wait3A_1352, %dma_wait3A_1353] : memref<8x128x1024xf32, #tpu.memory_space<vmem_shared>> -> memref<1x128x1024xf32, #tpu.memory_space<vmem_shared>>
    %dma_wait3A_1355 = tpu.memref_squeeze %dma_wait3A_1354 : memref<1x128x1024xf32, #tpu.memory_space<vmem_shared>> -> memref<128x1024xf32, #tpu.memory_space<vmem_shared>>
    tpu.wait_dma2 semaphore(%dma_wait3A_1348 : memref<!tpu.dma_semaphore, #tpu.memory_space<semaphore_mem>>) src(%dma_wait3A_1355 : memref<128x1024xf32, #tpu.memory_space<vmem_shared>>) dst(%dma_wait3A_1351 : memref<128x1024xf32, #tpu.memory_space<hbm>>)
    %add3A_1356 = arith.constant 3968 : i32
    %add3A_1357 = arith.addi %mul3A_0, %add3A_1356 : i32
    %dma_start3A_1358 = arith.constant 7 : i32
    %dma_start3A_1359 = arith.constant 7 : i32
    %dma_start3A_1360 = tpu.memref_slice %arg4[%dma_start3A_1359] : memref<8x!tpu.dma_semaphore, #tpu.memory_space<semaphore_mem>> -> memref<1x!tpu.dma_semaphore, #tpu.memory_space<semaphore_mem>>
    %dma_start3A_1361 = tpu.memref_squeeze %dma_start3A_1360 : memref<1x!tpu.dma_semaphore, #tpu.memory_space<semaphore_mem>> -> memref<!tpu.dma_semaphore, #tpu.memory_space<semaphore_mem>>
    %dma_start3A_1362 = arith.constant 0 : i32
    %dma_start3A_1363 = arith.constant 0 : i32
    %dma_start3A_1364 = tpu.memref_slice %arg3[%dma_start3A_1358, %dma_start3A_1362, %dma_start3A_1363] : memref<8x128x1024xf32, #tpu.memory_space<vmem_shared>> -> memref<1x128x1024xf32, #tpu.memory_space<vmem_shared>>
    %dma_start3A_1365 = tpu.memref_squeeze %dma_start3A_1364 : memref<1x128x1024xf32, #tpu.memory_space<vmem_shared>> -> memref<128x1024xf32, #tpu.memory_space<vmem_shared>>
    %dma_start3A_1366 = arith.constant 0 : i32
    %dma_start3A_1367 = tpu.memref_slice %arg1[%add3A_1357, %dma_start3A_1366] : memref<8192x1024xf32, #tpu.memory_space<hbm>> -> memref<128x1024xf32, #tpu.memory_space<hbm>>
    tpu.enqueue_dma source(%dma_start3A_1367 : memref<128x1024xf32, #tpu.memory_space<hbm>>) target(%dma_start3A_1365 : memref<128x1024xf32, #tpu.memory_space<vmem_shared>>) target_semaphore(%dma_start3A_1361 : memref<!tpu.dma_semaphore, #tpu.memory_space<semaphore_mem>>)
    %add3A_1368 = arith.constant 3200 : i32
    %add3A_1369 = arith.addi %mul3A_0, %add3A_1368 : i32
    %dma_wait3A_1370 = arith.constant 1 : i32
    %dma_wait3A_1371 = arith.constant 1 : i32
    %dma_wait3A_1372 = tpu.memref_slice %arg4[%dma_wait3A_1371] : memref<8x!tpu.dma_semaphore, #tpu.memory_space<semaphore_mem>> -> memref<1x!tpu.dma_semaphore, #tpu.memory_space<semaphore_mem>>
    %dma_wait3A_1373 = tpu.memref_squeeze %dma_wait3A_1372 : memref<1x!tpu.dma_semaphore, #tpu.memory_space<semaphore_mem>> -> memref<!tpu.dma_semaphore, #tpu.memory_space<semaphore_mem>>
    %dma_wait3A_1374 = arith.constant 0 : i32
    %dma_wait3A_1375 = arith.constant 0 : i32
    %dma_wait3A_1376 = tpu.memref_slice %arg3[%dma_wait3A_1370, %dma_wait3A_1374, %dma_wait3A_1375] : memref<8x128x1024xf32, #tpu.memory_space<vmem_shared>> -> memref<1x128x1024xf32, #tpu.memory_space<vmem_shared>>
    %dma_wait3A_1377 = tpu.memref_squeeze %dma_wait3A_1376 : memref<1x128x1024xf32, #tpu.memory_space<vmem_shared>> -> memref<128x1024xf32, #tpu.memory_space<vmem_shared>>
    %dma_wait3A_1378 = arith.constant 0 : i32
    %dma_wait3A_1379 = tpu.memref_slice %arg1[%add3A_1369, %dma_wait3A_1378] : memref<8192x1024xf32, #tpu.memory_space<hbm>> -> memref<128x1024xf32, #tpu.memory_space<hbm>>
    tpu.wait_dma2 semaphore(%dma_wait3A_1373 : memref<!tpu.dma_semaphore, #tpu.memory_space<semaphore_mem>>) src(%dma_wait3A_1379 : memref<128x1024xf32, #tpu.memory_space<hbm>>) dst(%dma_wait3A_1377 : memref<128x1024xf32, #tpu.memory_space<vmem_shared>>)
    %add3A_1380 = arith.constant 3200 : i32
    %add3A_1381 = arith.addi %mul3A_0, %add3A_1380 : i32
    %dma_start3A_1382 = arith.constant 1 : i32
    %dma_start3A_1383 = arith.constant 0 : i32
    %dma_start3A_1384 = arith.constant 1 : i32
    %dma_start3A_1385 = tpu.memref_slice %arg5[%dma_start3A_1384] : memref<8x!tpu.dma_semaphore, #tpu.memory_space<semaphore_mem>> -> memref<1x!tpu.dma_semaphore, #tpu.memory_space<semaphore_mem>>
    %dma_start3A_1386 = tpu.memref_squeeze %dma_start3A_1385 : memref<1x!tpu.dma_semaphore, #tpu.memory_space<semaphore_mem>> -> memref<!tpu.dma_semaphore, #tpu.memory_space<semaphore_mem>>
    %dma_start3A_1387 = arith.constant 0 : i32
    %dma_start3A_1388 = tpu.memref_slice %arg2[%dma_start3A_1383, %add3A_1381, %dma_start3A_1387] : memref<1x8192x1024xf32, #tpu.memory_space<hbm>> -> memref<1x128x1024xf32, #tpu.memory_space<hbm>>
    %dma_start3A_1389 = tpu.memref_squeeze %dma_start3A_1388 : memref<1x128x1024xf32, #tpu.memory_space<hbm>> -> memref<128x1024xf32, #tpu.memory_space<hbm>>
    %dma_start3A_1390 = arith.constant 0 : i32
    %dma_start3A_1391 = arith.constant 0 : i32
    %dma_start3A_1392 = tpu.memref_slice %arg3[%dma_start3A_1382, %dma_start3A_1390, %dma_start3A_1391] : memref<8x128x1024xf32, #tpu.memory_space<vmem_shared>> -> memref<1x128x1024xf32, #tpu.memory_space<vmem_shared>>
    %dma_start3A_1393 = tpu.memref_squeeze %dma_start3A_1392 : memref<1x128x1024xf32, #tpu.memory_space<vmem_shared>> -> memref<128x1024xf32, #tpu.memory_space<vmem_shared>>
    tpu.enqueue_dma source(%dma_start3A_1393 : memref<128x1024xf32, #tpu.memory_space<vmem_shared>>) target(%dma_start3A_1389 : memref<128x1024xf32, #tpu.memory_space<hbm>>) target_semaphore(%dma_start3A_1386 : memref<!tpu.dma_semaphore, #tpu.memory_space<semaphore_mem>>)
    %add3A_1394 = arith.constant 3328 : i32
    %add3A_1395 = arith.addi %mul3A_0, %add3A_1394 : i32
    %dma_wait3A_1396 = arith.constant 2 : i32
    %dma_wait3A_1397 = arith.constant 2 : i32
    %dma_wait3A_1398 = tpu.memref_slice %arg4[%dma_wait3A_1397] : memref<8x!tpu.dma_semaphore, #tpu.memory_space<semaphore_mem>> -> memref<1x!tpu.dma_semaphore, #tpu.memory_space<semaphore_mem>>
    %dma_wait3A_1399 = tpu.memref_squeeze %dma_wait3A_1398 : memref<1x!tpu.dma_semaphore, #tpu.memory_space<semaphore_mem>> -> memref<!tpu.dma_semaphore, #tpu.memory_space<semaphore_mem>>
    %dma_wait3A_1400 = arith.constant 0 : i32
    %dma_wait3A_1401 = arith.constant 0 : i32
    %dma_wait3A_1402 = tpu.memref_slice %arg3[%dma_wait3A_1396, %dma_wait3A_1400, %dma_wait3A_1401] : memref<8x128x1024xf32, #tpu.memory_space<vmem_shared>> -> memref<1x128x1024xf32, #tpu.memory_space<vmem_shared>>
    %dma_wait3A_1403 = tpu.memref_squeeze %dma_wait3A_1402 : memref<1x128x1024xf32, #tpu.memory_space<vmem_shared>> -> memref<128x1024xf32, #tpu.memory_space<vmem_shared>>
    %dma_wait3A_1404 = arith.constant 0 : i32
    %dma_wait3A_1405 = tpu.memref_slice %arg1[%add3A_1395, %dma_wait3A_1404] : memref<8192x1024xf32, #tpu.memory_space<hbm>> -> memref<128x1024xf32, #tpu.memory_space<hbm>>
    tpu.wait_dma2 semaphore(%dma_wait3A_1399 : memref<!tpu.dma_semaphore, #tpu.memory_space<semaphore_mem>>) src(%dma_wait3A_1405 : memref<128x1024xf32, #tpu.memory_space<hbm>>) dst(%dma_wait3A_1403 : memref<128x1024xf32, #tpu.memory_space<vmem_shared>>)
    %add3A_1406 = arith.constant 3328 : i32
    %add3A_1407 = arith.addi %mul3A_0, %add3A_1406 : i32
    %dma_start3A_1408 = arith.constant 2 : i32
    %dma_start3A_1409 = arith.constant 0 : i32
    %dma_start3A_1410 = arith.constant 2 : i32
    %dma_start3A_1411 = tpu.memref_slice %arg5[%dma_start3A_1410] : memref<8x!tpu.dma_semaphore, #tpu.memory_space<semaphore_mem>> -> memref<1x!tpu.dma_semaphore, #tpu.memory_space<semaphore_mem>>
    %dma_start3A_1412 = tpu.memref_squeeze %dma_start3A_1411 : memref<1x!tpu.dma_semaphore, #tpu.memory_space<semaphore_mem>> -> memref<!tpu.dma_semaphore, #tpu.memory_space<semaphore_mem>>
    %dma_start3A_1413 = arith.constant 0 : i32
    %dma_start3A_1414 = tpu.memref_slice %arg2[%dma_start3A_1409, %add3A_1407, %dma_start3A_1413] : memref<1x8192x1024xf32, #tpu.memory_space<hbm>> -> memref<1x128x1024xf32, #tpu.memory_space<hbm>>
    %dma_start3A_1415 = tpu.memref_squeeze %dma_start3A_1414 : memref<1x128x1024xf32, #tpu.memory_space<hbm>> -> memref<128x1024xf32, #tpu.memory_space<hbm>>
    %dma_start3A_1416 = arith.constant 0 : i32
    %dma_start3A_1417 = arith.constant 0 : i32
    %dma_start3A_1418 = tpu.memref_slice %arg3[%dma_start3A_1408, %dma_start3A_1416, %dma_start3A_1417] : memref<8x128x1024xf32, #tpu.memory_space<vmem_shared>> -> memref<1x128x1024xf32, #tpu.memory_space<vmem_shared>>
    %dma_start3A_1419 = tpu.memref_squeeze %dma_start3A_1418 : memref<1x128x1024xf32, #tpu.memory_space<vmem_shared>> -> memref<128x1024xf32, #tpu.memory_space<vmem_shared>>
    tpu.enqueue_dma source(%dma_start3A_1419 : memref<128x1024xf32, #tpu.memory_space<vmem_shared>>) target(%dma_start3A_1415 : memref<128x1024xf32, #tpu.memory_space<hbm>>) target_semaphore(%dma_start3A_1412 : memref<!tpu.dma_semaphore, #tpu.memory_space<semaphore_mem>>)
    %add3A_1420 = arith.constant 3456 : i32
    %add3A_1421 = arith.addi %mul3A_0, %add3A_1420 : i32
    %dma_wait3A_1422 = arith.constant 3 : i32
    %dma_wait3A_1423 = arith.constant 3 : i32
    %dma_wait3A_1424 = tpu.memref_slice %arg4[%dma_wait3A_1423] : memref<8x!tpu.dma_semaphore, #tpu.memory_space<semaphore_mem>> -> memref<1x!tpu.dma_semaphore, #tpu.memory_space<semaphore_mem>>
    %dma_wait3A_1425 = tpu.memref_squeeze %dma_wait3A_1424 : memref<1x!tpu.dma_semaphore, #tpu.memory_space<semaphore_mem>> -> memref<!tpu.dma_semaphore, #tpu.memory_space<semaphore_mem>>
    %dma_wait3A_1426 = arith.constant 0 : i32
    %dma_wait3A_1427 = arith.constant 0 : i32
    %dma_wait3A_1428 = tpu.memref_slice %arg3[%dma_wait3A_1422, %dma_wait3A_1426, %dma_wait3A_1427] : memref<8x128x1024xf32, #tpu.memory_space<vmem_shared>> -> memref<1x128x1024xf32, #tpu.memory_space<vmem_shared>>
    %dma_wait3A_1429 = tpu.memref_squeeze %dma_wait3A_1428 : memref<1x128x1024xf32, #tpu.memory_space<vmem_shared>> -> memref<128x1024xf32, #tpu.memory_space<vmem_shared>>
    %dma_wait3A_1430 = arith.constant 0 : i32
    %dma_wait3A_1431 = tpu.memref_slice %arg1[%add3A_1421, %dma_wait3A_1430] : memref<8192x1024xf32, #tpu.memory_space<hbm>> -> memref<128x1024xf32, #tpu.memory_space<hbm>>
    tpu.wait_dma2 semaphore(%dma_wait3A_1425 : memref<!tpu.dma_semaphore, #tpu.memory_space<semaphore_mem>>) src(%dma_wait3A_1431 : memref<128x1024xf32, #tpu.memory_space<hbm>>) dst(%dma_wait3A_1429 : memref<128x1024xf32, #tpu.memory_space<vmem_shared>>)
    %add3A_1432 = arith.constant 3456 : i32
    %add3A_1433 = arith.addi %mul3A_0, %add3A_1432 : i32
    %dma_start3A_1434 = arith.constant 3 : i32
    %dma_start3A_1435 = arith.constant 0 : i32
    %dma_start3A_1436 = arith.constant 3 : i32
    %dma_start3A_1437 = tpu.memref_slice %arg5[%dma_start3A_1436] : memref<8x!tpu.dma_semaphore, #tpu.memory_space<semaphore_mem>> -> memref<1x!tpu.dma_semaphore, #tpu.memory_space<semaphore_mem>>
    %dma_start3A_1438 = tpu.memref_squeeze %dma_start3A_1437 : memref<1x!tpu.dma_semaphore, #tpu.memory_space<semaphore_mem>> -> memref<!tpu.dma_semaphore, #tpu.memory_space<semaphore_mem>>
    %dma_start3A_1439 = arith.constant 0 : i32
    %dma_start3A_1440 = tpu.memref_slice %arg2[%dma_start3A_1435, %add3A_1433, %dma_start3A_1439] : memref<1x8192x1024xf32, #tpu.memory_space<hbm>> -> memref<1x128x1024xf32, #tpu.memory_space<hbm>>
    %dma_start3A_1441 = tpu.memref_squeeze %dma_start3A_1440 : memref<1x128x1024xf32, #tpu.memory_space<hbm>> -> memref<128x1024xf32, #tpu.memory_space<hbm>>
    %dma_start3A_1442 = arith.constant 0 : i32
    %dma_start3A_1443 = arith.constant 0 : i32
    %dma_start3A_1444 = tpu.memref_slice %arg3[%dma_start3A_1434, %dma_start3A_1442, %dma_start3A_1443] : memref<8x128x1024xf32, #tpu.memory_space<vmem_shared>> -> memref<1x128x1024xf32, #tpu.memory_space<vmem_shared>>
    %dma_start3A_1445 = tpu.memref_squeeze %dma_start3A_1444 : memref<1x128x1024xf32, #tpu.memory_space<vmem_shared>> -> memref<128x1024xf32, #tpu.memory_space<vmem_shared>>
    tpu.enqueue_dma source(%dma_start3A_1445 : memref<128x1024xf32, #tpu.memory_space<vmem_shared>>) target(%dma_start3A_1441 : memref<128x1024xf32, #tpu.memory_space<hbm>>) target_semaphore(%dma_start3A_1438 : memref<!tpu.dma_semaphore, #tpu.memory_space<semaphore_mem>>)
    %add3A_1446 = arith.constant 3584 : i32
    %add3A_1447 = arith.addi %mul3A_0, %add3A_1446 : i32
    %dma_wait3A_1448 = arith.constant 4 : i32
    %dma_wait3A_1449 = arith.constant 4 : i32
    %dma_wait3A_1450 = tpu.memref_slice %arg4[%dma_wait3A_1449] : memref<8x!tpu.dma_semaphore, #tpu.memory_space<semaphore_mem>> -> memref<1x!tpu.dma_semaphore, #tpu.memory_space<semaphore_mem>>
    %dma_wait3A_1451 = tpu.memref_squeeze %dma_wait3A_1450 : memref<1x!tpu.dma_semaphore, #tpu.memory_space<semaphore_mem>> -> memref<!tpu.dma_semaphore, #tpu.memory_space<semaphore_mem>>
    %dma_wait3A_1452 = arith.constant 0 : i32
    %dma_wait3A_1453 = arith.constant 0 : i32
    %dma_wait3A_1454 = tpu.memref_slice %arg3[%dma_wait3A_1448, %dma_wait3A_1452, %dma_wait3A_1453] : memref<8x128x1024xf32, #tpu.memory_space<vmem_shared>> -> memref<1x128x1024xf32, #tpu.memory_space<vmem_shared>>
    %dma_wait3A_1455 = tpu.memref_squeeze %dma_wait3A_1454 : memref<1x128x1024xf32, #tpu.memory_space<vmem_shared>> -> memref<128x1024xf32, #tpu.memory_space<vmem_shared>>
    %dma_wait3A_1456 = arith.constant 0 : i32
    %dma_wait3A_1457 = tpu.memref_slice %arg1[%add3A_1447, %dma_wait3A_1456] : memref<8192x1024xf32, #tpu.memory_space<hbm>> -> memref<128x1024xf32, #tpu.memory_space<hbm>>
    tpu.wait_dma2 semaphore(%dma_wait3A_1451 : memref<!tpu.dma_semaphore, #tpu.memory_space<semaphore_mem>>) src(%dma_wait3A_1457 : memref<128x1024xf32, #tpu.memory_space<hbm>>) dst(%dma_wait3A_1455 : memref<128x1024xf32, #tpu.memory_space<vmem_shared>>)
    %add3A_1458 = arith.constant 3584 : i32
    %add3A_1459 = arith.addi %mul3A_0, %add3A_1458 : i32
    %dma_start3A_1460 = arith.constant 4 : i32
    %dma_start3A_1461 = arith.constant 0 : i32
    %dma_start3A_1462 = arith.constant 4 : i32
    %dma_start3A_1463 = tpu.memref_slice %arg5[%dma_start3A_1462] : memref<8x!tpu.dma_semaphore, #tpu.memory_space<semaphore_mem>> -> memref<1x!tpu.dma_semaphore, #tpu.memory_space<semaphore_mem>>
    %dma_start3A_1464 = tpu.memref_squeeze %dma_start3A_1463 : memref<1x!tpu.dma_semaphore, #tpu.memory_space<semaphore_mem>> -> memref<!tpu.dma_semaphore, #tpu.memory_space<semaphore_mem>>
    %dma_start3A_1465 = arith.constant 0 : i32
    %dma_start3A_1466 = tpu.memref_slice %arg2[%dma_start3A_1461, %add3A_1459, %dma_start3A_1465] : memref<1x8192x1024xf32, #tpu.memory_space<hbm>> -> memref<1x128x1024xf32, #tpu.memory_space<hbm>>
    %dma_start3A_1467 = tpu.memref_squeeze %dma_start3A_1466 : memref<1x128x1024xf32, #tpu.memory_space<hbm>> -> memref<128x1024xf32, #tpu.memory_space<hbm>>
    %dma_start3A_1468 = arith.constant 0 : i32
    %dma_start3A_1469 = arith.constant 0 : i32
    %dma_start3A_1470 = tpu.memref_slice %arg3[%dma_start3A_1460, %dma_start3A_1468, %dma_start3A_1469] : memref<8x128x1024xf32, #tpu.memory_space<vmem_shared>> -> memref<1x128x1024xf32, #tpu.memory_space<vmem_shared>>
    %dma_start3A_1471 = tpu.memref_squeeze %dma_start3A_1470 : memref<1x128x1024xf32, #tpu.memory_space<vmem_shared>> -> memref<128x1024xf32, #tpu.memory_space<vmem_shared>>
    tpu.enqueue_dma source(%dma_start3A_1471 : memref<128x1024xf32, #tpu.memory_space<vmem_shared>>) target(%dma_start3A_1467 : memref<128x1024xf32, #tpu.memory_space<hbm>>) target_semaphore(%dma_start3A_1464 : memref<!tpu.dma_semaphore, #tpu.memory_space<semaphore_mem>>)
    %add3A_1472 = arith.constant 3712 : i32
    %add3A_1473 = arith.addi %mul3A_0, %add3A_1472 : i32
    %dma_wait3A_1474 = arith.constant 5 : i32
    %dma_wait3A_1475 = arith.constant 5 : i32
    %dma_wait3A_1476 = tpu.memref_slice %arg4[%dma_wait3A_1475] : memref<8x!tpu.dma_semaphore, #tpu.memory_space<semaphore_mem>> -> memref<1x!tpu.dma_semaphore, #tpu.memory_space<semaphore_mem>>
    %dma_wait3A_1477 = tpu.memref_squeeze %dma_wait3A_1476 : memref<1x!tpu.dma_semaphore, #tpu.memory_space<semaphore_mem>> -> memref<!tpu.dma_semaphore, #tpu.memory_space<semaphore_mem>>
    %dma_wait3A_1478 = arith.constant 0 : i32
    %dma_wait3A_1479 = arith.constant 0 : i32
    %dma_wait3A_1480 = tpu.memref_slice %arg3[%dma_wait3A_1474, %dma_wait3A_1478, %dma_wait3A_1479] : memref<8x128x1024xf32, #tpu.memory_space<vmem_shared>> -> memref<1x128x1024xf32, #tpu.memory_space<vmem_shared>>
    %dma_wait3A_1481 = tpu.memref_squeeze %dma_wait3A_1480 : memref<1x128x1024xf32, #tpu.memory_space<vmem_shared>> -> memref<128x1024xf32, #tpu.memory_space<vmem_shared>>
    %dma_wait3A_1482 = arith.constant 0 : i32
    %dma_wait3A_1483 = tpu.memref_slice %arg1[%add3A_1473, %dma_wait3A_1482] : memref<8192x1024xf32, #tpu.memory_space<hbm>> -> memref<128x1024xf32, #tpu.memory_space<hbm>>
    tpu.wait_dma2 semaphore(%dma_wait3A_1477 : memref<!tpu.dma_semaphore, #tpu.memory_space<semaphore_mem>>) src(%dma_wait3A_1483 : memref<128x1024xf32, #tpu.memory_space<hbm>>) dst(%dma_wait3A_1481 : memref<128x1024xf32, #tpu.memory_space<vmem_shared>>)
    %add3A_1484 = arith.constant 3712 : i32
    %add3A_1485 = arith.addi %mul3A_0, %add3A_1484 : i32
    %dma_start3A_1486 = arith.constant 5 : i32
    %dma_start3A_1487 = arith.constant 0 : i32
    %dma_start3A_1488 = arith.constant 5 : i32
    %dma_start3A_1489 = tpu.memref_slice %arg5[%dma_start3A_1488] : memref<8x!tpu.dma_semaphore, #tpu.memory_space<semaphore_mem>> -> memref<1x!tpu.dma_semaphore, #tpu.memory_space<semaphore_mem>>
    %dma_start3A_1490 = tpu.memref_squeeze %dma_start3A_1489 : memref<1x!tpu.dma_semaphore, #tpu.memory_space<semaphore_mem>> -> memref<!tpu.dma_semaphore, #tpu.memory_space<semaphore_mem>>
    %dma_start3A_1491 = arith.constant 0 : i32
    %dma_start3A_1492 = tpu.memref_slice %arg2[%dma_start3A_1487, %add3A_1485, %dma_start3A_1491] : memref<1x8192x1024xf32, #tpu.memory_space<hbm>> -> memref<1x128x1024xf32, #tpu.memory_space<hbm>>
    %dma_start3A_1493 = tpu.memref_squeeze %dma_start3A_1492 : memref<1x128x1024xf32, #tpu.memory_space<hbm>> -> memref<128x1024xf32, #tpu.memory_space<hbm>>
    %dma_start3A_1494 = arith.constant 0 : i32
    %dma_start3A_1495 = arith.constant 0 : i32
    %dma_start3A_1496 = tpu.memref_slice %arg3[%dma_start3A_1486, %dma_start3A_1494, %dma_start3A_1495] : memref<8x128x1024xf32, #tpu.memory_space<vmem_shared>> -> memref<1x128x1024xf32, #tpu.memory_space<vmem_shared>>
    %dma_start3A_1497 = tpu.memref_squeeze %dma_start3A_1496 : memref<1x128x1024xf32, #tpu.memory_space<vmem_shared>> -> memref<128x1024xf32, #tpu.memory_space<vmem_shared>>
    tpu.enqueue_dma source(%dma_start3A_1497 : memref<128x1024xf32, #tpu.memory_space<vmem_shared>>) target(%dma_start3A_1493 : memref<128x1024xf32, #tpu.memory_space<hbm>>) target_semaphore(%dma_start3A_1490 : memref<!tpu.dma_semaphore, #tpu.memory_space<semaphore_mem>>)
    %add3A_1498 = arith.constant 3840 : i32
    %add3A_1499 = arith.addi %mul3A_0, %add3A_1498 : i32
    %dma_wait3A_1500 = arith.constant 6 : i32
    %dma_wait3A_1501 = arith.constant 6 : i32
    %dma_wait3A_1502 = tpu.memref_slice %arg4[%dma_wait3A_1501] : memref<8x!tpu.dma_semaphore, #tpu.memory_space<semaphore_mem>> -> memref<1x!tpu.dma_semaphore, #tpu.memory_space<semaphore_mem>>
    %dma_wait3A_1503 = tpu.memref_squeeze %dma_wait3A_1502 : memref<1x!tpu.dma_semaphore, #tpu.memory_space<semaphore_mem>> -> memref<!tpu.dma_semaphore, #tpu.memory_space<semaphore_mem>>
    %dma_wait3A_1504 = arith.constant 0 : i32
    %dma_wait3A_1505 = arith.constant 0 : i32
    %dma_wait3A_1506 = tpu.memref_slice %arg3[%dma_wait3A_1500, %dma_wait3A_1504, %dma_wait3A_1505] : memref<8x128x1024xf32, #tpu.memory_space<vmem_shared>> -> memref<1x128x1024xf32, #tpu.memory_space<vmem_shared>>
    %dma_wait3A_1507 = tpu.memref_squeeze %dma_wait3A_1506 : memref<1x128x1024xf32, #tpu.memory_space<vmem_shared>> -> memref<128x1024xf32, #tpu.memory_space<vmem_shared>>
    %dma_wait3A_1508 = arith.constant 0 : i32
    %dma_wait3A_1509 = tpu.memref_slice %arg1[%add3A_1499, %dma_wait3A_1508] : memref<8192x1024xf32, #tpu.memory_space<hbm>> -> memref<128x1024xf32, #tpu.memory_space<hbm>>
    tpu.wait_dma2 semaphore(%dma_wait3A_1503 : memref<!tpu.dma_semaphore, #tpu.memory_space<semaphore_mem>>) src(%dma_wait3A_1509 : memref<128x1024xf32, #tpu.memory_space<hbm>>) dst(%dma_wait3A_1507 : memref<128x1024xf32, #tpu.memory_space<vmem_shared>>)
    %add3A_1510 = arith.constant 3840 : i32
    %add3A_1511 = arith.addi %mul3A_0, %add3A_1510 : i32
    %dma_start3A_1512 = arith.constant 6 : i32
    %dma_start3A_1513 = arith.constant 0 : i32
    %dma_start3A_1514 = arith.constant 6 : i32
    %dma_start3A_1515 = tpu.memref_slice %arg5[%dma_start3A_1514] : memref<8x!tpu.dma_semaphore, #tpu.memory_space<semaphore_mem>> -> memref<1x!tpu.dma_semaphore, #tpu.memory_space<semaphore_mem>>
    %dma_start3A_1516 = tpu.memref_squeeze %dma_start3A_1515 : memref<1x!tpu.dma_semaphore, #tpu.memory_space<semaphore_mem>> -> memref<!tpu.dma_semaphore, #tpu.memory_space<semaphore_mem>>
    %dma_start3A_1517 = arith.constant 0 : i32
    %dma_start3A_1518 = tpu.memref_slice %arg2[%dma_start3A_1513, %add3A_1511, %dma_start3A_1517] : memref<1x8192x1024xf32, #tpu.memory_space<hbm>> -> memref<1x128x1024xf32, #tpu.memory_space<hbm>>
    %dma_start3A_1519 = tpu.memref_squeeze %dma_start3A_1518 : memref<1x128x1024xf32, #tpu.memory_space<hbm>> -> memref<128x1024xf32, #tpu.memory_space<hbm>>
    %dma_start3A_1520 = arith.constant 0 : i32
    %dma_start3A_1521 = arith.constant 0 : i32
    %dma_start3A_1522 = tpu.memref_slice %arg3[%dma_start3A_1512, %dma_start3A_1520, %dma_start3A_1521] : memref<8x128x1024xf32, #tpu.memory_space<vmem_shared>> -> memref<1x128x1024xf32, #tpu.memory_space<vmem_shared>>
    %dma_start3A_1523 = tpu.memref_squeeze %dma_start3A_1522 : memref<1x128x1024xf32, #tpu.memory_space<vmem_shared>> -> memref<128x1024xf32, #tpu.memory_space<vmem_shared>>
    tpu.enqueue_dma source(%dma_start3A_1523 : memref<128x1024xf32, #tpu.memory_space<vmem_shared>>) target(%dma_start3A_1519 : memref<128x1024xf32, #tpu.memory_space<hbm>>) target_semaphore(%dma_start3A_1516 : memref<!tpu.dma_semaphore, #tpu.memory_space<semaphore_mem>>)
    %add3A_1524 = arith.constant 3968 : i32
    %add3A_1525 = arith.addi %mul3A_0, %add3A_1524 : i32
    %dma_wait3A_1526 = arith.constant 7 : i32
    %dma_wait3A_1527 = arith.constant 7 : i32
    %dma_wait3A_1528 = tpu.memref_slice %arg4[%dma_wait3A_1527] : memref<8x!tpu.dma_semaphore, #tpu.memory_space<semaphore_mem>> -> memref<1x!tpu.dma_semaphore, #tpu.memory_space<semaphore_mem>>
    %dma_wait3A_1529 = tpu.memref_squeeze %dma_wait3A_1528 : memref<1x!tpu.dma_semaphore, #tpu.memory_space<semaphore_mem>> -> memref<!tpu.dma_semaphore, #tpu.memory_space<semaphore_mem>>
    %dma_wait3A_1530 = arith.constant 0 : i32
    %dma_wait3A_1531 = arith.constant 0 : i32
    %dma_wait3A_1532 = tpu.memref_slice %arg3[%dma_wait3A_1526, %dma_wait3A_1530, %dma_wait3A_1531] : memref<8x128x1024xf32, #tpu.memory_space<vmem_shared>> -> memref<1x128x1024xf32, #tpu.memory_space<vmem_shared>>
    %dma_wait3A_1533 = tpu.memref_squeeze %dma_wait3A_1532 : memref<1x128x1024xf32, #tpu.memory_space<vmem_shared>> -> memref<128x1024xf32, #tpu.memory_space<vmem_shared>>
    %dma_wait3A_1534 = arith.constant 0 : i32
    %dma_wait3A_1535 = tpu.memref_slice %arg1[%add3A_1525, %dma_wait3A_1534] : memref<8192x1024xf32, #tpu.memory_space<hbm>> -> memref<128x1024xf32, #tpu.memory_space<hbm>>
    tpu.wait_dma2 semaphore(%dma_wait3A_1529 : memref<!tpu.dma_semaphore, #tpu.memory_space<semaphore_mem>>) src(%dma_wait3A_1535 : memref<128x1024xf32, #tpu.memory_space<hbm>>) dst(%dma_wait3A_1533 : memref<128x1024xf32, #tpu.memory_space<vmem_shared>>)
    %add3A_1536 = arith.constant 3968 : i32
    %add3A_1537 = arith.addi %mul3A_0, %add3A_1536 : i32
    %dma_start3A_1538 = arith.constant 7 : i32
    %dma_start3A_1539 = arith.constant 0 : i32
    %dma_start3A_1540 = arith.constant 7 : i32
    %dma_start3A_1541 = tpu.memref_slice %arg5[%dma_start3A_1540] : memref<8x!tpu.dma_semaphore, #tpu.memory_space<semaphore_mem>> -> memref<1x!tpu.dma_semaphore, #tpu.memory_space<semaphore_mem>>
    %dma_start3A_1542 = tpu.memref_squeeze %dma_start3A_1541 : memref<1x!tpu.dma_semaphore, #tpu.memory_space<semaphore_mem>> -> memref<!tpu.dma_semaphore, #tpu.memory_space<semaphore_mem>>
    %dma_start3A_1543 = arith.constant 0 : i32
    %dma_start3A_1544 = tpu.memref_slice %arg2[%dma_start3A_1539, %add3A_1537, %dma_start3A_1543] : memref<1x8192x1024xf32, #tpu.memory_space<hbm>> -> memref<1x128x1024xf32, #tpu.memory_space<hbm>>
    %dma_start3A_1545 = tpu.memref_squeeze %dma_start3A_1544 : memref<1x128x1024xf32, #tpu.memory_space<hbm>> -> memref<128x1024xf32, #tpu.memory_space<hbm>>
    %dma_start3A_1546 = arith.constant 0 : i32
    %dma_start3A_1547 = arith.constant 0 : i32
    %dma_start3A_1548 = tpu.memref_slice %arg3[%dma_start3A_1538, %dma_start3A_1546, %dma_start3A_1547] : memref<8x128x1024xf32, #tpu.memory_space<vmem_shared>> -> memref<1x128x1024xf32, #tpu.memory_space<vmem_shared>>
    %dma_start3A_1549 = tpu.memref_squeeze %dma_start3A_1548 : memref<1x128x1024xf32, #tpu.memory_space<vmem_shared>> -> memref<128x1024xf32, #tpu.memory_space<vmem_shared>>
    tpu.enqueue_dma source(%dma_start3A_1549 : memref<128x1024xf32, #tpu.memory_space<vmem_shared>>) target(%dma_start3A_1545 : memref<128x1024xf32, #tpu.memory_space<hbm>>) target_semaphore(%dma_start3A_1542 : memref<!tpu.dma_semaphore, #tpu.memory_space<semaphore_mem>>)
    %add3A_1550 = arith.constant 3072 : i32
    %add3A_1551 = arith.addi %mul3A_0, %add3A_1550 : i32
    %dma_wait3A_1552 = arith.constant 0 : i32
    %dma_wait3A_1553 = arith.constant 0 : i32
    %dma_wait3A_1554 = arith.constant 0 : i32
    %dma_wait3A_1555 = tpu.memref_slice %arg5[%dma_wait3A_1554] : memref<8x!tpu.dma_semaphore, #tpu.memory_space<semaphore_mem>> -> memref<1x!tpu.dma_semaphore, #tpu.memory_space<semaphore_mem>>
    %dma_wait3A_1556 = tpu.memref_squeeze %dma_wait3A_1555 : memref<1x!tpu.dma_semaphore, #tpu.memory_space<semaphore_mem>> -> memref<!tpu.dma_semaphore, #tpu.memory_space<semaphore_mem>>
    %dma_wait3A_1557 = arith.constant 0 : i32
    %dma_wait3A_1558 = tpu.memref_slice %arg2[%dma_wait3A_1553, %add3A_1551, %dma_wait3A_1557] : memref<1x8192x1024xf32, #tpu.memory_space<hbm>> -> memref<1x128x1024xf32, #tpu.memory_space<hbm>>
    %dma_wait3A_1559 = tpu.memref_squeeze %dma_wait3A_1558 : memref<1x128x1024xf32, #tpu.memory_space<hbm>> -> memref<128x1024xf32, #tpu.memory_space<hbm>>
    %dma_wait3A_1560 = arith.constant 0 : i32
    %dma_wait3A_1561 = arith.constant 0 : i32
    %dma_wait3A_1562 = tpu.memref_slice %arg3[%dma_wait3A_1552, %dma_wait3A_1560, %dma_wait3A_1561] : memref<8x128x1024xf32, #tpu.memory_space<vmem_shared>> -> memref<1x128x1024xf32, #tpu.memory_space<vmem_shared>>
    %dma_wait3A_1563 = tpu.memref_squeeze %dma_wait3A_1562 : memref<1x128x1024xf32, #tpu.memory_space<vmem_shared>> -> memref<128x1024xf32, #tpu.memory_space<vmem_shared>>
    tpu.wait_dma2 semaphore(%dma_wait3A_1556 : memref<!tpu.dma_semaphore, #tpu.memory_space<semaphore_mem>>) src(%dma_wait3A_1563 : memref<128x1024xf32, #tpu.memory_space<vmem_shared>>) dst(%dma_wait3A_1559 : memref<128x1024xf32, #tpu.memory_space<hbm>>)
    %add3A_1564 = arith.constant 3200 : i32
    %add3A_1565 = arith.addi %mul3A_0, %add3A_1564 : i32
    %dma_wait3A_1566 = arith.constant 1 : i32
    %dma_wait3A_1567 = arith.constant 0 : i32
    %dma_wait3A_1568 = arith.constant 1 : i32
    %dma_wait3A_1569 = tpu.memref_slice %arg5[%dma_wait3A_1568] : memref<8x!tpu.dma_semaphore, #tpu.memory_space<semaphore_mem>> -> memref<1x!tpu.dma_semaphore, #tpu.memory_space<semaphore_mem>>
    %dma_wait3A_1570 = tpu.memref_squeeze %dma_wait3A_1569 : memref<1x!tpu.dma_semaphore, #tpu.memory_space<semaphore_mem>> -> memref<!tpu.dma_semaphore, #tpu.memory_space<semaphore_mem>>
    %dma_wait3A_1571 = arith.constant 0 : i32
    %dma_wait3A_1572 = tpu.memref_slice %arg2[%dma_wait3A_1567, %add3A_1565, %dma_wait3A_1571] : memref<1x8192x1024xf32, #tpu.memory_space<hbm>> -> memref<1x128x1024xf32, #tpu.memory_space<hbm>>
    %dma_wait3A_1573 = tpu.memref_squeeze %dma_wait3A_1572 : memref<1x128x1024xf32, #tpu.memory_space<hbm>> -> memref<128x1024xf32, #tpu.memory_space<hbm>>
    %dma_wait3A_1574 = arith.constant 0 : i32
    %dma_wait3A_1575 = arith.constant 0 : i32
    %dma_wait3A_1576 = tpu.memref_slice %arg3[%dma_wait3A_1566, %dma_wait3A_1574, %dma_wait3A_1575] : memref<8x128x1024xf32, #tpu.memory_space<vmem_shared>> -> memref<1x128x1024xf32, #tpu.memory_space<vmem_shared>>
    %dma_wait3A_1577 = tpu.memref_squeeze %dma_wait3A_1576 : memref<1x128x1024xf32, #tpu.memory_space<vmem_shared>> -> memref<128x1024xf32, #tpu.memory_space<vmem_shared>>
    tpu.wait_dma2 semaphore(%dma_wait3A_1570 : memref<!tpu.dma_semaphore, #tpu.memory_space<semaphore_mem>>) src(%dma_wait3A_1577 : memref<128x1024xf32, #tpu.memory_space<vmem_shared>>) dst(%dma_wait3A_1573 : memref<128x1024xf32, #tpu.memory_space<hbm>>)
    %add3A_1578 = arith.constant 3328 : i32
    %add3A_1579 = arith.addi %mul3A_0, %add3A_1578 : i32
    %dma_wait3A_1580 = arith.constant 2 : i32
    %dma_wait3A_1581 = arith.constant 0 : i32
    %dma_wait3A_1582 = arith.constant 2 : i32
    %dma_wait3A_1583 = tpu.memref_slice %arg5[%dma_wait3A_1582] : memref<8x!tpu.dma_semaphore, #tpu.memory_space<semaphore_mem>> -> memref<1x!tpu.dma_semaphore, #tpu.memory_space<semaphore_mem>>
    %dma_wait3A_1584 = tpu.memref_squeeze %dma_wait3A_1583 : memref<1x!tpu.dma_semaphore, #tpu.memory_space<semaphore_mem>> -> memref<!tpu.dma_semaphore, #tpu.memory_space<semaphore_mem>>
    %dma_wait3A_1585 = arith.constant 0 : i32
    %dma_wait3A_1586 = tpu.memref_slice %arg2[%dma_wait3A_1581, %add3A_1579, %dma_wait3A_1585] : memref<1x8192x1024xf32, #tpu.memory_space<hbm>> -> memref<1x128x1024xf32, #tpu.memory_space<hbm>>
    %dma_wait3A_1587 = tpu.memref_squeeze %dma_wait3A_1586 : memref<1x128x1024xf32, #tpu.memory_space<hbm>> -> memref<128x1024xf32, #tpu.memory_space<hbm>>
    %dma_wait3A_1588 = arith.constant 0 : i32
    %dma_wait3A_1589 = arith.constant 0 : i32
    %dma_wait3A_1590 = tpu.memref_slice %arg3[%dma_wait3A_1580, %dma_wait3A_1588, %dma_wait3A_1589] : memref<8x128x1024xf32, #tpu.memory_space<vmem_shared>> -> memref<1x128x1024xf32, #tpu.memory_space<vmem_shared>>
    %dma_wait3A_1591 = tpu.memref_squeeze %dma_wait3A_1590 : memref<1x128x1024xf32, #tpu.memory_space<vmem_shared>> -> memref<128x1024xf32, #tpu.memory_space<vmem_shared>>
    tpu.wait_dma2 semaphore(%dma_wait3A_1584 : memref<!tpu.dma_semaphore, #tpu.memory_space<semaphore_mem>>) src(%dma_wait3A_1591 : memref<128x1024xf32, #tpu.memory_space<vmem_shared>>) dst(%dma_wait3A_1587 : memref<128x1024xf32, #tpu.memory_space<hbm>>)
    %add3A_1592 = arith.constant 3456 : i32
    %add3A_1593 = arith.addi %mul3A_0, %add3A_1592 : i32
    %dma_wait3A_1594 = arith.constant 3 : i32
    %dma_wait3A_1595 = arith.constant 0 : i32
    %dma_wait3A_1596 = arith.constant 3 : i32
    %dma_wait3A_1597 = tpu.memref_slice %arg5[%dma_wait3A_1596] : memref<8x!tpu.dma_semaphore, #tpu.memory_space<semaphore_mem>> -> memref<1x!tpu.dma_semaphore, #tpu.memory_space<semaphore_mem>>
    %dma_wait3A_1598 = tpu.memref_squeeze %dma_wait3A_1597 : memref<1x!tpu.dma_semaphore, #tpu.memory_space<semaphore_mem>> -> memref<!tpu.dma_semaphore, #tpu.memory_space<semaphore_mem>>
    %dma_wait3A_1599 = arith.constant 0 : i32
    %dma_wait3A_1600 = tpu.memref_slice %arg2[%dma_wait3A_1595, %add3A_1593, %dma_wait3A_1599] : memref<1x8192x1024xf32, #tpu.memory_space<hbm>> -> memref<1x128x1024xf32, #tpu.memory_space<hbm>>
    %dma_wait3A_1601 = tpu.memref_squeeze %dma_wait3A_1600 : memref<1x128x1024xf32, #tpu.memory_space<hbm>> -> memref<128x1024xf32, #tpu.memory_space<hbm>>
    %dma_wait3A_1602 = arith.constant 0 : i32
    %dma_wait3A_1603 = arith.constant 0 : i32
    %dma_wait3A_1604 = tpu.memref_slice %arg3[%dma_wait3A_1594, %dma_wait3A_1602, %dma_wait3A_1603] : memref<8x128x1024xf32, #tpu.memory_space<vmem_shared>> -> memref<1x128x1024xf32, #tpu.memory_space<vmem_shared>>
    %dma_wait3A_1605 = tpu.memref_squeeze %dma_wait3A_1604 : memref<1x128x1024xf32, #tpu.memory_space<vmem_shared>> -> memref<128x1024xf32, #tpu.memory_space<vmem_shared>>
    tpu.wait_dma2 semaphore(%dma_wait3A_1598 : memref<!tpu.dma_semaphore, #tpu.memory_space<semaphore_mem>>) src(%dma_wait3A_1605 : memref<128x1024xf32, #tpu.memory_space<vmem_shared>>) dst(%dma_wait3A_1601 : memref<128x1024xf32, #tpu.memory_space<hbm>>)
    %add3A_1606 = arith.constant 3584 : i32
    %add3A_1607 = arith.addi %mul3A_0, %add3A_1606 : i32
    %dma_wait3A_1608 = arith.constant 4 : i32
    %dma_wait3A_1609 = arith.constant 0 : i32
    %dma_wait3A_1610 = arith.constant 4 : i32
    %dma_wait3A_1611 = tpu.memref_slice %arg5[%dma_wait3A_1610] : memref<8x!tpu.dma_semaphore, #tpu.memory_space<semaphore_mem>> -> memref<1x!tpu.dma_semaphore, #tpu.memory_space<semaphore_mem>>
    %dma_wait3A_1612 = tpu.memref_squeeze %dma_wait3A_1611 : memref<1x!tpu.dma_semaphore, #tpu.memory_space<semaphore_mem>> -> memref<!tpu.dma_semaphore, #tpu.memory_space<semaphore_mem>>
    %dma_wait3A_1613 = arith.constant 0 : i32
    %dma_wait3A_1614 = tpu.memref_slice %arg2[%dma_wait3A_1609, %add3A_1607, %dma_wait3A_1613] : memref<1x8192x1024xf32, #tpu.memory_space<hbm>> -> memref<1x128x1024xf32, #tpu.memory_space<hbm>>
    %dma_wait3A_1615 = tpu.memref_squeeze %dma_wait3A_1614 : memref<1x128x1024xf32, #tpu.memory_space<hbm>> -> memref<128x1024xf32, #tpu.memory_space<hbm>>
    %dma_wait3A_1616 = arith.constant 0 : i32
    %dma_wait3A_1617 = arith.constant 0 : i32
    %dma_wait3A_1618 = tpu.memref_slice %arg3[%dma_wait3A_1608, %dma_wait3A_1616, %dma_wait3A_1617] : memref<8x128x1024xf32, #tpu.memory_space<vmem_shared>> -> memref<1x128x1024xf32, #tpu.memory_space<vmem_shared>>
    %dma_wait3A_1619 = tpu.memref_squeeze %dma_wait3A_1618 : memref<1x128x1024xf32, #tpu.memory_space<vmem_shared>> -> memref<128x1024xf32, #tpu.memory_space<vmem_shared>>
    tpu.wait_dma2 semaphore(%dma_wait3A_1612 : memref<!tpu.dma_semaphore, #tpu.memory_space<semaphore_mem>>) src(%dma_wait3A_1619 : memref<128x1024xf32, #tpu.memory_space<vmem_shared>>) dst(%dma_wait3A_1615 : memref<128x1024xf32, #tpu.memory_space<hbm>>)
    %add3A_1620 = arith.constant 3712 : i32
    %add3A_1621 = arith.addi %mul3A_0, %add3A_1620 : i32
    %dma_wait3A_1622 = arith.constant 5 : i32
    %dma_wait3A_1623 = arith.constant 0 : i32
    %dma_wait3A_1624 = arith.constant 5 : i32
    %dma_wait3A_1625 = tpu.memref_slice %arg5[%dma_wait3A_1624] : memref<8x!tpu.dma_semaphore, #tpu.memory_space<semaphore_mem>> -> memref<1x!tpu.dma_semaphore, #tpu.memory_space<semaphore_mem>>
    %dma_wait3A_1626 = tpu.memref_squeeze %dma_wait3A_1625 : memref<1x!tpu.dma_semaphore, #tpu.memory_space<semaphore_mem>> -> memref<!tpu.dma_semaphore, #tpu.memory_space<semaphore_mem>>
    %dma_wait3A_1627 = arith.constant 0 : i32
    %dma_wait3A_1628 = tpu.memref_slice %arg2[%dma_wait3A_1623, %add3A_1621, %dma_wait3A_1627] : memref<1x8192x1024xf32, #tpu.memory_space<hbm>> -> memref<1x128x1024xf32, #tpu.memory_space<hbm>>
    %dma_wait3A_1629 = tpu.memref_squeeze %dma_wait3A_1628 : memref<1x128x1024xf32, #tpu.memory_space<hbm>> -> memref<128x1024xf32, #tpu.memory_space<hbm>>
    %dma_wait3A_1630 = arith.constant 0 : i32
    %dma_wait3A_1631 = arith.constant 0 : i32
    %dma_wait3A_1632 = tpu.memref_slice %arg3[%dma_wait3A_1622, %dma_wait3A_1630, %dma_wait3A_1631] : memref<8x128x1024xf32, #tpu.memory_space<vmem_shared>> -> memref<1x128x1024xf32, #tpu.memory_space<vmem_shared>>
    %dma_wait3A_1633 = tpu.memref_squeeze %dma_wait3A_1632 : memref<1x128x1024xf32, #tpu.memory_space<vmem_shared>> -> memref<128x1024xf32, #tpu.memory_space<vmem_shared>>
    tpu.wait_dma2 semaphore(%dma_wait3A_1626 : memref<!tpu.dma_semaphore, #tpu.memory_space<semaphore_mem>>) src(%dma_wait3A_1633 : memref<128x1024xf32, #tpu.memory_space<vmem_shared>>) dst(%dma_wait3A_1629 : memref<128x1024xf32, #tpu.memory_space<hbm>>)
    %add3A_1634 = arith.constant 3840 : i32
    %add3A_1635 = arith.addi %mul3A_0, %add3A_1634 : i32
    %dma_wait3A_1636 = arith.constant 6 : i32
    %dma_wait3A_1637 = arith.constant 0 : i32
    %dma_wait3A_1638 = arith.constant 6 : i32
    %dma_wait3A_1639 = tpu.memref_slice %arg5[%dma_wait3A_1638] : memref<8x!tpu.dma_semaphore, #tpu.memory_space<semaphore_mem>> -> memref<1x!tpu.dma_semaphore, #tpu.memory_space<semaphore_mem>>
    %dma_wait3A_1640 = tpu.memref_squeeze %dma_wait3A_1639 : memref<1x!tpu.dma_semaphore, #tpu.memory_space<semaphore_mem>> -> memref<!tpu.dma_semaphore, #tpu.memory_space<semaphore_mem>>
    %dma_wait3A_1641 = arith.constant 0 : i32
    %dma_wait3A_1642 = tpu.memref_slice %arg2[%dma_wait3A_1637, %add3A_1635, %dma_wait3A_1641] : memref<1x8192x1024xf32, #tpu.memory_space<hbm>> -> memref<1x128x1024xf32, #tpu.memory_space<hbm>>
    %dma_wait3A_1643 = tpu.memref_squeeze %dma_wait3A_1642 : memref<1x128x1024xf32, #tpu.memory_space<hbm>> -> memref<128x1024xf32, #tpu.memory_space<hbm>>
    %dma_wait3A_1644 = arith.constant 0 : i32
    %dma_wait3A_1645 = arith.constant 0 : i32
    %dma_wait3A_1646 = tpu.memref_slice %arg3[%dma_wait3A_1636, %dma_wait3A_1644, %dma_wait3A_1645] : memref<8x128x1024xf32, #tpu.memory_space<vmem_shared>> -> memref<1x128x1024xf32, #tpu.memory_space<vmem_shared>>
    %dma_wait3A_1647 = tpu.memref_squeeze %dma_wait3A_1646 : memref<1x128x1024xf32, #tpu.memory_space<vmem_shared>> -> memref<128x1024xf32, #tpu.memory_space<vmem_shared>>
    tpu.wait_dma2 semaphore(%dma_wait3A_1640 : memref<!tpu.dma_semaphore, #tpu.memory_space<semaphore_mem>>) src(%dma_wait3A_1647 : memref<128x1024xf32, #tpu.memory_space<vmem_shared>>) dst(%dma_wait3A_1643 : memref<128x1024xf32, #tpu.memory_space<hbm>>)
    %add3A_1648 = arith.constant 3968 : i32
    %add3A_1649 = arith.addi %mul3A_0, %add3A_1648 : i32
    %dma_wait3A_1650 = arith.constant 7 : i32
    %dma_wait3A_1651 = arith.constant 0 : i32
    %dma_wait3A_1652 = arith.constant 7 : i32
    %dma_wait3A_1653 = tpu.memref_slice %arg5[%dma_wait3A_1652] : memref<8x!tpu.dma_semaphore, #tpu.memory_space<semaphore_mem>> -> memref<1x!tpu.dma_semaphore, #tpu.memory_space<semaphore_mem>>
    %dma_wait3A_1654 = tpu.memref_squeeze %dma_wait3A_1653 : memref<1x!tpu.dma_semaphore, #tpu.memory_space<semaphore_mem>> -> memref<!tpu.dma_semaphore, #tpu.memory_space<semaphore_mem>>
    %dma_wait3A_1655 = arith.constant 0 : i32
    %dma_wait3A_1656 = tpu.memref_slice %arg2[%dma_wait3A_1651, %add3A_1649, %dma_wait3A_1655] : memref<1x8192x1024xf32, #tpu.memory_space<hbm>> -> memref<1x128x1024xf32, #tpu.memory_space<hbm>>
    %dma_wait3A_1657 = tpu.memref_squeeze %dma_wait3A_1656 : memref<1x128x1024xf32, #tpu.memory_space<hbm>> -> memref<128x1024xf32, #tpu.memory_space<hbm>>
    %dma_wait3A_1658 = arith.constant 0 : i32
    %dma_wait3A_1659 = arith.constant 0 : i32
    %dma_wait3A_1660 = tpu.memref_slice %arg3[%dma_wait3A_1650, %dma_wait3A_1658, %dma_wait3A_1659] : memref<8x128x1024xf32, #tpu.memory_space<vmem_shared>> -> memref<1x128x1024xf32, #tpu.memory_space<vmem_shared>>
    %dma_wait3A_1661 = tpu.memref_squeeze %dma_wait3A_1660 : memref<1x128x1024xf32, #tpu.memory_space<vmem_shared>> -> memref<128x1024xf32, #tpu.memory_space<vmem_shared>>
    tpu.wait_dma2 semaphore(%dma_wait3A_1654 : memref<!tpu.dma_semaphore, #tpu.memory_space<semaphore_mem>>) src(%dma_wait3A_1661 : memref<128x1024xf32, #tpu.memory_space<vmem_shared>>) dst(%dma_wait3A_1657 : memref<128x1024xf32, #tpu.memory_space<hbm>>)
    return
  }
}

</mosaic_0001>

<sc_bundles>
// kernel: kernel.3.cloned.1.call-start
scs
__scs_entry_jumppad:
0x0: {  	(pc) =	sbr.rel $0x88, $3  }
0x1: {  	(tag) =	ssettag $0x0;
	lr =	simm.s32 $0x1  }
0x2: {  	[smem:$0x3FA0] =	sst lr;
	_ =	strace $0xD0000000  }
0x3: {  	_ = 	snop  }
0x4: {  	_ = 	snop  }
0x5: {  	_ = 	snop  }
0x6: {  	_ = 	snop  }
0x7: {  	_ = 	snop  }
__scs_overlays_trampoline_lowered:
0x8: {  	[smem:$0x3FAF] =	sst s0  }
0x9: {  	[smem:$0x3FB0] =	sst s1  }
0xa: {  	[smem:$0x3FB1] =	sst s2  }
0xb: {  	[smem:$0x3FB2] =	sst s3  }
0xc: {  	[smem:$0x3FB3] =	sst s4  }
0xd: {  	[smem:$0x3FB4] =	sst s5  }
0xe: {  	[smem:$0x3FB5] =	sst s6  }
0xf: {  	[smem:$0x3FB6] =	sst s7  }
0x10: {  	[smem:$0x3FB7] =	sst s8  }
0x11: {  	[smem:$0x3FB8] =	sst s9;
	s0 =	simm.s32 @!p0 $0x0  }
0x12: {  	s1 =	sld [smem:$0x3F9E];
	s0 =	simm.s32 @p0 $0x1  }
0x13: {  	[smem:$0x3FB9] =	sst s0;
	s0 =	simm.s32 @!p1 $0x0  }
0x14: {  	s2 =	sld [smem:$0x3F9D];
	s0 =	simm.s32 @p1 $0x1  }
0x15: {  	[smem:$0x3FBA] =	sst s0;
	s0 =	simm.s32 @!p2 $0x0  }
0x16: {  	s3 =	sld [smem:$0x3FDB];
	s0 =	simm.s32 @p2 $0x1  }
0x17: {  	s4 =	simm.s32 $0x1BF5;
	[smem:$0x3FBC] =	sst s0  }
0x18: {  	s0 =	sld [smem:$0x3F9F];
	_ =	swait.ge [sflag:s4], $0x0  }
0x19: {  	s7 =	sld [smem:$0x3FA0]  }
0x1a: {  	s8 =	sadd.s32 $0xFFFFE003, lr  }
0x1b: {  	s9 =	sadd.s32 $0xFFFFFEF7, lr;
	s5 =	simm.s32 $0xFFFFFFFF;
	p2 =	slt.u32 s8, $0xFFFFF086  }
0x1c: {  	p1 =	slt.u32 s9, $0xF7A;
	s5 =	simm.s32 @!p2 $0x0  }
0x1d: {  	s5 =	simm.s32 @p1 $0x1;
	p0 =	seq.s32 s7, s2  }
0x1e: {  	s7 =	smul.u32 @!p0 $0xF7A, s2;
	p2 =	seq.s32 @!p0 s5, $0x0  }
0x1f: {  	s9 =	smul.u32 $0xF7A, s1;
	s8 =	simm.s32 @!p0 $0x1BF5;
	p2 =	por !p2, p0  }
0x20: {  	[sflag:s8] =	ssyncset.s32 @!p0 $0xFFFFF086;
	s6 =	sadd.s32 @!p0 s3, s7;
	s7 =	simm.s32 @!p0 $0x108  }
0x21: {  	s3 =	sadd.s32 s3, s9;
	s6 =	sadd.s32 @!p0 $0x88, s6;
	s7 =	simm.s32 @p2 $0x1082  }
0x22: {  	[simem:s7], [sflag:s8] =	dma.local @!p0 [hbm:s6], $0xF7A  }
0x23: {  	s9 =	sor.u32 $0xD0000000, s2;
	s6 =	simm.s32 $0x108;
	_ =	swait.ge @!p0 [sflag:s8], $0x0  }
0x24: {  	s3 =	sadd.s32 $0x88, s3;
	s6 =	simm.s32 @!p1 $0x1082;
	[sflag:s4] =	ssyncset.s32 $0xFFFFF086  }
0x25: {  	[simem:s6], [sflag:s4] =	dma.local [hbm:s3], $0xF7A  }
0x26: {  	[smem:$0x3FA0] =	sst s1;
	(tag) =	ssettag s2;
	_ =	strace s9  }
0x27: {  	s1 =	sld [smem:$0x3FB0]  }
0x28: {  	s2 =	sld [smem:$0x3FB1]  }
0x29: {  	s4 =	sld [smem:$0x3FB3]  }
0x2a: {  	p0 =	seq.s32 s5, $0x0;
	s5 =	sld [smem:$0x3FB4]  }
0x2b: {  	s6 =	sld [smem:$0x3FB5]  }
0x2c: {  	s7 =	sld [smem:$0x3FB6]  }
0x2d: {  	s3 =	simm.s32 $0x108;
	s8 =	sld [smem:$0x3FB7]  }
0x2e: {  	s3 =	simm.s32 @!p0 $0x1082;
	s9 =	sld [smem:$0x3FB8]  }
0x2f: {  	lr =	sadd.s32 s0, s3;
	s0 =	sld [smem:$0x3FAF]  }
0x30: {  	s3 =	sld [smem:$0x3FB2]  }
0x31: {  	[smem:$0x3FBB] =	sst s10  }
0x32: {  	s10 =	sld [smem:$0x3FB9];
	_ =	sdelay $0x3  }
0x33: {  	p0 =	seq.s32 s10, $0x1;
	s10 =	sld [smem:$0x3FBB];
	_ =	sdelay $0x3  }
0x34: {  	[smem:$0x3FBB] =	sst s10  }
0x35: {  	s10 =	sld [smem:$0x3FBA];
	_ =	sdelay $0x3  }
0x36: {  	p1 =	seq.s32 s10, $0x1;
	s10 =	sld [smem:$0x3FBB];
	_ =	sdelay $0x3  }
0x37: {  	[smem:$0x3FBB] =	sst s10  }
0x38: {  	s10 =	sld [smem:$0x3FBC]  }
0x39: {  	_ = 	snop;
	(pc) =	sbr.ind lr, $3  }
0x3a: {  	_ = 	snop  }
0x3b: {  	_ = 	snop  }
0x3c: {  	p2 =	seq.s32 s10, $0x1;
	s10 =	sld [smem:$0x3FBB]  }
0x3d: {  	_ =	shalt  }
0x3e: {  	_ =	shalt  }
0x3f: {  	_ =	shalt  }
0x40: {  	_ =	shalt  }
0x41: {  	_ =	shalt  }
0x42: {  	_ =	shalt  }
0x43: {  	_ =	shalt  }
0x44: {  	_ =	shalt  }
0x45: {  	_ =	shalt  }
0x46: {  	_ =	shalt  }
0x47: {  	_ =	shalt  }
0x48: {  	_ =	shalt  }
0x49: {  	_ =	shalt  }
0x4a: {  	_ =	shalt  }
0x4b: {  	_ =	shalt  }
0x4c: {  	_ =	shalt  }
0x4d: {  	_ =	shalt  }
0x4e: {  	_ =	shalt  }
0x4f: {  	_ =	shalt  }
0x50: {  	_ =	shalt  }
0x51: {  	_ =	shalt  }
0x52: {  	_ =	shalt  }
0x53: {  	_ =	shalt  }
0x54: {  	_ =	shalt  }
0x55: {  	_ =	shalt  }
0x56: {  	_ =	shalt  }
0x57: {  	_ =	shalt  }
0x58: {  	_ =	shalt  }
0x59: {  	_ =	shalt  }
0x5a: {  	_ =	shalt  }
0x5b: {  	_ =	shalt  }
0x5c: {  	_ =	shalt  }
0x5d: {  	_ =	shalt  }
0x5e: {  	_ =	shalt  }
0x5f: {  	_ =	shalt  }
0x60: {  	_ =	shalt  }
0x61: {  	_ =	shalt  }
0x62: {  	_ =	shalt  }
0x63: {  	_ =	shalt  }
0x64: {  	_ =	shalt  }
0x65: {  	_ =	shalt  }
0x66: {  	_ =	shalt  }
0x67: {  	_ =	shalt  }
0x68: {  	_ =	shalt  }
0x69: {  	_ =	shalt  }
0x6a: {  	_ =	shalt  }
0x6b: {  	_ =	shalt  }
0x6c: {  	_ =	shalt  }
0x6d: {  	_ =	shalt  }
0x6e: {  	_ =	shalt  }
0x6f: {  	_ =	shalt  }
0x70: {  	_ =	shalt  }
0x71: {  	_ =	shalt  }
0x72: {  	_ =	shalt  }
0x73: {  	_ =	shalt  }
0x74: {  	_ =	shalt  }
0x75: {  	_ =	shalt  }
0x76: {  	_ =	shalt  }
0x77: {  	_ =	shalt  }
0x78: {  	_ =	shalt  }
0x79: {  	_ =	shalt  }
0x7a: {  	_ =	shalt  }
0x7b: {  	_ =	shalt  }
0x7c: {  	_ =	shalt  }
0x7d: {  	_ =	shalt  }
0x7e: {  	_ =	shalt  }
0x7f: {  	_ =	shalt  }
0x80: {  	_ =	shalt  }
0x81: {  	_ =	shalt  }
0x82: {  	_ =	shalt  }
0x83: {  	_ =	shalt  }
0x84: {  	_ =	shalt  }
0x85: {  	_ =	shalt  }
0x86: {  	_ =	shalt  }
0x87: {  	_ =	shalt  }
.Lfunc_end0:
.L_simem_size_0:
called_computation_lowered:
.L_overlay_start_0:
0x88: {  	s0 =	sld [smem:$0x3FD9]  }
0x89: {  	s1 =	sld [smem:$0x3FFE];
	_ =	sdelay $0x1  }
0x8a: {  	s2 =	srdreg.scid  }
0x8b: {  	s4 =	sand.u32 $0x1, s2  }
0x8c: {  	s31 =	sshll.u32 s4, $0xA;
	s0 =	sadd.s32 s1, s0  }
0x8d: {  	[dreg:$0x0] =	wrdreg s4;
	s0 =	sadd.s32 s0, s31  }
0x8e: {  	s1 =	simm.s32 $0x0;
	[smem:$0x3FC7] =	sst s0  }
0x8f: {  	[smem:$0xF] =	sst s1  }
0x90: {  	s3 =	sld [smem:$0x3FC9]  }
0x91: {  	s2 =	sld [smem:$0x3FD0];
	(tm) =	ssettm $0x1  }
0x92: {  	s7 =	sld [smem:$0x3FFB];
	_ =	sdelay $0x3  }
0x93: {  	_ =	strace s7  }
0x94: {  	s0 =	sld [smem:$0x3FFC];
	_ =	sdelay $0x3  }
0x95: {  	s5 =	simm.s32 $0x0;
	_ =	strace s0  }
0x96: {  	s8 =	simm.s32 $0x1B8B;
	s9 =	simm.s32 $0x1B8E;
	s0 =	sld [smem:$0x3FFD]  }
0x97: {  	s22 =	simm.s32 $0x9;
	s12 =	simm.s32 $0x4000;
	s14 =	simm.s32 $0xB  }
0x98: {  	s18 =	simm.s32 $0x8000;
	s15 =	simm.s32 $0xC;
	s20 =	simm.s32 $0xC000  }
0x99: {  	s16 =	simm.s32 $0xD;
	s25 =	simm.s32 $0x18000;
	s26 =	simm.s32 $0x0  }
0x9a: {  	s30 =	simm.s32 $0x1C000;
	s6 =	sshll.u32 s4, $0x13;
	_ =	strace s0  }
0x9b: {  	s4 =	sor.u32 $0x4000, s6;
	s13 =	sor.u32 $0x8000, s6;
	_ =	strace $0x8FFFFFFF  }
0x9c: {  	s28 =	sor.u32 $0x18000, s6;
	s1 =	sor.u32 $0x10000, s6;
	_ =	swait.ge [sflag:s8], $0x1  }
0x9d: {  	s10 =	sadd.s32 s6, s3;
	s11 =	sadd.s32 s4, s3;
	[sflag:s8] =	ssyncset.done $0x0  }
0x9e: {  	s17 =	sadd.s32 s13, s3;
	s21 =	sadd.s32 s1, s3;
	[sflag:s8] =	ssyncadd.s32 $0xFFFFFFFF  }
0x9f: {  	s24 =	sadd.s32 s28, s3;
	s7 =	sor.u32 $0xC000, s6;
	[smem:$0x3FD2] =	sst s9  }
0xa0: {  	s19 =	sadd.s32 s7, s3;
	s0 =	sor.u32 $0x14000, s6;
	_ =	strace $0x80000046  }
0xa1: {  	[spmem:s5], [sflag:s22] =	dma.local [hbm:s10], $0x4000  }
0xa2: {  	s23 =	sadd.s32 s0, s3;
	s8 =	simm.s32 $0x10000;
	s5 =	simm.s32 $0xA  }
0xa3: {  	[spmem:s12], [sflag:s5] =	dma.local [hbm:s11], $0x4000  }
0xa4: {  	[spmem:s18], [sflag:s14] =	dma.local [hbm:s17], $0x4000  }
0xa5: {  	s9 =	simm.s32 $0x14000;
	s17 =	simm.s32 $0xE;
	s18 =	simm.s32 $0xF  }
0xa6: {  	[spmem:s20], [sflag:s15] =	dma.local [hbm:s19], $0x4000  }
0xa7: {  	[spmem:s8], [sflag:s16] =	dma.local [hbm:s21], $0x4000  }
0xa8: {  	[spmem:s9], [sflag:s17] =	dma.local [hbm:s23], $0x4000  }
0xa9: {  	[spmem:s25], [sflag:s18] =	dma.local [hbm:s24], $0x4000  }
0xaa: {  	s29 =	sor.u32 $0x1C000, s6;
	s31 =	simm.s32 $0xA;
	_ =	swait.ge [sflag:s22], $0x4000  }
0xab: {  	s12 =	simm.s32 $0x11;
	s19 =	sadd.s32 s6, s2;
	[sflag:s22] =	ssyncset.done $0x0  }
0xac: {  	s20 =	sadd.s32 s29, s3;
	s21 =	simm.s32 $0x10;
	[sflag:s22] =	ssyncadd.s32 $0xFFFFC000  }
0xad: {  	[hbm:s19], [sflag:s12] =	dma.local [spmem:s26], $0x4000  }
0xae: {  	[spmem:s30], [sflag:s21] =	dma.local [hbm:s20], $0x4000  }
0xaf: {  	_ =	swait.ge [sflag:s31], $0x4000  }
0xb0: {  	[sflag:s31] =	ssyncset.done $0x0  }
0xb1: {  	[sflag:s31] =	ssyncadd.s32 $0xFFFFC000  }
0xb2: {  	s4 =	sadd.s32 s4, s2;
	s10 =	simm.s32 $0x4000;
	s20 =	simm.s32 $0x12  }
0xb3: {  	[hbm:s4], [sflag:s20] =	dma.local [spmem:s10], $0x4000  }
0xb4: {  	_ =	swait.ge [sflag:s12], $0x4000  }
0xb5: {  	[sflag:s12] =	ssyncset.done $0x0  }
0xb6: {  	s30 =	sor.u32 $0x20000, s6;
	[sflag:s12] =	ssyncadd.s32 $0xFFFFC000  }
0xb7: {  	s9 =	sadd.s32 s30, s3  }
0xb8: {  	[spmem:s26], [sflag:s22] =	dma.local [hbm:s9], $0x4000  }
0xb9: {  	_ =	swait.ge [sflag:s14], $0x4000  }
0xba: {  	[sflag:s14] =	ssyncset.done $0x0  }
0xbb: {  	[sflag:s14] =	ssyncadd.s32 $0xFFFFC000  }
0xbc: {  	s11 =	sadd.s32 s13, s2;
	s13 =	simm.s32 $0x8000;
	s23 =	simm.s32 $0x13  }
0xbd: {  	[hbm:s11], [sflag:s23] =	dma.local [spmem:s13], $0x4000  }
0xbe: {  	_ =	swait.ge [sflag:s20], $0x4000  }
0xbf: {  	[sflag:s20] =	ssyncset.done $0x0  }
0xc0: {  	s31 =	sor.u32 $0x24000, s6;
	[sflag:s20] =	ssyncadd.s32 $0xFFFFC000  }
0xc1: {  	s19 =	simm.s32 $0xA;
	s24 =	sadd.s32 s31, s3  }
0xc2: {  	[spmem:s10], [sflag:s19] =	dma.local [hbm:s24], $0x4000  }
0xc3: {  	_ =	swait.ge [sflag:s15], $0x4000  }
0xc4: {  	[sflag:s15] =	ssyncset.done $0x0  }
0xc5: {  	[sflag:s15] =	ssyncadd.s32 $0xFFFFC000  }
0xc6: {  	s25 =	sadd.s32 s7, s2;
	s26 =	simm.s32 $0xC000;
	s24 =	simm.s32 $0x14  }
0xc7: {  	[hbm:s25], [sflag:s24] =	dma.local [spmem:s26], $0x4000  }
0xc8: {  	_ =	swait.ge [sflag:s23], $0x4000  }
0xc9: {  	[sflag:s23] =	ssyncset.done $0x0  }
0xca: {  	s7 =	sor.u32 $0x28000, s6;
	[sflag:s23] =	ssyncadd.s32 $0xFFFFC000  }
0xcb: {  	s8 =	sadd.s32 s7, s3  }
0xcc: {  	[spmem:s13], [sflag:s14] =	dma.local [hbm:s8], $0x4000  }
0xcd: {  	_ =	swait.ge [sflag:s16], $0x4000  }
0xce: {  	[sflag:s16] =	ssyncset.done $0x0  }
0xcf: {  	[sflag:s16] =	ssyncadd.s32 $0xFFFFC000  }
0xd0: {  	s1 =	sadd.s32 s1, s2;
	s9 =	simm.s32 $0x10000;
	s25 =	simm.s32 $0x15  }
0xd1: {  	[hbm:s1], [sflag:s25] =	dma.local [spmem:s9], $0x4000  }
0xd2: {  	_ =	swait.ge [sflag:s24], $0x4000  }
0xd3: {  	[sflag:s24] =	ssyncset.done $0x0  }
0xd4: {  	s5 =	sor.u32 $0x2C000, s6;
	[sflag:s24] =	ssyncadd.s32 $0xFFFFC000  }
0xd5: {  	s11 =	sadd.s32 s5, s3  }
0xd6: {  	[spmem:s26], [sflag:s15] =	dma.local [hbm:s11], $0x4000  }
0xd7: {  	_ =	swait.ge [sflag:s17], $0x4000  }
0xd8: {  	[sflag:s17] =	ssyncset.done $0x0  }
0xd9: {  	[sflag:s17] =	ssyncadd.s32 $0xFFFFC000  }
0xda: {  	s0 =	sadd.s32 s0, s2;
	s10 =	simm.s32 $0x14000;
	s26 =	simm.s32 $0x16  }
0xdb: {  	[hbm:s0], [sflag:s26] =	dma.local [spmem:s10], $0x4000  }
0xdc: {  	_ =	swait.ge [sflag:s25], $0x4000  }
0xdd: {  	[sflag:s25] =	ssyncset.done $0x0  }
0xde: {  	s11 =	sor.u32 $0x30000, s6;
	[sflag:s25] =	ssyncadd.s32 $0xFFFFC000  }
0xdf: {  	s13 =	sadd.s32 s11, s3  }
0xe0: {  	[spmem:s9], [sflag:s16] =	dma.local [hbm:s13], $0x4000  }
0xe1: {  	_ =	swait.ge [sflag:s18], $0x4000  }
0xe2: {  	[sflag:s18] =	ssyncset.done $0x0  }
0xe3: {  	[sflag:s18] =	ssyncadd.s32 $0xFFFFC000  }
0xe4: {  	s4 =	simm.s32 $0x18000;
	s1 =	sadd.s32 s28, s2;
	s28 =	simm.s32 $0x17  }
0xe5: {  	[hbm:s1], [sflag:s28] =	dma.local [spmem:s4], $0x4000  }
0xe6: {  	_ =	swait.ge [sflag:s26], $0x4000  }
0xe7: {  	[sflag:s26] =	ssyncset.done $0x0  }
0xe8: {  	s9 =	sor.u32 $0x34000, s6;
	[sflag:s26] =	ssyncadd.s32 $0xFFFFC000  }
0xe9: {  	s8 =	sadd.s32 s9, s3  }
0xea: {  	[spmem:s10], [sflag:s17] =	dma.local [hbm:s8], $0x4000  }
0xeb: {  	_ =	swait.ge [sflag:s21], $0x4000  }
0xec: {  	[sflag:s21] =	ssyncset.done $0x0  }
0xed: {  	[sflag:s21] =	ssyncadd.s32 $0xFFFFC000  }
0xee: {  	s13 =	sadd.s32 s29, s2;
	s29 =	simm.s32 $0x18;
	s1 =	simm.s32 $0x1C000  }
0xef: {  	[hbm:s13], [sflag:s29] =	dma.local [spmem:s1], $0x4000  }
0xf0: {  	_ =	swait.ge [sflag:s28], $0x4000  }
0xf1: {  	[sflag:s28] =	ssyncset.done $0x0  }
0xf2: {  	s8 =	sor.u32 $0x38000, s6;
	[sflag:s28] =	ssyncadd.s32 $0xFFFFC000  }
0xf3: {  	s0 =	sadd.s32 s8, s3  }
0xf4: {  	[spmem:s4], [sflag:s18] =	dma.local [hbm:s0], $0x4000  }
0xf5: {  	_ =	swait.ge [sflag:s22], $0x4000  }
0xf6: {  	[sflag:s22] =	ssyncset.done $0x0  }
0xf7: {  	[sflag:s22] =	ssyncadd.s32 $0xFFFFC000  }
0xf8: {  	s4 =	sadd.s32 s30, s2;
	s0 =	simm.s32 $0x0  }
0xf9: {  	[hbm:s4], [sflag:s12] =	dma.local [spmem:s0], $0x4000  }
0xfa: {  	_ =	swait.ge [sflag:s29], $0x4000  }
0xfb: {  	[sflag:s29] =	ssyncset.done $0x0  }
0xfc: {  	s30 =	sor.u32 $0x3C000, s6;
	[sflag:s29] =	ssyncadd.s32 $0xFFFFC000  }
0xfd: {  	s13 =	sadd.s32 s30, s3  }
0xfe: {  	[spmem:s1], [sflag:s21] =	dma.local [hbm:s13], $0x4000  }
0xff: {  	_ =	swait.ge [sflag:s19], $0x4000  }
0x100: {  	[sflag:s19] =	ssyncset.done $0x0  }
0x101: {  	[sflag:s19] =	ssyncadd.s32 $0xFFFFC000  }
0x102: {  	s4 =	simm.s32 $0x4000;
	s1 =	sadd.s32 s31, s2  }
0x103: {  	[hbm:s1], [sflag:s20] =	dma.local [spmem:s4], $0x4000  }
0x104: {  	_ =	swait.ge [sflag:s12], $0x4000  }
0x105: {  	[sflag:s12] =	ssyncset.done $0x0  }
0x106: {  	s31 =	sor.u32 $0x40000, s6;
	[sflag:s12] =	ssyncadd.s32 $0xFFFFC000  }
0x107: {  	s13 =	sadd.s32 s31, s3  }
0x108: {  	[spmem:s0], [sflag:s22] =	dma.local [hbm:s13], $0x4000  }
0x109: {  	_ =	swait.ge [sflag:s14], $0x4000  }
0x10a: {  	[sflag:s14] =	ssyncset.done $0x0  }
0x10b: {  	[sflag:s14] =	ssyncadd.s32 $0xFFFFC000  }
0x10c: {  	s7 =	sadd.s32 s7, s2;
	s0 =	simm.s32 $0x8000  }
0x10d: {  	[hbm:s7], [sflag:s23] =	dma.local [spmem:s0], $0x4000  }
0x10e: {  	_ =	swait.ge [sflag:s20], $0x4000  }
0x10f: {  	[sflag:s20] =	ssyncset.done $0x0  }
0x110: {  	s7 =	sor.u32 $0x44000, s6;
	[sflag:s20] =	ssyncadd.s32 $0xFFFFC000  }
0x111: {  	s1 =	sadd.s32 s7, s3  }
0x112: {  	[spmem:s4], [sflag:s19] =	dma.local [hbm:s1], $0x4000  }
0x113: {  	_ =	swait.ge [sflag:s15], $0x4000  }
0x114: {  	[sflag:s15] =	ssyncset.done $0x0  }
0x115: {  	[sflag:s15] =	ssyncadd.s32 $0xFFFFC000  }
0x116: {  	s5 =	sadd.s32 s5, s2;
	s13 =	simm.s32 $0xC000  }
0x117: {  	[hbm:s5], [sflag:s24] =	dma.local [spmem:s13], $0x4000  }
0x118: {  	_ =	swait.ge [sflag:s23], $0x4000  }
0x119: {  	[sflag:s23] =	ssyncset.done $0x0  }
0x11a: {  	s5 =	sor.u32 $0x48000, s6;
	[sflag:s23] =	ssyncadd.s32 $0xFFFFC000  }
0x11b: {  	s4 =	sadd.s32 s5, s3  }
0x11c: {  	[spmem:s0], [sflag:s14] =	dma.local [hbm:s4], $0x4000  }
0x11d: {  	_ =	swait.ge [sflag:s16], $0x4000  }
0x11e: {  	[sflag:s16] =	ssyncset.done $0x0  }
0x11f: {  	[sflag:s16] =	ssyncadd.s32 $0xFFFFC000  }
0x120: {  	s10 =	sadd.s32 s11, s2;
	s0 =	simm.s32 $0x10000  }
0x121: {  	[hbm:s10], [sflag:s25] =	dma.local [spmem:s0], $0x4000  }
0x122: {  	_ =	swait.ge [sflag:s24], $0x4000  }
0x123: {  	[sflag:s24] =	ssyncset.done $0x0  }
0x124: {  	s4 =	sor.u32 $0x4C000, s6;
	[sflag:s24] =	ssyncadd.s32 $0xFFFFC000  }
0x125: {  	s11 =	sadd.s32 s4, s3  }
0x126: {  	[spmem:s13], [sflag:s15] =	dma.local [hbm:s11], $0x4000  }
0x127: {  	_ =	swait.ge [sflag:s17], $0x4000  }
0x128: {  	[sflag:s17] =	ssyncset.done $0x0  }
0x129: {  	[sflag:s17] =	ssyncadd.s32 $0xFFFFC000  }
0x12a: {  	s13 =	sadd.s32 s9, s2;
	s11 =	simm.s32 $0x14000  }
0x12b: {  	[hbm:s13], [sflag:s26] =	dma.local [spmem:s11], $0x4000  }
0x12c: {  	_ =	swait.ge [sflag:s25], $0x4000  }
0x12d: {  	[sflag:s25] =	ssyncset.done $0x0  }
0x12e: {  	s9 =	sor.u32 $0x50000, s6;
	[sflag:s25] =	ssyncadd.s32 $0xFFFFC000  }
0x12f: {  	s1 =	sadd.s32 s9, s3  }
0x130: {  	[spmem:s0], [sflag:s16] =	dma.local [hbm:s1], $0x4000  }
0x131: {  	_ =	swait.ge [sflag:s18], $0x4000  }
0x132: {  	[sflag:s18] =	ssyncset.done $0x0  }
0x133: {  	[sflag:s18] =	ssyncadd.s32 $0xFFFFC000  }
0x134: {  	s10 =	sadd.s32 s8, s2;
	s1 =	simm.s32 $0x18000  }
0x135: {  	[hbm:s10], [sflag:s28] =	dma.local [spmem:s1], $0x4000  }
0x136: {  	_ =	swait.ge [sflag:s26], $0x4000  }
0x137: {  	[sflag:s26] =	ssyncset.done $0x0  }
0x138: {  	s8 =	sor.u32 $0x54000, s6;
	[sflag:s26] =	ssyncadd.s32 $0xFFFFC000  }
0x139: {  	s13 =	sadd.s32 s8, s3  }
0x13a: {  	[spmem:s11], [sflag:s17] =	dma.local [hbm:s13], $0x4000  }
0x13b: {  	_ =	swait.ge [sflag:s21], $0x4000  }
0x13c: {  	[sflag:s21] =	ssyncset.done $0x0  }
0x13d: {  	[sflag:s21] =	ssyncadd.s32 $0xFFFFC000  }
0x13e: {  	s0 =	sadd.s32 s30, s2;
	s11 =	simm.s32 $0x1C000  }
0x13f: {  	[hbm:s0], [sflag:s29] =	dma.local [spmem:s11], $0x4000  }
0x140: {  	_ =	swait.ge [sflag:s28], $0x4000  }
0x141: {  	[sflag:s28] =	ssyncset.done $0x0  }
0x142: {  	s30 =	sor.u32 $0x58000, s6;
	[sflag:s28] =	ssyncadd.s32 $0xFFFFC000  }
0x143: {  	s13 =	sadd.s32 s30, s3  }
0x144: {  	[spmem:s1], [sflag:s18] =	dma.local [hbm:s13], $0x4000  }
0x145: {  	_ =	swait.ge [sflag:s22], $0x4000  }
0x146: {  	[sflag:s22] =	ssyncset.done $0x0  }
0x147: {  	[sflag:s22] =	ssyncadd.s32 $0xFFFFC000  }
0x148: {  	s31 =	sadd.s32 s31, s2;
	s0 =	simm.s32 $0x0  }
0x149: {  	[hbm:s31], [sflag:s12] =	dma.local [spmem:s0], $0x4000  }
0x14a: {  	_ =	swait.ge [sflag:s29], $0x4000  }
0x14b: {  	[sflag:s29] =	ssyncset.done $0x0  }
0x14c: {  	s31 =	sor.u32 $0x5C000, s6;
	[sflag:s29] =	ssyncadd.s32 $0xFFFFC000  }
0x14d: {  	s1 =	sadd.s32 s31, s3  }
0x14e: {  	[spmem:s11], [sflag:s21] =	dma.local [hbm:s1], $0x4000  }
0x14f: {  	_ =	swait.ge [sflag:s19], $0x4000  }
0x150: {  	[sflag:s19] =	ssyncset.done $0x0  }
0x151: {  	[sflag:s19] =	ssyncadd.s32 $0xFFFFC000  }
0x152: {  	s7 =	sadd.s32 s7, s2;
	s12 =	simm.s32 $0x11;
	s1 =	simm.s32 $0x4000  }
0x153: {  	[hbm:s7], [sflag:s20] =	dma.local [spmem:s1], $0x4000  }
0x154: {  	_ =	swait.ge [sflag:s12], $0x4000  }
0x155: {  	[sflag:s12] =	ssyncset.done $0x0  }
0x156: {  	s7 =	sor.u32 $0x60000, s6;
	[sflag:s12] =	ssyncadd.s32 $0xFFFFC000  }
0x157: {  	s13 =	sadd.s32 s7, s3  }
0x158: {  	[spmem:s0], [sflag:s22] =	dma.local [hbm:s13], $0x4000  }
0x159: {  	_ =	swait.ge [sflag:s14], $0x4000  }
0x15a: {  	[sflag:s14] =	ssyncset.done $0x0  }
0x15b: {  	[sflag:s14] =	ssyncadd.s32 $0xFFFFC000  }
0x15c: {  	s5 =	sadd.s32 s5, s2;
	s11 =	simm.s32 $0x8000  }
0x15d: {  	[hbm:s5], [sflag:s23] =	dma.local [spmem:s11], $0x4000  }
0x15e: {  	_ =	swait.ge [sflag:s20], $0x4000  }
0x15f: {  	[sflag:s20] =	ssyncset.done $0x0  }
0x160: {  	s13 =	sor.u32 $0x64000, s6;
	[sflag:s20] =	ssyncadd.s32 $0xFFFFC000  }
0x161: {  	s12 =	sadd.s32 s13, s3  }
0x162: {  	[spmem:s1], [sflag:s19] =	dma.local [hbm:s12], $0x4000  }
0x163: {  	_ =	swait.ge [sflag:s15], $0x4000  }
0x164: {  	[sflag:s15] =	ssyncset.done $0x0  }
0x165: {  	[sflag:s15] =	ssyncadd.s32 $0xFFFFC000  }
0x166: {  	s4 =	sadd.s32 s4, s2;
	s5 =	simm.s32 $0xC000  }
0x167: {  	[hbm:s4], [sflag:s24] =	dma.local [spmem:s5], $0x4000  }
0x168: {  	_ =	swait.ge [sflag:s23], $0x4000  }
0x169: {  	[sflag:s23] =	ssyncset.done $0x0  }
0x16a: {  	s12 =	sor.u32 $0x68000, s6;
	[sflag:s23] =	ssyncadd.s32 $0xFFFFC000  }
0x16b: {  	s4 =	sadd.s32 s12, s3  }
0x16c: {  	[spmem:s11], [sflag:s14] =	dma.local [hbm:s4], $0x4000  }
0x16d: {  	_ =	swait.ge [sflag:s16], $0x4000  }
0x16e: {  	[sflag:s16] =	ssyncset.done $0x0  }
0x16f: {  	[sflag:s16] =	ssyncadd.s32 $0xFFFFC000  }
0x170: {  	s11 =	sadd.s32 s9, s2;
	s9 =	simm.s32 $0x10000  }
0x171: {  	[hbm:s11], [sflag:s25] =	dma.local [spmem:s9], $0x4000  }
0x172: {  	_ =	swait.ge [sflag:s24], $0x4000  }
0x173: {  	[sflag:s24] =	ssyncset.done $0x0  }
0x174: {  	s11 =	sor.u32 $0x6C000, s6;
	[sflag:s24] =	ssyncadd.s32 $0xFFFFC000  }
0x175: {  	s0 =	sadd.s32 s11, s3  }
0x176: {  	[spmem:s5], [sflag:s15] =	dma.local [hbm:s0], $0x4000  }
0x177: {  	_ =	swait.ge [sflag:s17], $0x4000  }
0x178: {  	[sflag:s17] =	ssyncset.done $0x0  }
0x179: {  	[sflag:s17] =	ssyncadd.s32 $0xFFFFC000  }
0x17a: {  	s1 =	sadd.s32 s8, s2;
	s8 =	simm.s32 $0x14000  }
0x17b: {  	[hbm:s1], [sflag:s26] =	dma.local [spmem:s8], $0x4000  }
0x17c: {  	_ =	swait.ge [sflag:s25], $0x4000  }
0x17d: {  	[sflag:s25] =	ssyncset.done $0x0  }
0x17e: {  	s0 =	sor.u32 $0x70000, s6;
	[sflag:s25] =	ssyncadd.s32 $0xFFFFC000  }
0x17f: {  	s4 =	sadd.s32 s0, s3  }
0x180: {  	[spmem:s9], [sflag:s16] =	dma.local [hbm:s4], $0x4000  }
0x181: {  	_ =	swait.ge [sflag:s18], $0x4000  }
0x182: {  	[sflag:s18] =	ssyncset.done $0x0  }
0x183: {  	[sflag:s18] =	ssyncadd.s32 $0xFFFFC000  }
0x184: {  	s30 =	sadd.s32 s30, s2;
	s1 =	simm.s32 $0x18000  }
0x185: {  	[hbm:s30], [sflag:s28] =	dma.local [spmem:s1], $0x4000  }
0x186: {  	_ =	swait.ge [sflag:s26], $0x4000  }
0x187: {  	[sflag:s26] =	ssyncset.done $0x0  }
0x188: {  	s10 =	sor.u32 $0x74000, s6;
	[sflag:s26] =	ssyncadd.s32 $0xFFFFC000  }
0x189: {  	s4 =	sadd.s32 s10, s3  }
0x18a: {  	[spmem:s8], [sflag:s17] =	dma.local [hbm:s4], $0x4000  }
0x18b: {  	_ =	swait.ge [sflag:s21], $0x4000  }
0x18c: {  	[sflag:s21] =	ssyncset.done $0x0  }
0x18d: {  	[sflag:s21] =	ssyncadd.s32 $0xFFFFC000  }
0x18e: {  	s31 =	sadd.s32 s31, s2;
	s4 =	simm.s32 $0x1C000  }
0x18f: {  	[hbm:s31], [sflag:s29] =	dma.local [spmem:s4], $0x4000  }
0x190: {  	_ =	swait.ge [sflag:s28], $0x4000  }
0x191: {  	[sflag:s28] =	ssyncset.done $0x0  }
0x192: {  	s30 =	sor.u32 $0x78000, s6;
	[sflag:s28] =	ssyncadd.s32 $0xFFFFC000  }
0x193: {  	s31 =	sadd.s32 s30, s3  }
0x194: {  	[spmem:s1], [sflag:s18] =	dma.local [hbm:s31], $0x4000  }
0x195: {  	_ =	swait.ge [sflag:s22], $0x4000  }
0x196: {  	[sflag:s22] =	ssyncset.done $0x0  }
0x197: {  	[sflag:s22] =	ssyncadd.s32 $0xFFFFC000  }
0x198: {  	s7 =	sadd.s32 s7, s2;
	s1 =	simm.s32 $0x11;
	s22 =	simm.s32 $0x0  }
0x199: {  	[hbm:s7], [sflag:s1] =	dma.local [spmem:s22], $0x4000  }
0x19a: {  	_ =	swait.ge [sflag:s29], $0x4000  }
0x19b: {  	[sflag:s29] =	ssyncset.done $0x0  }
0x19c: {  	s6 =	sor.u32 $0x7C000, s6;
	[sflag:s29] =	ssyncadd.s32 $0xFFFFC000  }
0x19d: {  	s3 =	sadd.s32 s6, s3  }
0x19e: {  	[spmem:s4], [sflag:s21] =	dma.local [hbm:s3], $0x4000  }
0x19f: {  	_ =	swait.ge [sflag:s19], $0x4000  }
0x1a0: {  	[sflag:s19] =	ssyncset.done $0x0  }
0x1a1: {  	[sflag:s19] =	ssyncadd.s32 $0xFFFFC000  }
0x1a2: {  	s1 =	sadd.s32 s13, s2;
	s7 =	simm.s32 $0x4000  }
0x1a3: {  	[hbm:s1], [sflag:s20] =	dma.local [spmem:s7], $0x4000  }
0x1a4: {  	_ =	swait.ge [sflag:s14], $0x4000  }
0x1a5: {  	[sflag:s14] =	ssyncset.done $0x0  }
0x1a6: {  	[sflag:s14] =	ssyncadd.s32 $0xFFFFC000  }
0x1a7: {  	s13 =	sadd.s32 s12, s2;
	s14 =	simm.s32 $0x8000  }
0x1a8: {  	[hbm:s13], [sflag:s23] =	dma.local [spmem:s14], $0x4000  }
0x1a9: {  	_ =	swait.ge [sflag:s15], $0x4000  }
0x1aa: {  	[sflag:s15] =	ssyncset.done $0x0  }
0x1ab: {  	[sflag:s15] =	ssyncadd.s32 $0xFFFFC000  }
0x1ac: {  	s5 =	simm.s32 $0xC000;
	s15 =	sadd.s32 s11, s2  }
0x1ad: {  	[hbm:s15], [sflag:s24] =	dma.local [spmem:s5], $0x4000  }
0x1ae: {  	_ =	swait.ge [sflag:s16], $0x4000  }
0x1af: {  	[sflag:s16] =	ssyncset.done $0x0  }
0x1b0: {  	[sflag:s16] =	ssyncadd.s32 $0xFFFFC000  }
0x1b1: {  	s0 =	sadd.s32 s0, s2;
	s9 =	simm.s32 $0x10000  }
0x1b2: {  	[hbm:s0], [sflag:s25] =	dma.local [spmem:s9], $0x4000  }
0x1b3: {  	_ =	swait.ge [sflag:s17], $0x4000  }
0x1b4: {  	[sflag:s17] =	ssyncset.done $0x0  }
0x1b5: {  	[sflag:s17] =	ssyncadd.s32 $0xFFFFC000  }
0x1b6: {  	s8 =	simm.s32 $0x14000;
	s17 =	sadd.s32 s10, s2  }
0x1b7: {  	[hbm:s17], [sflag:s26] =	dma.local [spmem:s8], $0x4000  }
0x1b8: {  	_ =	swait.ge [sflag:s18], $0x4000  }
0x1b9: {  	[sflag:s18] =	ssyncset.done $0x0  }
0x1ba: {  	[sflag:s18] =	ssyncadd.s32 $0xFFFFC000  }
0x1bb: {  	s31 =	simm.s32 $0x18000;
	s19 =	sadd.s32 s30, s2  }
0x1bc: {  	[hbm:s19], [sflag:s28] =	dma.local [spmem:s31], $0x4000  }
0x1bd: {  	_ =	swait.ge [sflag:s21], $0x4000  }
0x1be: {  	[sflag:s21] =	ssyncset.done $0x0  }
0x1bf: {  	s22 =	simm.s32 $0x1C000;
	[sflag:s21] =	ssyncadd.s32 $0xFFFFC000;
	s21 =	sadd.s32 s6, s2  }
0x1c0: {  	[hbm:s21], [sflag:s29] =	dma.local [spmem:s22], $0x4000  }
0x1c1: {  	s22 =	simm.s32 $0x11  }
0x1c2: {  	_ =	swait.ge [sflag:s22], $0x4000  }
0x1c3: {  	[sflag:s22] =	ssyncset.done $0x0  }
0x1c4: {  	[sflag:s22] =	ssyncadd.s32 $0xFFFFC000;
	_ =	sdelay $0x2  }
0x1c5: {  	_ =	swait.ge [sflag:s20], $0x4000  }
0x1c6: {  	[sflag:s20] =	ssyncset.done $0x0  }
0x1c7: {  	[sflag:s20] =	ssyncadd.s32 $0xFFFFC000;
	_ =	sdelay $0x2  }
0x1c8: {  	_ =	swait.ge [sflag:s23], $0x4000  }
0x1c9: {  	[sflag:s23] =	ssyncset.done $0x0  }
0x1ca: {  	[sflag:s23] =	ssyncadd.s32 $0xFFFFC000;
	_ =	sdelay $0x2  }
0x1cb: {  	_ =	swait.ge [sflag:s24], $0x4000  }
0x1cc: {  	[sflag:s24] =	ssyncset.done $0x0  }
0x1cd: {  	[sflag:s24] =	ssyncadd.s32 $0xFFFFC000;
	_ =	sdelay $0x2  }
0x1ce: {  	_ =	swait.ge [sflag:s25], $0x4000  }
0x1cf: {  	[sflag:s25] =	ssyncset.done $0x0  }
0x1d0: {  	[sflag:s25] =	ssyncadd.s32 $0xFFFFC000;
	_ =	sdelay $0x2  }
0x1d1: {  	_ =	swait.ge [sflag:s26], $0x4000  }
0x1d2: {  	[sflag:s26] =	ssyncset.done $0x0  }
0x1d3: {  	[sflag:s26] =	ssyncadd.s32 $0xFFFFC000;
	_ =	sdelay $0x2  }
0x1d4: {  	_ =	swait.ge [sflag:s28], $0x4000  }
0x1d5: {  	[sflag:s28] =	ssyncset.done $0x0  }
0x1d6: {  	[sflag:s28] =	ssyncadd.s32 $0xFFFFC000;
	_ =	sdelay $0x2  }
0x1d7: {  	_ =	swait.ge [sflag:s29], $0x4000  }
0x1d8: {  	[sflag:s29] =	ssyncset.done $0x0  }
0x1d9: {  	[sflag:s29] =	ssyncadd.s32 $0xFFFFC000  }
0x1da: {  	_ =	strace $0x90000046  }
0x1db: {  	_ =	sfence  }
0x1dc: {  	s28 =	sld [smem:$0x0];
	_ =	sdelay $0x1  }
0x1dd: {  	s29 =	srdreg.scid  }
0x1de: {  	s30 =	sshll.u32 s29, $0xD;
	s2 =	sshrl.u32 s29, $0x2  }
0x1df: {  	s1 =	sand.u32 $0x4000, s30;
	s31 =	rddreg [dreg:$0x0];
	s0 =	sadd.s32 s2, s28  }
0x1e0: {  	s1 =	sor.u32 s1, s31;
	s0 =	sshll.u32 s0, $0x11  }
0x1e1: {  	s0 =	sor.u32 s0, s1  }
0x1e2: {  	s0 =	sadd.s32 $0x8F2B, s0;
	(pc) =	sbr.abs _section_cstart, $3  }
0x1e3: {  	[sflag:s0] =	ssyncadd.remote.s32 $0x1  }
0x1e4: {  	_ =	strace $0x9FFFFFFF  }
0x1e5: {  	(tm) =	ssettm $0x7FFFFFFF  }

</sc_bundles>
